<compile_context>
chip_gen: v7x
topology: tpu7x:2x2x1
jax: 0.10.2.dev20260603
libtpu: 0.0.44.dev20260713+nightly
codegen_flags: <defaults>
</compile_context>

<pallas_src>
import math

import jax
import jax.numpy as jnp
import numpy as np
from jax import lax
from jax.experimental import pallas as pl
from jax.experimental.pallas import tpu as pltpu
from jax.experimental.pallas import tpu_sc as plsc

EMBED = 1024
HALF = EMBED // 2
PAD = 1
BATCH = 4
SEQ = 8192
SCALE = math.log(10000.0) / (HALF - 1)

V_PAD = 8208
ZROWS = 8192
NC, NS, L = 2, 16, 16
NW = NC * NS
FLAT = BATCH * SEQ
SW = SEQ // NW
CH = 32
NCH = SW // CH
NBUF = 3


def _make_table() -> np.ndarray:
    freqs = np.exp(np.arange(HALF, dtype=np.float32) * np.float32(-SCALE))
    pos = np.arange(2, SEQ + 2, dtype=np.float32)
    ang = pos[:, None] * freqs[None, :]
    tab = np.zeros((V_PAD, EMBED), dtype=np.float32)
    tab[:SEQ, :HALF] = np.sin(ang)
    tab[:SEQ, HALF:] = np.cos(ang)
    return tab


_TABLE = _make_table()


def _sc_body(x_hbm, tab_hbm, out_hbm, x_v, buf_v, zbuf_v, zidx_v, *sems):
    gsems, psems = sems[:NBUF], sems[NBUF:NBUF + NBUF]
    fsem, xsem = sems[2 * NBUF], sems[2 * NBUF + 1]
    wid = lax.axis_index("s") * NC + lax.axis_index("c")
    s_base = wid * SW

    def start_gather(c, b):
        pltpu.async_copy(
            tab_hbm.at[pl.ds(s_base + c * CH, CH)], buf_v.at[b], gsems[b]
        )

    def wait_gather(b):
        pltpu.make_async_copy(
            tab_hbm.at[pl.ds(0, CH)], buf_v.at[b], gsems[b]
        ).wait()

    def start_puts(c, b):
        for bb in range(BATCH):
            pltpu.async_copy(
                buf_v.at[b],
                out_hbm.at[pl.ds(bb * SEQ + s_base + c * CH, CH)],
                psems[b],
            )

    def wait_puts(b):
        for _ in range(BATCH):
            pltpu.make_async_copy(
                buf_v.at[b], out_hbm.at[pl.ds(0, CH)], psems[b]
            ).wait()

    for c in range(NBUF):
        start_gather(c, c)
    for bb in range(BATCH):
        pltpu.async_copy(x_hbm.at[pl.ds(bb * SEQ + s_base, SW)],
                         x_v.at[bb], xsem)
    pltpu.async_copy(tab_hbm.at[pl.ds(ZROWS, L)], zbuf_v, xsem)
    for c in range(NCH):
        b = c % NBUF
        wait_gather(b)
        start_puts(c, b)
        nc = c + 2
        if NBUF <= nc < NCH:
            bn = nc % NBUF
            wait_puts(bn)
            start_gather(nc, bn)
    for c in range(NCH - NBUF, NCH):
        wait_puts(c % NBUF)

    for bb in range(BATCH):
        pltpu.make_async_copy(x_hbm.at[pl.ds(0, SW)], x_v.at[bb], xsem).wait()
    pltpu.make_async_copy(tab_hbm.at[pl.ds(ZROWS, L)], zbuf_v, xsem).wait()

    iota = lax.iota(jnp.int32, L)
    for bb in range(BATCH):
        out_base = bb * SEQ + s_base

        @pl.loop(0, SW // L)
        def _(v):
            xv = x_v[bb, pl.ds(v * L, L)]
            pm = xv == PAD
            npad = jnp.sum(jnp.where(pm, 1, 0))

            @pl.when(npad > 0)
            def _():
                rows = out_base + v * L + iota
                first = out_base + v * L + plsc.all_reduce_ffs(pm)
                zidx_v[0, :] = jnp.where(pm, rows, first)
                pltpu.async_copy(zbuf_v, out_hbm.at[zidx_v.at[0]], fsem).wait()


def kernel(x):
    tab = jnp.asarray(_TABLE)
    mesh = plsc.VectorSubcoreMesh(core_axis_name="c", subcore_axis_name="s")
    sck = pl.kernel(
        _sc_body,
        out_type=jax.ShapeDtypeStruct((FLAT, EMBED), jnp.float32),
        mesh=mesh,
        scratch_types=[
            pltpu.VMEM((BATCH, SW), jnp.int32),
            pltpu.VMEM((NBUF, CH, EMBED), jnp.float32),
            pltpu.VMEM((L, EMBED), jnp.float32),
            pltpu.VMEM((1, L), jnp.int32),
        ] + [pltpu.SemaphoreType.DMA] * (2 * NBUF + 2),
        compiler_params=pltpu.CompilerParams(needs_layout_passes=False),
    )
    out = sck(x.reshape(FLAT), tab)
    return out.reshape(BATCH, SEQ, EMBED)

# --- scband reference (transcript-rebuilt; emitter-appended) ---
"""Pipeline reference for scband-sinusoidal-positional-embedding-80161269612817 (READ-ONLY COPY).

The authoritative reference and input builder live on the scoring server;
editing this copy changes nothing except your own understanding.
"""

import math
import jax, jax.numpy as jnp
import numpy as np

EMBED_DIM = 1024
PADDING_IDX = 1
BATCH = 4
SEQ_LEN = 8192


def get_embedding(num_embeddings: int, embed_dim: int, padding_idx: int) -> jnp.ndarray:
    half_dim = embed_dim // 2
    scale = math.log(10000.0) / (half_dim - 1)
    freqs = jnp.exp(jnp.arange(half_dim, dtype=jnp.float32) * -scale)
    angles = jnp.arange(num_embeddings, dtype=jnp.float32)[:, None] * freqs[None, :]
    emb = jnp.concatenate([jnp.sin(angles), jnp.cos(angles)], axis=1)
    emb = emb.reshape(num_embeddings, -1)
    if embed_dim % 2 == 1:
        emb = jnp.concatenate([emb, jnp.zeros((num_embeddings, 1), dtype=jnp.float32)], axis=1)
    if padding_idx is not None:
        emb = emb.at[padding_idx, :].set(0.0)
    return emb


def setup_inputs(seed: int = 0) -> dict:
    key = jax.random.key(seed)
    x = jax.random.randint(key, (BATCH, SEQ_LEN), 0, 32000, dtype=jnp.int32)
    return {"x": x}


def reference(x: jnp.ndarray) -> jnp.ndarray:
    bsz, seq_len = x.shape
    max_pos = PADDING_IDX + 1 + seq_len
    weights = get_embedding(max_pos, EMBED_DIM, PADDING_IDX)
    # make_positions
    mask = (x != PADDING_IDX).astype(jnp.int32)
    range_buf = jnp.arange(seq_len, dtype=jnp.int32)[None, :] + PADDING_IDX + 1
    range_buf = jnp.broadcast_to(range_buf, x.shape)
    positions = range_buf * mask + PADDING_IDX * (1 - mask)
    # gather: weights.index_select(0, positions.view(-1)) then reshape (b s d)
    flat = jnp.take(weights, positions.reshape(-1), axis=0)
    out = flat.reshape(bsz, seq_len, EMBED_DIM)
    return out

if __name__ == "__main__":
    import jax
    _d = setup_inputs()
    print(jax.jit(kernel)(*tuple(_d.values())))

</pallas_src>

<mosaic_0001>
#map = affine_map<(d0, d1) -> (0)>
#map1 = affine_map<(d0, d1) -> (0, 0)>
module attributes {stable_mosaic.version = 14 : i64} {
  func.func @_sc_body(%arg0: i32, %arg1: i32, %arg2: memref<32768xi32, #tpu.memory_space<hbm>>, %arg3: memref<8208x1024xf32, #tpu.memory_space<hbm>>, %arg4: memref<32768x1024xf32, #tpu.memory_space<hbm>>, %arg5: memref<4x256xi32, #tpu.memory_space<vmem>>, %arg6: memref<3x32x1024xf32, #tpu.memory_space<vmem>>, %arg7: memref<16x1024xf32, #tpu.memory_space<vmem>>, %arg8: memref<1x16xi32, #tpu.memory_space<vmem>>, %arg9: memref<!tpu.dma_semaphore, #tpu.memory_space<semaphore_mem>>, %arg10: memref<!tpu.dma_semaphore, #tpu.memory_space<semaphore_mem>>, %arg11: memref<!tpu.dma_semaphore, #tpu.memory_space<semaphore_mem>>, %arg12: memref<!tpu.dma_semaphore, #tpu.memory_space<semaphore_mem>>, %arg13: memref<!tpu.dma_semaphore, #tpu.memory_space<semaphore_mem>>, %arg14: memref<!tpu.dma_semaphore, #tpu.memory_space<semaphore_mem>>, %arg15: memref<!tpu.dma_semaphore, #tpu.memory_space<semaphore_mem>>, %arg16: memref<!tpu.dma_semaphore, #tpu.memory_space<semaphore_mem>>) attributes {dimension_semantics = [#tpu.dimension_semantics<core_parallel>, #tpu.dimension_semantics<subcore_parallel>], iteration_bounds = array<i64: 2, 16>, scalar_prefetch = 0 : i64, scratch_operands = 12 : i64, tpu.core_type = #tpu.core_type<sc_vector_subcore>, window_params = [{transform_indices = #map}, {transform_indices = #map1}, {transform_indices = #map1}]} {
    %mul3A = arith.constant 2 : i32
    %mul3A_0 = arith.muli %arg1, %mul3A : i32
    %add3A = arith.addi %mul3A_0, %arg0 : i32
    %mul3A_1 = arith.constant 256 : i32
    %mul3A_2 = arith.muli %add3A, %mul3A_1 : i32
    %add3A_3 = arith.constant 0 : i32
    %add3A_4 = arith.addi %mul3A_2, %add3A_3 : i32
    %dma_start3A = arith.constant 0 : i32
    %dma_start3A_5 = arith.constant 0 : i32
    %dma_start3A_6 = arith.constant 0 : i32
    %dma_start3A_7 = tpu.memref_slice %arg6[%dma_start3A, %dma_start3A_5, %dma_start3A_6] : memref<3x32x1024xf32, #tpu.memory_space<vmem>> -> memref<1x32x1024xf32, #tpu.memory_space<vmem>>
    %dma_start3A_8 = tpu.memref_squeeze %dma_start3A_7 : memref<1x32x1024xf32, #tpu.memory_space<vmem>> -> memref<32x1024xf32, #tpu.memory_space<vmem>>
    %dma_start3A_9 = arith.constant 0 : i32
    %dma_start3A_10 = tpu.memref_slice %arg3[%add3A_4, %dma_start3A_9] : memref<8208x1024xf32, #tpu.memory_space<hbm>> -> memref<32x1024xf32, #tpu.memory_space<hbm>>
    %dma_start3A_11 = arith.constant 0 : i32
    %dma_start3A_12 = arith.constant 0 : i32
    %dma_start3A_13 = tpu.memref_slice %arg6[%dma_start3A, %dma_start3A_11, %dma_start3A_12] : memref<3x32x1024xf32, #tpu.memory_space<vmem>> -> memref<1x32x1024xf32, #tpu.memory_space<vmem>>
    %dma_start3A_14 = tpu.memref_squeeze %dma_start3A_13 : memref<1x32x1024xf32, #tpu.memory_space<vmem>> -> memref<32x1024xf32, #tpu.memory_space<vmem>>
    %dma_start3A_15 = arith.constant 0 : i32
    %dma_start3A_16 = tpu.memref_slice %arg3[%add3A_4, %dma_start3A_15] : memref<8208x1024xf32, #tpu.memory_space<hbm>> -> memref<32x1024xf32, #tpu.memory_space<hbm>>
    tpu.enqueue_dma source(%dma_start3A_16 : memref<32x1024xf32, #tpu.memory_space<hbm>>) target(%dma_start3A_14 : memref<32x1024xf32, #tpu.memory_space<vmem>>) target_semaphore(%arg9 : memref<!tpu.dma_semaphore, #tpu.memory_space<semaphore_mem>>)
    %add3A_17 = arith.constant 32 : i32
    %add3A_18 = arith.addi %mul3A_2, %add3A_17 : i32
    %dma_start3A_19 = arith.constant 1 : i32
    %dma_start3A_20 = arith.constant 0 : i32
    %dma_start3A_21 = arith.constant 0 : i32
    %dma_start3A_22 = tpu.memref_slice %arg6[%dma_start3A_19, %dma_start3A_20, %dma_start3A_21] : memref<3x32x1024xf32, #tpu.memory_space<vmem>> -> memref<1x32x1024xf32, #tpu.memory_space<vmem>>
    %dma_start3A_23 = tpu.memref_squeeze %dma_start3A_22 : memref<1x32x1024xf32, #tpu.memory_space<vmem>> -> memref<32x1024xf32, #tpu.memory_space<vmem>>
    %dma_start3A_24 = arith.constant 0 : i32
    %dma_start3A_25 = tpu.memref_slice %arg3[%add3A_18, %dma_start3A_24] : memref<8208x1024xf32, #tpu.memory_space<hbm>> -> memref<32x1024xf32, #tpu.memory_space<hbm>>
    %dma_start3A_26 = arith.constant 0 : i32
    %dma_start3A_27 = arith.constant 0 : i32
    %dma_start3A_28 = tpu.memref_slice %arg6[%dma_start3A_19, %dma_start3A_26, %dma_start3A_27] : memref<3x32x1024xf32, #tpu.memory_space<vmem>> -> memref<1x32x1024xf32, #tpu.memory_space<vmem>>
    %dma_start3A_29 = tpu.memref_squeeze %dma_start3A_28 : memref<1x32x1024xf32, #tpu.memory_space<vmem>> -> memref<32x1024xf32, #tpu.memory_space<vmem>>
    %dma_start3A_30 = arith.constant 0 : i32
    %dma_start3A_31 = tpu.memref_slice %arg3[%add3A_18, %dma_start3A_30] : memref<8208x1024xf32, #tpu.memory_space<hbm>> -> memref<32x1024xf32, #tpu.memory_space<hbm>>
    tpu.enqueue_dma source(%dma_start3A_31 : memref<32x1024xf32, #tpu.memory_space<hbm>>) target(%dma_start3A_29 : memref<32x1024xf32, #tpu.memory_space<vmem>>) target_semaphore(%arg10 : memref<!tpu.dma_semaphore, #tpu.memory_space<semaphore_mem>>)
    %add3A_32 = arith.constant 64 : i32
    %add3A_33 = arith.addi %mul3A_2, %add3A_32 : i32
    %dma_start3A_34 = arith.constant 2 : i32
    %dma_start3A_35 = arith.constant 0 : i32
    %dma_start3A_36 = arith.constant 0 : i32
    %dma_start3A_37 = tpu.memref_slice %arg6[%dma_start3A_34, %dma_start3A_35, %dma_start3A_36] : memref<3x32x1024xf32, #tpu.memory_space<vmem>> -> memref<1x32x1024xf32, #tpu.memory_space<vmem>>
    %dma_start3A_38 = tpu.memref_squeeze %dma_start3A_37 : memref<1x32x1024xf32, #tpu.memory_space<vmem>> -> memref<32x1024xf32, #tpu.memory_space<vmem>>
    %dma_start3A_39 = arith.constant 0 : i32
    %dma_start3A_40 = tpu.memref_slice %arg3[%add3A_33, %dma_start3A_39] : memref<8208x1024xf32, #tpu.memory_space<hbm>> -> memref<32x1024xf32, #tpu.memory_space<hbm>>
    %dma_start3A_41 = arith.constant 0 : i32
    %dma_start3A_42 = arith.constant 0 : i32
    %dma_start3A_43 = tpu.memref_slice %arg6[%dma_start3A_34, %dma_start3A_41, %dma_start3A_42] : memref<3x32x1024xf32, #tpu.memory_space<vmem>> -> memref<1x32x1024xf32, #tpu.memory_space<vmem>>
    %dma_start3A_44 = tpu.memref_squeeze %dma_start3A_43 : memref<1x32x1024xf32, #tpu.memory_space<vmem>> -> memref<32x1024xf32, #tpu.memory_space<vmem>>
    %dma_start3A_45 = arith.constant 0 : i32
    %dma_start3A_46 = tpu.memref_slice %arg3[%add3A_33, %dma_start3A_45] : memref<8208x1024xf32, #tpu.memory_space<hbm>> -> memref<32x1024xf32, #tpu.memory_space<hbm>>
    tpu.enqueue_dma source(%dma_start3A_46 : memref<32x1024xf32, #tpu.memory_space<hbm>>) target(%dma_start3A_44 : memref<32x1024xf32, #tpu.memory_space<vmem>>) target_semaphore(%arg11 : memref<!tpu.dma_semaphore, #tpu.memory_space<semaphore_mem>>)
    %add3A_47 = arith.constant 0 : i32
    %add3A_48 = arith.addi %add3A_47, %mul3A_2 : i32
    %dma_start3A_49 = arith.constant 0 : i32
    %dma_start3A_50 = arith.constant 0 : i32
    %dma_start3A_51 = tpu.memref_slice %arg5[%dma_start3A_49, %dma_start3A_50] : memref<4x256xi32, #tpu.memory_space<vmem>> -> memref<1x256xi32, #tpu.memory_space<vmem>>
    %dma_start3A_52 = tpu.memref_squeeze %dma_start3A_51 : memref<1x256xi32, #tpu.memory_space<vmem>> -> memref<256xi32, #tpu.memory_space<vmem>>
    %dma_start3A_53 = tpu.memref_slice %arg2[%add3A_48] : memref<32768xi32, #tpu.memory_space<hbm>> -> memref<256xi32, #tpu.memory_space<hbm>>
    %dma_start3A_54 = arith.constant 0 : i32
    %dma_start3A_55 = tpu.memref_slice %arg5[%dma_start3A_49, %dma_start3A_54] : memref<4x256xi32, #tpu.memory_space<vmem>> -> memref<1x256xi32, #tpu.memory_space<vmem>>
    %dma_start3A_56 = tpu.memref_squeeze %dma_start3A_55 : memref<1x256xi32, #tpu.memory_space<vmem>> -> memref<256xi32, #tpu.memory_space<vmem>>
    %dma_start3A_57 = tpu.memref_slice %arg2[%add3A_48] : memref<32768xi32, #tpu.memory_space<hbm>> -> memref<256xi32, #tpu.memory_space<hbm>>
    tpu.enqueue_dma source(%dma_start3A_57 : memref<256xi32, #tpu.memory_space<hbm>>) target(%dma_start3A_56 : memref<256xi32, #tpu.memory_space<vmem>>) target_semaphore(%arg16 : memref<!tpu.dma_semaphore, #tpu.memory_space<semaphore_mem>>)
    %add3A_58 = arith.constant 8192 : i32
    %add3A_59 = arith.addi %add3A_58, %mul3A_2 : i32
    %dma_start3A_60 = arith.constant 1 : i32
    %dma_start3A_61 = arith.constant 0 : i32
    %dma_start3A_62 = tpu.memref_slice %arg5[%dma_start3A_60, %dma_start3A_61] : memref<4x256xi32, #tpu.memory_space<vmem>> -> memref<1x256xi32, #tpu.memory_space<vmem>>
    %dma_start3A_63 = tpu.memref_squeeze %dma_start3A_62 : memref<1x256xi32, #tpu.memory_space<vmem>> -> memref<256xi32, #tpu.memory_space<vmem>>
    %dma_start3A_64 = tpu.memref_slice %arg2[%add3A_59] : memref<32768xi32, #tpu.memory_space<hbm>> -> memref<256xi32, #tpu.memory_space<hbm>>
    %dma_start3A_65 = arith.constant 0 : i32
    %dma_start3A_66 = tpu.memref_slice %arg5[%dma_start3A_60, %dma_start3A_65] : memref<4x256xi32, #tpu.memory_space<vmem>> -> memref<1x256xi32, #tpu.memory_space<vmem>>
    %dma_start3A_67 = tpu.memref_squeeze %dma_start3A_66 : memref<1x256xi32, #tpu.memory_space<vmem>> -> memref<256xi32, #tpu.memory_space<vmem>>
    %dma_start3A_68 = tpu.memref_slice %arg2[%add3A_59] : memref<32768xi32, #tpu.memory_space<hbm>> -> memref<256xi32, #tpu.memory_space<hbm>>
    tpu.enqueue_dma source(%dma_start3A_68 : memref<256xi32, #tpu.memory_space<hbm>>) target(%dma_start3A_67 : memref<256xi32, #tpu.memory_space<vmem>>) target_semaphore(%arg16 : memref<!tpu.dma_semaphore, #tpu.memory_space<semaphore_mem>>)
    %add3A_69 = arith.constant 16384 : i32
    %add3A_70 = arith.addi %add3A_69, %mul3A_2 : i32
    %dma_start3A_71 = arith.constant 2 : i32
    %dma_start3A_72 = arith.constant 0 : i32
    %dma_start3A_73 = tpu.memref_slice %arg5[%dma_start3A_71, %dma_start3A_72] : memref<4x256xi32, #tpu.memory_space<vmem>> -> memref<1x256xi32, #tpu.memory_space<vmem>>
    %dma_start3A_74 = tpu.memref_squeeze %dma_start3A_73 : memref<1x256xi32, #tpu.memory_space<vmem>> -> memref<256xi32, #tpu.memory_space<vmem>>
    %dma_start3A_75 = tpu.memref_slice %arg2[%add3A_70] : memref<32768xi32, #tpu.memory_space<hbm>> -> memref<256xi32, #tpu.memory_space<hbm>>
    %dma_start3A_76 = arith.constant 0 : i32
    %dma_start3A_77 = tpu.memref_slice %arg5[%dma_start3A_71, %dma_start3A_76] : memref<4x256xi32, #tpu.memory_space<vmem>> -> memref<1x256xi32, #tpu.memory_space<vmem>>
    %dma_start3A_78 = tpu.memref_squeeze %dma_start3A_77 : memref<1x256xi32, #tpu.memory_space<vmem>> -> memref<256xi32, #tpu.memory_space<vmem>>
    %dma_start3A_79 = tpu.memref_slice %arg2[%add3A_70] : memref<32768xi32, #tpu.memory_space<hbm>> -> memref<256xi32, #tpu.memory_space<hbm>>
    tpu.enqueue_dma source(%dma_start3A_79 : memref<256xi32, #tpu.memory_space<hbm>>) target(%dma_start3A_78 : memref<256xi32, #tpu.memory_space<vmem>>) target_semaphore(%arg16 : memref<!tpu.dma_semaphore, #tpu.memory_space<semaphore_mem>>)
    %add3A_80 = arith.constant 24576 : i32
    %add3A_81 = arith.addi %add3A_80, %mul3A_2 : i32
    %dma_start3A_82 = arith.constant 3 : i32
    %dma_start3A_83 = arith.constant 0 : i32
    %dma_start3A_84 = tpu.memref_slice %arg5[%dma_start3A_82, %dma_start3A_83] : memref<4x256xi32, #tpu.memory_space<vmem>> -> memref<1x256xi32, #tpu.memory_space<vmem>>
    %dma_start3A_85 = tpu.memref_squeeze %dma_start3A_84 : memref<1x256xi32, #tpu.memory_space<vmem>> -> memref<256xi32, #tpu.memory_space<vmem>>
    %dma_start3A_86 = tpu.memref_slice %arg2[%add3A_81] : memref<32768xi32, #tpu.memory_space<hbm>> -> memref<256xi32, #tpu.memory_space<hbm>>
    %dma_start3A_87 = arith.constant 0 : i32
    %dma_start3A_88 = tpu.memref_slice %arg5[%dma_start3A_82, %dma_start3A_87] : memref<4x256xi32, #tpu.memory_space<vmem>> -> memref<1x256xi32, #tpu.memory_space<vmem>>
    %dma_start3A_89 = tpu.memref_squeeze %dma_start3A_88 : memref<1x256xi32, #tpu.memory_space<vmem>> -> memref<256xi32, #tpu.memory_space<vmem>>
    %dma_start3A_90 = tpu.memref_slice %arg2[%add3A_81] : memref<32768xi32, #tpu.memory_space<hbm>> -> memref<256xi32, #tpu.memory_space<hbm>>
    tpu.enqueue_dma source(%dma_start3A_90 : memref<256xi32, #tpu.memory_space<hbm>>) target(%dma_start3A_89 : memref<256xi32, #tpu.memory_space<vmem>>) target_semaphore(%arg16 : memref<!tpu.dma_semaphore, #tpu.memory_space<semaphore_mem>>)
    %dma_start3A_91 = arith.constant 8192 : i32
    %dma_start3A_92 = arith.constant 0 : i32
    %dma_start3A_93 = tpu.memref_slice %arg3[%dma_start3A_91, %dma_start3A_92] : memref<8208x1024xf32, #tpu.memory_space<hbm>> -> memref<16x1024xf32, #tpu.memory_space<hbm>>
    %dma_start3A_94 = arith.constant 8192 : i32
    %dma_start3A_95 = arith.constant 0 : i32
    %dma_start3A_96 = tpu.memref_slice %arg3[%dma_start3A_94, %dma_start3A_95] : memref<8208x1024xf32, #tpu.memory_space<hbm>> -> memref<16x1024xf32, #tpu.memory_space<hbm>>
    tpu.enqueue_dma source(%dma_start3A_96 : memref<16x1024xf32, #tpu.memory_space<hbm>>) target(%arg7 : memref<16x1024xf32, #tpu.memory_space<vmem>>) target_semaphore(%arg16 : memref<!tpu.dma_semaphore, #tpu.memory_space<semaphore_mem>>)
    %dma_wait3A = arith.constant 0 : i32
    %dma_wait3A_97 = arith.constant 0 : i32
    %dma_wait3A_98 = arith.constant 0 : i32
    %dma_wait3A_99 = tpu.memref_slice %arg6[%dma_wait3A, %dma_wait3A_97, %dma_wait3A_98] : memref<3x32x1024xf32, #tpu.memory_space<vmem>> -> memref<1x32x1024xf32, #tpu.memory_space<vmem>>
    %dma_wait3A_100 = tpu.memref_squeeze %dma_wait3A_99 : memref<1x32x1024xf32, #tpu.memory_space<vmem>> -> memref<32x1024xf32, #tpu.memory_space<vmem>>
    %dma_wait3A_101 = arith.constant 0 : i32
    %dma_wait3A_102 = arith.constant 0 : i32
    %dma_wait3A_103 = tpu.memref_slice %arg3[%dma_wait3A_101, %dma_wait3A_102] : memref<8208x1024xf32, #tpu.memory_space<hbm>> -> memref<32x1024xf32, #tpu.memory_space<hbm>>
    %dma_wait3A_104 = arith.constant 0 : i32
    %dma_wait3A_105 = arith.constant 0 : i32
    %dma_wait3A_106 = tpu.memref_slice %arg6[%dma_wait3A, %dma_wait3A_104, %dma_wait3A_105] : memref<3x32x1024xf32, #tpu.memory_space<vmem>> -> memref<1x32x1024xf32, #tpu.memory_space<vmem>>
    %dma_wait3A_107 = tpu.memref_squeeze %dma_wait3A_106 : memref<1x32x1024xf32, #tpu.memory_space<vmem>> -> memref<32x1024xf32, #tpu.memory_space<vmem>>
    %dma_wait3A_108 = arith.constant 0 : i32
    %dma_wait3A_109 = arith.constant 0 : i32
    %dma_wait3A_110 = tpu.memref_slice %arg3[%dma_wait3A_108, %dma_wait3A_109] : memref<8208x1024xf32, #tpu.memory_space<hbm>> -> memref<32x1024xf32, #tpu.memory_space<hbm>>
    tpu.wait_dma2 semaphore(%arg9 : memref<!tpu.dma_semaphore, #tpu.memory_space<semaphore_mem>>) src(%dma_wait3A_110 : memref<32x1024xf32, #tpu.memory_space<hbm>>) dst(%dma_wait3A_107 : memref<32x1024xf32, #tpu.memory_space<vmem>>)
    %add3A_111 = arith.constant 0 : i32
    %add3A_112 = arith.addi %add3A_111, %mul3A_2 : i32
    %add3A_113 = arith.constant 0 : i32
    %add3A_114 = arith.addi %add3A_112, %add3A_113 : i32
    %dma_start3A_115 = arith.constant 0 : i32
    %dma_start3A_116 = arith.constant 0 : i32
    %dma_start3A_117 = arith.constant 0 : i32
    %dma_start3A_118 = tpu.memref_slice %arg6[%dma_start3A_115, %dma_start3A_116, %dma_start3A_117] : memref<3x32x1024xf32, #tpu.memory_space<vmem>> -> memref<1x32x1024xf32, #tpu.memory_space<vmem>>
    %dma_start3A_119 = tpu.memref_squeeze %dma_start3A_118 : memref<1x32x1024xf32, #tpu.memory_space<vmem>> -> memref<32x1024xf32, #tpu.memory_space<vmem>>
    %dma_start3A_120 = arith.constant 0 : i32
    %dma_start3A_121 = tpu.memref_slice %arg4[%add3A_114, %dma_start3A_120] : memref<32768x1024xf32, #tpu.memory_space<hbm>> -> memref<32x1024xf32, #tpu.memory_space<hbm>>
    %dma_start3A_122 = arith.constant 0 : i32
    %dma_start3A_123 = tpu.memref_slice %arg4[%add3A_114, %dma_start3A_122] : memref<32768x1024xf32, #tpu.memory_space<hbm>> -> memref<32x1024xf32, #tpu.memory_space<hbm>>
    %dma_start3A_124 = arith.constant 0 : i32
    %dma_start3A_125 = arith.constant 0 : i32
    %dma_start3A_126 = tpu.memref_slice %arg6[%dma_start3A_115, %dma_start3A_124, %dma_start3A_125] : memref<3x32x1024xf32, #tpu.memory_space<vmem>> -> memref<1x32x1024xf32, #tpu.memory_space<vmem>>
    %dma_start3A_127 = tpu.memref_squeeze %dma_start3A_126 : memref<1x32x1024xf32, #tpu.memory_space<vmem>> -> memref<32x1024xf32, #tpu.memory_space<vmem>>
    tpu.enqueue_dma source(%dma_start3A_127 : memref<32x1024xf32, #tpu.memory_space<vmem>>) target(%dma_start3A_123 : memref<32x1024xf32, #tpu.memory_space<hbm>>) target_semaphore(%arg12 : memref<!tpu.dma_semaphore, #tpu.memory_space<semaphore_mem>>)
    %add3A_128 = arith.constant 8192 : i32
    %add3A_129 = arith.addi %add3A_128, %mul3A_2 : i32
    %add3A_130 = arith.constant 0 : i32
    %add3A_131 = arith.addi %add3A_129, %add3A_130 : i32
    %dma_start3A_132 = arith.constant 0 : i32
    %dma_start3A_133 = arith.constant 0 : i32
    %dma_start3A_134 = arith.constant 0 : i32
    %dma_start3A_135 = tpu.memref_slice %arg6[%dma_start3A_132, %dma_start3A_133, %dma_start3A_134] : memref<3x32x1024xf32, #tpu.memory_space<vmem>> -> memref<1x32x1024xf32, #tpu.memory_space<vmem>>
    %dma_start3A_136 = tpu.memref_squeeze %dma_start3A_135 : memref<1x32x1024xf32, #tpu.memory_space<vmem>> -> memref<32x1024xf32, #tpu.memory_space<vmem>>
    %dma_start3A_137 = arith.constant 0 : i32
    %dma_start3A_138 = tpu.memref_slice %arg4[%add3A_131, %dma_start3A_137] : memref<32768x1024xf32, #tpu.memory_space<hbm>> -> memref<32x1024xf32, #tpu.memory_space<hbm>>
    %dma_start3A_139 = arith.constant 0 : i32
    %dma_start3A_140 = tpu.memref_slice %arg4[%add3A_131, %dma_start3A_139] : memref<32768x1024xf32, #tpu.memory_space<hbm>> -> memref<32x1024xf32, #tpu.memory_space<hbm>>
    %dma_start3A_141 = arith.constant 0 : i32
    %dma_start3A_142 = arith.constant 0 : i32
    %dma_start3A_143 = tpu.memref_slice %arg6[%dma_start3A_132, %dma_start3A_141, %dma_start3A_142] : memref<3x32x1024xf32, #tpu.memory_space<vmem>> -> memref<1x32x1024xf32, #tpu.memory_space<vmem>>
    %dma_start3A_144 = tpu.memref_squeeze %dma_start3A_143 : memref<1x32x1024xf32, #tpu.memory_space<vmem>> -> memref<32x1024xf32, #tpu.memory_space<vmem>>
    tpu.enqueue_dma source(%dma_start3A_144 : memref<32x1024xf32, #tpu.memory_space<vmem>>) target(%dma_start3A_140 : memref<32x1024xf32, #tpu.memory_space<hbm>>) target_semaphore(%arg12 : memref<!tpu.dma_semaphore, #tpu.memory_space<semaphore_mem>>)
    %add3A_145 = arith.constant 16384 : i32
    %add3A_146 = arith.addi %add3A_145, %mul3A_2 : i32
    %add3A_147 = arith.constant 0 : i32
    %add3A_148 = arith.addi %add3A_146, %add3A_147 : i32
    %dma_start3A_149 = arith.constant 0 : i32
    %dma_start3A_150 = arith.constant 0 : i32
    %dma_start3A_151 = arith.constant 0 : i32
    %dma_start3A_152 = tpu.memref_slice %arg6[%dma_start3A_149, %dma_start3A_150, %dma_start3A_151] : memref<3x32x1024xf32, #tpu.memory_space<vmem>> -> memref<1x32x1024xf32, #tpu.memory_space<vmem>>
    %dma_start3A_153 = tpu.memref_squeeze %dma_start3A_152 : memref<1x32x1024xf32, #tpu.memory_space<vmem>> -> memref<32x1024xf32, #tpu.memory_space<vmem>>
    %dma_start3A_154 = arith.constant 0 : i32
    %dma_start3A_155 = tpu.memref_slice %arg4[%add3A_148, %dma_start3A_154] : memref<32768x1024xf32, #tpu.memory_space<hbm>> -> memref<32x1024xf32, #tpu.memory_space<hbm>>
    %dma_start3A_156 = arith.constant 0 : i32
    %dma_start3A_157 = tpu.memref_slice %arg4[%add3A_148, %dma_start3A_156] : memref<32768x1024xf32, #tpu.memory_space<hbm>> -> memref<32x1024xf32, #tpu.memory_space<hbm>>
    %dma_start3A_158 = arith.constant 0 : i32
    %dma_start3A_159 = arith.constant 0 : i32
    %dma_start3A_160 = tpu.memref_slice %arg6[%dma_start3A_149, %dma_start3A_158, %dma_start3A_159] : memref<3x32x1024xf32, #tpu.memory_space<vmem>> -> memref<1x32x1024xf32, #tpu.memory_space<vmem>>
    %dma_start3A_161 = tpu.memref_squeeze %dma_start3A_160 : memref<1x32x1024xf32, #tpu.memory_space<vmem>> -> memref<32x1024xf32, #tpu.memory_space<vmem>>
    tpu.enqueue_dma source(%dma_start3A_161 : memref<32x1024xf32, #tpu.memory_space<vmem>>) target(%dma_start3A_157 : memref<32x1024xf32, #tpu.memory_space<hbm>>) target_semaphore(%arg12 : memref<!tpu.dma_semaphore, #tpu.memory_space<semaphore_mem>>)
    %add3A_162 = arith.constant 24576 : i32
    %add3A_163 = arith.addi %add3A_162, %mul3A_2 : i32
    %add3A_164 = arith.constant 0 : i32
    %add3A_165 = arith.addi %add3A_163, %add3A_164 : i32
    %dma_start3A_166 = arith.constant 0 : i32
    %dma_start3A_167 = arith.constant 0 : i32
    %dma_start3A_168 = arith.constant 0 : i32
    %dma_start3A_169 = tpu.memref_slice %arg6[%dma_start3A_166, %dma_start3A_167, %dma_start3A_168] : memref<3x32x1024xf32, #tpu.memory_space<vmem>> -> memref<1x32x1024xf32, #tpu.memory_space<vmem>>
    %dma_start3A_170 = tpu.memref_squeeze %dma_start3A_169 : memref<1x32x1024xf32, #tpu.memory_space<vmem>> -> memref<32x1024xf32, #tpu.memory_space<vmem>>
    %dma_start3A_171 = arith.constant 0 : i32
    %dma_start3A_172 = tpu.memref_slice %arg4[%add3A_165, %dma_start3A_171] : memref<32768x1024xf32, #tpu.memory_space<hbm>> -> memref<32x1024xf32, #tpu.memory_space<hbm>>
    %dma_start3A_173 = arith.constant 0 : i32
    %dma_start3A_174 = tpu.memref_slice %arg4[%add3A_165, %dma_start3A_173] : memref<32768x1024xf32, #tpu.memory_space<hbm>> -> memref<32x1024xf32, #tpu.memory_space<hbm>>
    %dma_start3A_175 = arith.constant 0 : i32
    %dma_start3A_176 = arith.constant 0 : i32
    %dma_start3A_177 = tpu.memref_slice %arg6[%dma_start3A_166, %dma_start3A_175, %dma_start3A_176] : memref<3x32x1024xf32, #tpu.memory_space<vmem>> -> memref<1x32x1024xf32, #tpu.memory_space<vmem>>
    %dma_start3A_178 = tpu.memref_squeeze %dma_start3A_177 : memref<1x32x1024xf32, #tpu.memory_space<vmem>> -> memref<32x1024xf32, #tpu.memory_space<vmem>>
    tpu.enqueue_dma source(%dma_start3A_178 : memref<32x1024xf32, #tpu.memory_space<vmem>>) target(%dma_start3A_174 : memref<32x1024xf32, #tpu.memory_space<hbm>>) target_semaphore(%arg12 : memref<!tpu.dma_semaphore, #tpu.memory_space<semaphore_mem>>)
    %dma_wait3A_179 = arith.constant 1 : i32
    %dma_wait3A_180 = arith.constant 0 : i32
    %dma_wait3A_181 = arith.constant 0 : i32
    %dma_wait3A_182 = tpu.memref_slice %arg6[%dma_wait3A_179, %dma_wait3A_180, %dma_wait3A_181] : memref<3x32x1024xf32, #tpu.memory_space<vmem>> -> memref<1x32x1024xf32, #tpu.memory_space<vmem>>
    %dma_wait3A_183 = tpu.memref_squeeze %dma_wait3A_182 : memref<1x32x1024xf32, #tpu.memory_space<vmem>> -> memref<32x1024xf32, #tpu.memory_space<vmem>>
    %dma_wait3A_184 = arith.constant 0 : i32
    %dma_wait3A_185 = arith.constant 0 : i32
    %dma_wait3A_186 = tpu.memref_slice %arg3[%dma_wait3A_184, %dma_wait3A_185] : memref<8208x1024xf32, #tpu.memory_space<hbm>> -> memref<32x1024xf32, #tpu.memory_space<hbm>>
    %dma_wait3A_187 = arith.constant 0 : i32
    %dma_wait3A_188 = arith.constant 0 : i32
    %dma_wait3A_189 = tpu.memref_slice %arg6[%dma_wait3A_179, %dma_wait3A_187, %dma_wait3A_188] : memref<3x32x1024xf32, #tpu.memory_space<vmem>> -> memref<1x32x1024xf32, #tpu.memory_space<vmem>>
    %dma_wait3A_190 = tpu.memref_squeeze %dma_wait3A_189 : memref<1x32x1024xf32, #tpu.memory_space<vmem>> -> memref<32x1024xf32, #tpu.memory_space<vmem>>
    %dma_wait3A_191 = arith.constant 0 : i32
    %dma_wait3A_192 = arith.constant 0 : i32
    %dma_wait3A_193 = tpu.memref_slice %arg3[%dma_wait3A_191, %dma_wait3A_192] : memref<8208x1024xf32, #tpu.memory_space<hbm>> -> memref<32x1024xf32, #tpu.memory_space<hbm>>
    tpu.wait_dma2 semaphore(%arg10 : memref<!tpu.dma_semaphore, #tpu.memory_space<semaphore_mem>>) src(%dma_wait3A_193 : memref<32x1024xf32, #tpu.memory_space<hbm>>) dst(%dma_wait3A_190 : memref<32x1024xf32, #tpu.memory_space<vmem>>)
    %add3A_194 = arith.constant 0 : i32
    %add3A_195 = arith.addi %add3A_194, %mul3A_2 : i32
    %add3A_196 = arith.constant 32 : i32
    %add3A_197 = arith.addi %add3A_195, %add3A_196 : i32
    %dma_start3A_198 = arith.constant 1 : i32
    %dma_start3A_199 = arith.constant 0 : i32
    %dma_start3A_200 = arith.constant 0 : i32
    %dma_start3A_201 = tpu.memref_slice %arg6[%dma_start3A_198, %dma_start3A_199, %dma_start3A_200] : memref<3x32x1024xf32, #tpu.memory_space<vmem>> -> memref<1x32x1024xf32, #tpu.memory_space<vmem>>
    %dma_start3A_202 = tpu.memref_squeeze %dma_start3A_201 : memref<1x32x1024xf32, #tpu.memory_space<vmem>> -> memref<32x1024xf32, #tpu.memory_space<vmem>>
    %dma_start3A_203 = arith.constant 0 : i32
    %dma_start3A_204 = tpu.memref_slice %arg4[%add3A_197, %dma_start3A_203] : memref<32768x1024xf32, #tpu.memory_space<hbm>> -> memref<32x1024xf32, #tpu.memory_space<hbm>>
    %dma_start3A_205 = arith.constant 0 : i32
    %dma_start3A_206 = tpu.memref_slice %arg4[%add3A_197, %dma_start3A_205] : memref<32768x1024xf32, #tpu.memory_space<hbm>> -> memref<32x1024xf32, #tpu.memory_space<hbm>>
    %dma_start3A_207 = arith.constant 0 : i32
    %dma_start3A_208 = arith.constant 0 : i32
    %dma_start3A_209 = tpu.memref_slice %arg6[%dma_start3A_198, %dma_start3A_207, %dma_start3A_208] : memref<3x32x1024xf32, #tpu.memory_space<vmem>> -> memref<1x32x1024xf32, #tpu.memory_space<vmem>>
    %dma_start3A_210 = tpu.memref_squeeze %dma_start3A_209 : memref<1x32x1024xf32, #tpu.memory_space<vmem>> -> memref<32x1024xf32, #tpu.memory_space<vmem>>
    tpu.enqueue_dma source(%dma_start3A_210 : memref<32x1024xf32, #tpu.memory_space<vmem>>) target(%dma_start3A_206 : memref<32x1024xf32, #tpu.memory_space<hbm>>) target_semaphore(%arg13 : memref<!tpu.dma_semaphore, #tpu.memory_space<semaphore_mem>>)
    %add3A_211 = arith.constant 8192 : i32
    %add3A_212 = arith.addi %add3A_211, %mul3A_2 : i32
    %add3A_213 = arith.constant 32 : i32
    %add3A_214 = arith.addi %add3A_212, %add3A_213 : i32
    %dma_start3A_215 = arith.constant 1 : i32
    %dma_start3A_216 = arith.constant 0 : i32
    %dma_start3A_217 = arith.constant 0 : i32
    %dma_start3A_218 = tpu.memref_slice %arg6[%dma_start3A_215, %dma_start3A_216, %dma_start3A_217] : memref<3x32x1024xf32, #tpu.memory_space<vmem>> -> memref<1x32x1024xf32, #tpu.memory_space<vmem>>
    %dma_start3A_219 = tpu.memref_squeeze %dma_start3A_218 : memref<1x32x1024xf32, #tpu.memory_space<vmem>> -> memref<32x1024xf32, #tpu.memory_space<vmem>>
    %dma_start3A_220 = arith.constant 0 : i32
    %dma_start3A_221 = tpu.memref_slice %arg4[%add3A_214, %dma_start3A_220] : memref<32768x1024xf32, #tpu.memory_space<hbm>> -> memref<32x1024xf32, #tpu.memory_space<hbm>>
    %dma_start3A_222 = arith.constant 0 : i32
    %dma_start3A_223 = tpu.memref_slice %arg4[%add3A_214, %dma_start3A_222] : memref<32768x1024xf32, #tpu.memory_space<hbm>> -> memref<32x1024xf32, #tpu.memory_space<hbm>>
    %dma_start3A_224 = arith.constant 0 : i32
    %dma_start3A_225 = arith.constant 0 : i32
    %dma_start3A_226 = tpu.memref_slice %arg6[%dma_start3A_215, %dma_start3A_224, %dma_start3A_225] : memref<3x32x1024xf32, #tpu.memory_space<vmem>> -> memref<1x32x1024xf32, #tpu.memory_space<vmem>>
    %dma_start3A_227 = tpu.memref_squeeze %dma_start3A_226 : memref<1x32x1024xf32, #tpu.memory_space<vmem>> -> memref<32x1024xf32, #tpu.memory_space<vmem>>
    tpu.enqueue_dma source(%dma_start3A_227 : memref<32x1024xf32, #tpu.memory_space<vmem>>) target(%dma_start3A_223 : memref<32x1024xf32, #tpu.memory_space<hbm>>) target_semaphore(%arg13 : memref<!tpu.dma_semaphore, #tpu.memory_space<semaphore_mem>>)
    %add3A_228 = arith.constant 16384 : i32
    %add3A_229 = arith.addi %add3A_228, %mul3A_2 : i32
    %add3A_230 = arith.constant 32 : i32
    %add3A_231 = arith.addi %add3A_229, %add3A_230 : i32
    %dma_start3A_232 = arith.constant 1 : i32
    %dma_start3A_233 = arith.constant 0 : i32
    %dma_start3A_234 = arith.constant 0 : i32
    %dma_start3A_235 = tpu.memref_slice %arg6[%dma_start3A_232, %dma_start3A_233, %dma_start3A_234] : memref<3x32x1024xf32, #tpu.memory_space<vmem>> -> memref<1x32x1024xf32, #tpu.memory_space<vmem>>
    %dma_start3A_236 = tpu.memref_squeeze %dma_start3A_235 : memref<1x32x1024xf32, #tpu.memory_space<vmem>> -> memref<32x1024xf32, #tpu.memory_space<vmem>>
    %dma_start3A_237 = arith.constant 0 : i32
    %dma_start3A_238 = tpu.memref_slice %arg4[%add3A_231, %dma_start3A_237] : memref<32768x1024xf32, #tpu.memory_space<hbm>> -> memref<32x1024xf32, #tpu.memory_space<hbm>>
    %dma_start3A_239 = arith.constant 0 : i32
    %dma_start3A_240 = tpu.memref_slice %arg4[%add3A_231, %dma_start3A_239] : memref<32768x1024xf32, #tpu.memory_space<hbm>> -> memref<32x1024xf32, #tpu.memory_space<hbm>>
    %dma_start3A_241 = arith.constant 0 : i32
    %dma_start3A_242 = arith.constant 0 : i32
    %dma_start3A_243 = tpu.memref_slice %arg6[%dma_start3A_232, %dma_start3A_241, %dma_start3A_242] : memref<3x32x1024xf32, #tpu.memory_space<vmem>> -> memref<1x32x1024xf32, #tpu.memory_space<vmem>>
    %dma_start3A_244 = tpu.memref_squeeze %dma_start3A_243 : memref<1x32x1024xf32, #tpu.memory_space<vmem>> -> memref<32x1024xf32, #tpu.memory_space<vmem>>
    tpu.enqueue_dma source(%dma_start3A_244 : memref<32x1024xf32, #tpu.memory_space<vmem>>) target(%dma_start3A_240 : memref<32x1024xf32, #tpu.memory_space<hbm>>) target_semaphore(%arg13 : memref<!tpu.dma_semaphore, #tpu.memory_space<semaphore_mem>>)
    %add3A_245 = arith.constant 24576 : i32
    %add3A_246 = arith.addi %add3A_245, %mul3A_2 : i32
    %add3A_247 = arith.constant 32 : i32
    %add3A_248 = arith.addi %add3A_246, %add3A_247 : i32
    %dma_start3A_249 = arith.constant 1 : i32
    %dma_start3A_250 = arith.constant 0 : i32
    %dma_start3A_251 = arith.constant 0 : i32
    %dma_start3A_252 = tpu.memref_slice %arg6[%dma_start3A_249, %dma_start3A_250, %dma_start3A_251] : memref<3x32x1024xf32, #tpu.memory_space<vmem>> -> memref<1x32x1024xf32, #tpu.memory_space<vmem>>
    %dma_start3A_253 = tpu.memref_squeeze %dma_start3A_252 : memref<1x32x1024xf32, #tpu.memory_space<vmem>> -> memref<32x1024xf32, #tpu.memory_space<vmem>>
    %dma_start3A_254 = arith.constant 0 : i32
    %dma_start3A_255 = tpu.memref_slice %arg4[%add3A_248, %dma_start3A_254] : memref<32768x1024xf32, #tpu.memory_space<hbm>> -> memref<32x1024xf32, #tpu.memory_space<hbm>>
    %dma_start3A_256 = arith.constant 0 : i32
    %dma_start3A_257 = tpu.memref_slice %arg4[%add3A_248, %dma_start3A_256] : memref<32768x1024xf32, #tpu.memory_space<hbm>> -> memref<32x1024xf32, #tpu.memory_space<hbm>>
    %dma_start3A_258 = arith.constant 0 : i32
    %dma_start3A_259 = arith.constant 0 : i32
    %dma_start3A_260 = tpu.memref_slice %arg6[%dma_start3A_249, %dma_start3A_258, %dma_start3A_259] : memref<3x32x1024xf32, #tpu.memory_space<vmem>> -> memref<1x32x1024xf32, #tpu.memory_space<vmem>>
    %dma_start3A_261 = tpu.memref_squeeze %dma_start3A_260 : memref<1x32x1024xf32, #tpu.memory_space<vmem>> -> memref<32x1024xf32, #tpu.memory_space<vmem>>
    tpu.enqueue_dma source(%dma_start3A_261 : memref<32x1024xf32, #tpu.memory_space<vmem>>) target(%dma_start3A_257 : memref<32x1024xf32, #tpu.memory_space<hbm>>) target_semaphore(%arg13 : memref<!tpu.dma_semaphore, #tpu.memory_space<semaphore_mem>>)
    %dma_wait3A_262 = arith.constant 0 : i32
    %dma_wait3A_263 = arith.constant 0 : i32
    %dma_wait3A_264 = arith.constant 0 : i32
    %dma_wait3A_265 = tpu.memref_slice %arg6[%dma_wait3A_262, %dma_wait3A_263, %dma_wait3A_264] : memref<3x32x1024xf32, #tpu.memory_space<vmem>> -> memref<1x32x1024xf32, #tpu.memory_space<vmem>>
    %dma_wait3A_266 = tpu.memref_squeeze %dma_wait3A_265 : memref<1x32x1024xf32, #tpu.memory_space<vmem>> -> memref<32x1024xf32, #tpu.memory_space<vmem>>
    %dma_wait3A_267 = arith.constant 0 : i32
    %dma_wait3A_268 = arith.constant 0 : i32
    %dma_wait3A_269 = tpu.memref_slice %arg4[%dma_wait3A_267, %dma_wait3A_268] : memref<32768x1024xf32, #tpu.memory_space<hbm>> -> memref<32x1024xf32, #tpu.memory_space<hbm>>
    %dma_wait3A_270 = arith.constant 0 : i32
    %dma_wait3A_271 = arith.constant 0 : i32
    %dma_wait3A_272 = tpu.memref_slice %arg4[%dma_wait3A_270, %dma_wait3A_271] : memref<32768x1024xf32, #tpu.memory_space<hbm>> -> memref<32x1024xf32, #tpu.memory_space<hbm>>
    %dma_wait3A_273 = arith.constant 0 : i32
    %dma_wait3A_274 = arith.constant 0 : i32
    %dma_wait3A_275 = tpu.memref_slice %arg6[%dma_wait3A_262, %dma_wait3A_273, %dma_wait3A_274] : memref<3x32x1024xf32, #tpu.memory_space<vmem>> -> memref<1x32x1024xf32, #tpu.memory_space<vmem>>
    %dma_wait3A_276 = tpu.memref_squeeze %dma_wait3A_275 : memref<1x32x1024xf32, #tpu.memory_space<vmem>> -> memref<32x1024xf32, #tpu.memory_space<vmem>>
    tpu.wait_dma2 semaphore(%arg12 : memref<!tpu.dma_semaphore, #tpu.memory_space<semaphore_mem>>) src(%dma_wait3A_276 : memref<32x1024xf32, #tpu.memory_space<vmem>>) dst(%dma_wait3A_272 : memref<32x1024xf32, #tpu.memory_space<hbm>>)
    %dma_wait3A_277 = arith.constant 0 : i32
    %dma_wait3A_278 = arith.constant 0 : i32
    %dma_wait3A_279 = arith.constant 0 : i32
    %dma_wait3A_280 = tpu.memref_slice %arg6[%dma_wait3A_277, %dma_wait3A_278, %dma_wait3A_279] : memref<3x32x1024xf32, #tpu.memory_space<vmem>> -> memref<1x32x1024xf32, #tpu.memory_space<vmem>>
    %dma_wait3A_281 = tpu.memref_squeeze %dma_wait3A_280 : memref<1x32x1024xf32, #tpu.memory_space<vmem>> -> memref<32x1024xf32, #tpu.memory_space<vmem>>
    %dma_wait3A_282 = arith.constant 0 : i32
    %dma_wait3A_283 = arith.constant 0 : i32
    %dma_wait3A_284 = tpu.memref_slice %arg4[%dma_wait3A_282, %dma_wait3A_283] : memref<32768x1024xf32, #tpu.memory_space<hbm>> -> memref<32x1024xf32, #tpu.memory_space<hbm>>
    %dma_wait3A_285 = arith.constant 0 : i32
    %dma_wait3A_286 = arith.constant 0 : i32
    %dma_wait3A_287 = tpu.memref_slice %arg4[%dma_wait3A_285, %dma_wait3A_286] : memref<32768x1024xf32, #tpu.memory_space<hbm>> -> memref<32x1024xf32, #tpu.memory_space<hbm>>
    %dma_wait3A_288 = arith.constant 0 : i32
    %dma_wait3A_289 = arith.constant 0 : i32
    %dma_wait3A_290 = tpu.memref_slice %arg6[%dma_wait3A_277, %dma_wait3A_288, %dma_wait3A_289] : memref<3x32x1024xf32, #tpu.memory_space<vmem>> -> memref<1x32x1024xf32, #tpu.memory_space<vmem>>
    %dma_wait3A_291 = tpu.memref_squeeze %dma_wait3A_290 : memref<1x32x1024xf32, #tpu.memory_space<vmem>> -> memref<32x1024xf32, #tpu.memory_space<vmem>>
    tpu.wait_dma2 semaphore(%arg12 : memref<!tpu.dma_semaphore, #tpu.memory_space<semaphore_mem>>) src(%dma_wait3A_291 : memref<32x1024xf32, #tpu.memory_space<vmem>>) dst(%dma_wait3A_287 : memref<32x1024xf32, #tpu.memory_space<hbm>>)
    %dma_wait3A_292 = arith.constant 0 : i32
    %dma_wait3A_293 = arith.constant 0 : i32
    %dma_wait3A_294 = arith.constant 0 : i32
    %dma_wait3A_295 = tpu.memref_slice %arg6[%dma_wait3A_292, %dma_wait3A_293, %dma_wait3A_294] : memref<3x32x1024xf32, #tpu.memory_space<vmem>> -> memref<1x32x1024xf32, #tpu.memory_space<vmem>>
    %dma_wait3A_296 = tpu.memref_squeeze %dma_wait3A_295 : memref<1x32x1024xf32, #tpu.memory_space<vmem>> -> memref<32x1024xf32, #tpu.memory_space<vmem>>
    %dma_wait3A_297 = arith.constant 0 : i32
    %dma_wait3A_298 = arith.constant 0 : i32
    %dma_wait3A_299 = tpu.memref_slice %arg4[%dma_wait3A_297, %dma_wait3A_298] : memref<32768x1024xf32, #tpu.memory_space<hbm>> -> memref<32x1024xf32, #tpu.memory_space<hbm>>
    %dma_wait3A_300 = arith.constant 0 : i32
    %dma_wait3A_301 = arith.constant 0 : i32
    %dma_wait3A_302 = tpu.memref_slice %arg4[%dma_wait3A_300, %dma_wait3A_301] : memref<32768x1024xf32, #tpu.memory_space<hbm>> -> memref<32x1024xf32, #tpu.memory_space<hbm>>
    %dma_wait3A_303 = arith.constant 0 : i32
    %dma_wait3A_304 = arith.constant 0 : i32
    %dma_wait3A_305 = tpu.memref_slice %arg6[%dma_wait3A_292, %dma_wait3A_303, %dma_wait3A_304] : memref<3x32x1024xf32, #tpu.memory_space<vmem>> -> memref<1x32x1024xf32, #tpu.memory_space<vmem>>
    %dma_wait3A_306 = tpu.memref_squeeze %dma_wait3A_305 : memref<1x32x1024xf32, #tpu.memory_space<vmem>> -> memref<32x1024xf32, #tpu.memory_space<vmem>>
    tpu.wait_dma2 semaphore(%arg12 : memref<!tpu.dma_semaphore, #tpu.memory_space<semaphore_mem>>) src(%dma_wait3A_306 : memref<32x1024xf32, #tpu.memory_space<vmem>>) dst(%dma_wait3A_302 : memref<32x1024xf32, #tpu.memory_space<hbm>>)
    %dma_wait3A_307 = arith.constant 0 : i32
    %dma_wait3A_308 = arith.constant 0 : i32
    %dma_wait3A_309 = arith.constant 0 : i32
    %dma_wait3A_310 = tpu.memref_slice %arg6[%dma_wait3A_307, %dma_wait3A_308, %dma_wait3A_309] : memref<3x32x1024xf32, #tpu.memory_space<vmem>> -> memref<1x32x1024xf32, #tpu.memory_space<vmem>>
    %dma_wait3A_311 = tpu.memref_squeeze %dma_wait3A_310 : memref<1x32x1024xf32, #tpu.memory_space<vmem>> -> memref<32x1024xf32, #tpu.memory_space<vmem>>
    %dma_wait3A_312 = arith.constant 0 : i32
    %dma_wait3A_313 = arith.constant 0 : i32
    %dma_wait3A_314 = tpu.memref_slice %arg4[%dma_wait3A_312, %dma_wait3A_313] : memref<32768x1024xf32, #tpu.memory_space<hbm>> -> memref<32x1024xf32, #tpu.memory_space<hbm>>
    %dma_wait3A_315 = arith.constant 0 : i32
    %dma_wait3A_316 = arith.constant 0 : i32
    %dma_wait3A_317 = tpu.memref_slice %arg4[%dma_wait3A_315, %dma_wait3A_316] : memref<32768x1024xf32, #tpu.memory_space<hbm>> -> memref<32x1024xf32, #tpu.memory_space<hbm>>
    %dma_wait3A_318 = arith.constant 0 : i32
    %dma_wait3A_319 = arith.constant 0 : i32
    %dma_wait3A_320 = tpu.memref_slice %arg6[%dma_wait3A_307, %dma_wait3A_318, %dma_wait3A_319] : memref<3x32x1024xf32, #tpu.memory_space<vmem>> -> memref<1x32x1024xf32, #tpu.memory_space<vmem>>
    %dma_wait3A_321 = tpu.memref_squeeze %dma_wait3A_320 : memref<1x32x1024xf32, #tpu.memory_space<vmem>> -> memref<32x1024xf32, #tpu.memory_space<vmem>>
    tpu.wait_dma2 semaphore(%arg12 : memref<!tpu.dma_semaphore, #tpu.memory_space<semaphore_mem>>) src(%dma_wait3A_321 : memref<32x1024xf32, #tpu.memory_space<vmem>>) dst(%dma_wait3A_317 : memref<32x1024xf32, #tpu.memory_space<hbm>>)
    %add3A_322 = arith.constant 96 : i32
    %add3A_323 = arith.addi %mul3A_2, %add3A_322 : i32
    %dma_start3A_324 = arith.constant 0 : i32
    %dma_start3A_325 = arith.constant 0 : i32
    %dma_start3A_326 = arith.constant 0 : i32
    %dma_start3A_327 = tpu.memref_slice %arg6[%dma_start3A_324, %dma_start3A_325, %dma_start3A_326] : memref<3x32x1024xf32, #tpu.memory_space<vmem>> -> memref<1x32x1024xf32, #tpu.memory_space<vmem>>
    %dma_start3A_328 = tpu.memref_squeeze %dma_start3A_327 : memref<1x32x1024xf32, #tpu.memory_space<vmem>> -> memref<32x1024xf32, #tpu.memory_space<vmem>>
    %dma_start3A_329 = arith.constant 0 : i32
    %dma_start3A_330 = tpu.memref_slice %arg3[%add3A_323, %dma_start3A_329] : memref<8208x1024xf32, #tpu.memory_space<hbm>> -> memref<32x1024xf32, #tpu.memory_space<hbm>>
    %dma_start3A_331 = arith.constant 0 : i32
    %dma_start3A_332 = arith.constant 0 : i32
    %dma_start3A_333 = tpu.memref_slice %arg6[%dma_start3A_324, %dma_start3A_331, %dma_start3A_332] : memref<3x32x1024xf32, #tpu.memory_space<vmem>> -> memref<1x32x1024xf32, #tpu.memory_space<vmem>>
    %dma_start3A_334 = tpu.memref_squeeze %dma_start3A_333 : memref<1x32x1024xf32, #tpu.memory_space<vmem>> -> memref<32x1024xf32, #tpu.memory_space<vmem>>
    %dma_start3A_335 = arith.constant 0 : i32
    %dma_start3A_336 = tpu.memref_slice %arg3[%add3A_323, %dma_start3A_335] : memref<8208x1024xf32, #tpu.memory_space<hbm>> -> memref<32x1024xf32, #tpu.memory_space<hbm>>
    tpu.enqueue_dma source(%dma_start3A_336 : memref<32x1024xf32, #tpu.memory_space<hbm>>) target(%dma_start3A_334 : memref<32x1024xf32, #tpu.memory_space<vmem>>) target_semaphore(%arg9 : memref<!tpu.dma_semaphore, #tpu.memory_space<semaphore_mem>>)
    %dma_wait3A_337 = arith.constant 2 : i32
    %dma_wait3A_338 = arith.constant 0 : i32
    %dma_wait3A_339 = arith.constant 0 : i32
    %dma_wait3A_340 = tpu.memref_slice %arg6[%dma_wait3A_337, %dma_wait3A_338, %dma_wait3A_339] : memref<3x32x1024xf32, #tpu.memory_space<vmem>> -> memref<1x32x1024xf32, #tpu.memory_space<vmem>>
    %dma_wait3A_341 = tpu.memref_squeeze %dma_wait3A_340 : memref<1x32x1024xf32, #tpu.memory_space<vmem>> -> memref<32x1024xf32, #tpu.memory_space<vmem>>
    %dma_wait3A_342 = arith.constant 0 : i32
    %dma_wait3A_343 = arith.constant 0 : i32
    %dma_wait3A_344 = tpu.memref_slice %arg3[%dma_wait3A_342, %dma_wait3A_343] : memref<8208x1024xf32, #tpu.memory_space<hbm>> -> memref<32x1024xf32, #tpu.memory_space<hbm>>
    %dma_wait3A_345 = arith.constant 0 : i32
    %dma_wait3A_346 = arith.constant 0 : i32
    %dma_wait3A_347 = tpu.memref_slice %arg6[%dma_wait3A_337, %dma_wait3A_345, %dma_wait3A_346] : memref<3x32x1024xf32, #tpu.memory_space<vmem>> -> memref<1x32x1024xf32, #tpu.memory_space<vmem>>
    %dma_wait3A_348 = tpu.memref_squeeze %dma_wait3A_347 : memref<1x32x1024xf32, #tpu.memory_space<vmem>> -> memref<32x1024xf32, #tpu.memory_space<vmem>>
    %dma_wait3A_349 = arith.constant 0 : i32
    %dma_wait3A_350 = arith.constant 0 : i32
    %dma_wait3A_351 = tpu.memref_slice %arg3[%dma_wait3A_349, %dma_wait3A_350] : memref<8208x1024xf32, #tpu.memory_space<hbm>> -> memref<32x1024xf32, #tpu.memory_space<hbm>>
    tpu.wait_dma2 semaphore(%arg11 : memref<!tpu.dma_semaphore, #tpu.memory_space<semaphore_mem>>) src(%dma_wait3A_351 : memref<32x1024xf32, #tpu.memory_space<hbm>>) dst(%dma_wait3A_348 : memref<32x1024xf32, #tpu.memory_space<vmem>>)
    %add3A_352 = arith.constant 0 : i32
    %add3A_353 = arith.addi %add3A_352, %mul3A_2 : i32
    %add3A_354 = arith.constant 64 : i32
    %add3A_355 = arith.addi %add3A_353, %add3A_354 : i32
    %dma_start3A_356 = arith.constant 2 : i32
    %dma_start3A_357 = arith.constant 0 : i32
    %dma_start3A_358 = arith.constant 0 : i32
    %dma_start3A_359 = tpu.memref_slice %arg6[%dma_start3A_356, %dma_start3A_357, %dma_start3A_358] : memref<3x32x1024xf32, #tpu.memory_space<vmem>> -> memref<1x32x1024xf32, #tpu.memory_space<vmem>>
    %dma_start3A_360 = tpu.memref_squeeze %dma_start3A_359 : memref<1x32x1024xf32, #tpu.memory_space<vmem>> -> memref<32x1024xf32, #tpu.memory_space<vmem>>
    %dma_start3A_361 = arith.constant 0 : i32
    %dma_start3A_362 = tpu.memref_slice %arg4[%add3A_355, %dma_start3A_361] : memref<32768x1024xf32, #tpu.memory_space<hbm>> -> memref<32x1024xf32, #tpu.memory_space<hbm>>
    %dma_start3A_363 = arith.constant 0 : i32
    %dma_start3A_364 = tpu.memref_slice %arg4[%add3A_355, %dma_start3A_363] : memref<32768x1024xf32, #tpu.memory_space<hbm>> -> memref<32x1024xf32, #tpu.memory_space<hbm>>
    %dma_start3A_365 = arith.constant 0 : i32
    %dma_start3A_366 = arith.constant 0 : i32
    %dma_start3A_367 = tpu.memref_slice %arg6[%dma_start3A_356, %dma_start3A_365, %dma_start3A_366] : memref<3x32x1024xf32, #tpu.memory_space<vmem>> -> memref<1x32x1024xf32, #tpu.memory_space<vmem>>
    %dma_start3A_368 = tpu.memref_squeeze %dma_start3A_367 : memref<1x32x1024xf32, #tpu.memory_space<vmem>> -> memref<32x1024xf32, #tpu.memory_space<vmem>>
    tpu.enqueue_dma source(%dma_start3A_368 : memref<32x1024xf32, #tpu.memory_space<vmem>>) target(%dma_start3A_364 : memref<32x1024xf32, #tpu.memory_space<hbm>>) target_semaphore(%arg14 : memref<!tpu.dma_semaphore, #tpu.memory_space<semaphore_mem>>)
    %add3A_369 = arith.constant 8192 : i32
    %add3A_370 = arith.addi %add3A_369, %mul3A_2 : i32
    %add3A_371 = arith.constant 64 : i32
    %add3A_372 = arith.addi %add3A_370, %add3A_371 : i32
    %dma_start3A_373 = arith.constant 2 : i32
    %dma_start3A_374 = arith.constant 0 : i32
    %dma_start3A_375 = arith.constant 0 : i32
    %dma_start3A_376 = tpu.memref_slice %arg6[%dma_start3A_373, %dma_start3A_374, %dma_start3A_375] : memref<3x32x1024xf32, #tpu.memory_space<vmem>> -> memref<1x32x1024xf32, #tpu.memory_space<vmem>>
    %dma_start3A_377 = tpu.memref_squeeze %dma_start3A_376 : memref<1x32x1024xf32, #tpu.memory_space<vmem>> -> memref<32x1024xf32, #tpu.memory_space<vmem>>
    %dma_start3A_378 = arith.constant 0 : i32
    %dma_start3A_379 = tpu.memref_slice %arg4[%add3A_372, %dma_start3A_378] : memref<32768x1024xf32, #tpu.memory_space<hbm>> -> memref<32x1024xf32, #tpu.memory_space<hbm>>
    %dma_start3A_380 = arith.constant 0 : i32
    %dma_start3A_381 = tpu.memref_slice %arg4[%add3A_372, %dma_start3A_380] : memref<32768x1024xf32, #tpu.memory_space<hbm>> -> memref<32x1024xf32, #tpu.memory_space<hbm>>
    %dma_start3A_382 = arith.constant 0 : i32
    %dma_start3A_383 = arith.constant 0 : i32
    %dma_start3A_384 = tpu.memref_slice %arg6[%dma_start3A_373, %dma_start3A_382, %dma_start3A_383] : memref<3x32x1024xf32, #tpu.memory_space<vmem>> -> memref<1x32x1024xf32, #tpu.memory_space<vmem>>
    %dma_start3A_385 = tpu.memref_squeeze %dma_start3A_384 : memref<1x32x1024xf32, #tpu.memory_space<vmem>> -> memref<32x1024xf32, #tpu.memory_space<vmem>>
    tpu.enqueue_dma source(%dma_start3A_385 : memref<32x1024xf32, #tpu.memory_space<vmem>>) target(%dma_start3A_381 : memref<32x1024xf32, #tpu.memory_space<hbm>>) target_semaphore(%arg14 : memref<!tpu.dma_semaphore, #tpu.memory_space<semaphore_mem>>)
    %add3A_386 = arith.constant 16384 : i32
    %add3A_387 = arith.addi %add3A_386, %mul3A_2 : i32
    %add3A_388 = arith.constant 64 : i32
    %add3A_389 = arith.addi %add3A_387, %add3A_388 : i32
    %dma_start3A_390 = arith.constant 2 : i32
    %dma_start3A_391 = arith.constant 0 : i32
    %dma_start3A_392 = arith.constant 0 : i32
    %dma_start3A_393 = tpu.memref_slice %arg6[%dma_start3A_390, %dma_start3A_391, %dma_start3A_392] : memref<3x32x1024xf32, #tpu.memory_space<vmem>> -> memref<1x32x1024xf32, #tpu.memory_space<vmem>>
    %dma_start3A_394 = tpu.memref_squeeze %dma_start3A_393 : memref<1x32x1024xf32, #tpu.memory_space<vmem>> -> memref<32x1024xf32, #tpu.memory_space<vmem>>
    %dma_start3A_395 = arith.constant 0 : i32
    %dma_start3A_396 = tpu.memref_slice %arg4[%add3A_389, %dma_start3A_395] : memref<32768x1024xf32, #tpu.memory_space<hbm>> -> memref<32x1024xf32, #tpu.memory_space<hbm>>
    %dma_start3A_397 = arith.constant 0 : i32
    %dma_start3A_398 = tpu.memref_slice %arg4[%add3A_389, %dma_start3A_397] : memref<32768x1024xf32, #tpu.memory_space<hbm>> -> memref<32x1024xf32, #tpu.memory_space<hbm>>
    %dma_start3A_399 = arith.constant 0 : i32
    %dma_start3A_400 = arith.constant 0 : i32
    %dma_start3A_401 = tpu.memref_slice %arg6[%dma_start3A_390, %dma_start3A_399, %dma_start3A_400] : memref<3x32x1024xf32, #tpu.memory_space<vmem>> -> memref<1x32x1024xf32, #tpu.memory_space<vmem>>
    %dma_start3A_402 = tpu.memref_squeeze %dma_start3A_401 : memref<1x32x1024xf32, #tpu.memory_space<vmem>> -> memref<32x1024xf32, #tpu.memory_space<vmem>>
    tpu.enqueue_dma source(%dma_start3A_402 : memref<32x1024xf32, #tpu.memory_space<vmem>>) target(%dma_start3A_398 : memref<32x1024xf32, #tpu.memory_space<hbm>>) target_semaphore(%arg14 : memref<!tpu.dma_semaphore, #tpu.memory_space<semaphore_mem>>)
    %add3A_403 = arith.constant 24576 : i32
    %add3A_404 = arith.addi %add3A_403, %mul3A_2 : i32
    %add3A_405 = arith.constant 64 : i32
    %add3A_406 = arith.addi %add3A_404, %add3A_405 : i32
    %dma_start3A_407 = arith.constant 2 : i32
    %dma_start3A_408 = arith.constant 0 : i32
    %dma_start3A_409 = arith.constant 0 : i32
    %dma_start3A_410 = tpu.memref_slice %arg6[%dma_start3A_407, %dma_start3A_408, %dma_start3A_409] : memref<3x32x1024xf32, #tpu.memory_space<vmem>> -> memref<1x32x1024xf32, #tpu.memory_space<vmem>>
    %dma_start3A_411 = tpu.memref_squeeze %dma_start3A_410 : memref<1x32x1024xf32, #tpu.memory_space<vmem>> -> memref<32x1024xf32, #tpu.memory_space<vmem>>
    %dma_start3A_412 = arith.constant 0 : i32
    %dma_start3A_413 = tpu.memref_slice %arg4[%add3A_406, %dma_start3A_412] : memref<32768x1024xf32, #tpu.memory_space<hbm>> -> memref<32x1024xf32, #tpu.memory_space<hbm>>
    %dma_start3A_414 = arith.constant 0 : i32
    %dma_start3A_415 = tpu.memref_slice %arg4[%add3A_406, %dma_start3A_414] : memref<32768x1024xf32, #tpu.memory_space<hbm>> -> memref<32x1024xf32, #tpu.memory_space<hbm>>
    %dma_start3A_416 = arith.constant 0 : i32
    %dma_start3A_417 = arith.constant 0 : i32
    %dma_start3A_418 = tpu.memref_slice %arg6[%dma_start3A_407, %dma_start3A_416, %dma_start3A_417] : memref<3x32x1024xf32, #tpu.memory_space<vmem>> -> memref<1x32x1024xf32, #tpu.memory_space<vmem>>
    %dma_start3A_419 = tpu.memref_squeeze %dma_start3A_418 : memref<1x32x1024xf32, #tpu.memory_space<vmem>> -> memref<32x1024xf32, #tpu.memory_space<vmem>>
    tpu.enqueue_dma source(%dma_start3A_419 : memref<32x1024xf32, #tpu.memory_space<vmem>>) target(%dma_start3A_415 : memref<32x1024xf32, #tpu.memory_space<hbm>>) target_semaphore(%arg14 : memref<!tpu.dma_semaphore, #tpu.memory_space<semaphore_mem>>)
    %dma_wait3A_420 = arith.constant 1 : i32
    %dma_wait3A_421 = arith.constant 0 : i32
    %dma_wait3A_422 = arith.constant 0 : i32
    %dma_wait3A_423 = tpu.memref_slice %arg6[%dma_wait3A_420, %dma_wait3A_421, %dma_wait3A_422] : memref<3x32x1024xf32, #tpu.memory_space<vmem>> -> memref<1x32x1024xf32, #tpu.memory_space<vmem>>
    %dma_wait3A_424 = tpu.memref_squeeze %dma_wait3A_423 : memref<1x32x1024xf32, #tpu.memory_space<vmem>> -> memref<32x1024xf32, #tpu.memory_space<vmem>>
    %dma_wait3A_425 = arith.constant 0 : i32
    %dma_wait3A_426 = arith.constant 0 : i32
    %dma_wait3A_427 = tpu.memref_slice %arg4[%dma_wait3A_425, %dma_wait3A_426] : memref<32768x1024xf32, #tpu.memory_space<hbm>> -> memref<32x1024xf32, #tpu.memory_space<hbm>>
    %dma_wait3A_428 = arith.constant 0 : i32
    %dma_wait3A_429 = arith.constant 0 : i32
    %dma_wait3A_430 = tpu.memref_slice %arg4[%dma_wait3A_428, %dma_wait3A_429] : memref<32768x1024xf32, #tpu.memory_space<hbm>> -> memref<32x1024xf32, #tpu.memory_space<hbm>>
    %dma_wait3A_431 = arith.constant 0 : i32
    %dma_wait3A_432 = arith.constant 0 : i32
    %dma_wait3A_433 = tpu.memref_slice %arg6[%dma_wait3A_420, %dma_wait3A_431, %dma_wait3A_432] : memref<3x32x1024xf32, #tpu.memory_space<vmem>> -> memref<1x32x1024xf32, #tpu.memory_space<vmem>>
    %dma_wait3A_434 = tpu.memref_squeeze %dma_wait3A_433 : memref<1x32x1024xf32, #tpu.memory_space<vmem>> -> memref<32x1024xf32, #tpu.memory_space<vmem>>
    tpu.wait_dma2 semaphore(%arg13 : memref<!tpu.dma_semaphore, #tpu.memory_space<semaphore_mem>>) src(%dma_wait3A_434 : memref<32x1024xf32, #tpu.memory_space<vmem>>) dst(%dma_wait3A_430 : memref<32x1024xf32, #tpu.memory_space<hbm>>)
    %dma_wait3A_435 = arith.constant 1 : i32
    %dma_wait3A_436 = arith.constant 0 : i32
    %dma_wait3A_437 = arith.constant 0 : i32
    %dma_wait3A_438 = tpu.memref_slice %arg6[%dma_wait3A_435, %dma_wait3A_436, %dma_wait3A_437] : memref<3x32x1024xf32, #tpu.memory_space<vmem>> -> memref<1x32x1024xf32, #tpu.memory_space<vmem>>
    %dma_wait3A_439 = tpu.memref_squeeze %dma_wait3A_438 : memref<1x32x1024xf32, #tpu.memory_space<vmem>> -> memref<32x1024xf32, #tpu.memory_space<vmem>>
    %dma_wait3A_440 = arith.constant 0 : i32
    %dma_wait3A_441 = arith.constant 0 : i32
    %dma_wait3A_442 = tpu.memref_slice %arg4[%dma_wait3A_440, %dma_wait3A_441] : memref<32768x1024xf32, #tpu.memory_space<hbm>> -> memref<32x1024xf32, #tpu.memory_space<hbm>>
    %dma_wait3A_443 = arith.constant 0 : i32
    %dma_wait3A_444 = arith.constant 0 : i32
    %dma_wait3A_445 = tpu.memref_slice %arg4[%dma_wait3A_443, %dma_wait3A_444] : memref<32768x1024xf32, #tpu.memory_space<hbm>> -> memref<32x1024xf32, #tpu.memory_space<hbm>>
    %dma_wait3A_446 = arith.constant 0 : i32
    %dma_wait3A_447 = arith.constant 0 : i32
    %dma_wait3A_448 = tpu.memref_slice %arg6[%dma_wait3A_435, %dma_wait3A_446, %dma_wait3A_447] : memref<3x32x1024xf32, #tpu.memory_space<vmem>> -> memref<1x32x1024xf32, #tpu.memory_space<vmem>>
    %dma_wait3A_449 = tpu.memref_squeeze %dma_wait3A_448 : memref<1x32x1024xf32, #tpu.memory_space<vmem>> -> memref<32x1024xf32, #tpu.memory_space<vmem>>
    tpu.wait_dma2 semaphore(%arg13 : memref<!tpu.dma_semaphore, #tpu.memory_space<semaphore_mem>>) src(%dma_wait3A_449 : memref<32x1024xf32, #tpu.memory_space<vmem>>) dst(%dma_wait3A_445 : memref<32x1024xf32, #tpu.memory_space<hbm>>)
    %dma_wait3A_450 = arith.constant 1 : i32
    %dma_wait3A_451 = arith.constant 0 : i32
    %dma_wait3A_452 = arith.constant 0 : i32
    %dma_wait3A_453 = tpu.memref_slice %arg6[%dma_wait3A_450, %dma_wait3A_451, %dma_wait3A_452] : memref<3x32x1024xf32, #tpu.memory_space<vmem>> -> memref<1x32x1024xf32, #tpu.memory_space<vmem>>
    %dma_wait3A_454 = tpu.memref_squeeze %dma_wait3A_453 : memref<1x32x1024xf32, #tpu.memory_space<vmem>> -> memref<32x1024xf32, #tpu.memory_space<vmem>>
    %dma_wait3A_455 = arith.constant 0 : i32
    %dma_wait3A_456 = arith.constant 0 : i32
    %dma_wait3A_457 = tpu.memref_slice %arg4[%dma_wait3A_455, %dma_wait3A_456] : memref<32768x1024xf32, #tpu.memory_space<hbm>> -> memref<32x1024xf32, #tpu.memory_space<hbm>>
    %dma_wait3A_458 = arith.constant 0 : i32
    %dma_wait3A_459 = arith.constant 0 : i32
    %dma_wait3A_460 = tpu.memref_slice %arg4[%dma_wait3A_458, %dma_wait3A_459] : memref<32768x1024xf32, #tpu.memory_space<hbm>> -> memref<32x1024xf32, #tpu.memory_space<hbm>>
    %dma_wait3A_461 = arith.constant 0 : i32
    %dma_wait3A_462 = arith.constant 0 : i32
    %dma_wait3A_463 = tpu.memref_slice %arg6[%dma_wait3A_450, %dma_wait3A_461, %dma_wait3A_462] : memref<3x32x1024xf32, #tpu.memory_space<vmem>> -> memref<1x32x1024xf32, #tpu.memory_space<vmem>>
    %dma_wait3A_464 = tpu.memref_squeeze %dma_wait3A_463 : memref<1x32x1024xf32, #tpu.memory_space<vmem>> -> memref<32x1024xf32, #tpu.memory_space<vmem>>
    tpu.wait_dma2 semaphore(%arg13 : memref<!tpu.dma_semaphore, #tpu.memory_space<semaphore_mem>>) src(%dma_wait3A_464 : memref<32x1024xf32, #tpu.memory_space<vmem>>) dst(%dma_wait3A_460 : memref<32x1024xf32, #tpu.memory_space<hbm>>)
    %dma_wait3A_465 = arith.constant 1 : i32
    %dma_wait3A_466 = arith.constant 0 : i32
    %dma_wait3A_467 = arith.constant 0 : i32
    %dma_wait3A_468 = tpu.memref_slice %arg6[%dma_wait3A_465, %dma_wait3A_466, %dma_wait3A_467] : memref<3x32x1024xf32, #tpu.memory_space<vmem>> -> memref<1x32x1024xf32, #tpu.memory_space<vmem>>
    %dma_wait3A_469 = tpu.memref_squeeze %dma_wait3A_468 : memref<1x32x1024xf32, #tpu.memory_space<vmem>> -> memref<32x1024xf32, #tpu.memory_space<vmem>>
    %dma_wait3A_470 = arith.constant 0 : i32
    %dma_wait3A_471 = arith.constant 0 : i32
    %dma_wait3A_472 = tpu.memref_slice %arg4[%dma_wait3A_470, %dma_wait3A_471] : memref<32768x1024xf32, #tpu.memory_space<hbm>> -> memref<32x1024xf32, #tpu.memory_space<hbm>>
    %dma_wait3A_473 = arith.constant 0 : i32
    %dma_wait3A_474 = arith.constant 0 : i32
    %dma_wait3A_475 = tpu.memref_slice %arg4[%dma_wait3A_473, %dma_wait3A_474] : memref<32768x1024xf32, #tpu.memory_space<hbm>> -> memref<32x1024xf32, #tpu.memory_space<hbm>>
    %dma_wait3A_476 = arith.constant 0 : i32
    %dma_wait3A_477 = arith.constant 0 : i32
    %dma_wait3A_478 = tpu.memref_slice %arg6[%dma_wait3A_465, %dma_wait3A_476, %dma_wait3A_477] : memref<3x32x1024xf32, #tpu.memory_space<vmem>> -> memref<1x32x1024xf32, #tpu.memory_space<vmem>>
    %dma_wait3A_479 = tpu.memref_squeeze %dma_wait3A_478 : memref<1x32x1024xf32, #tpu.memory_space<vmem>> -> memref<32x1024xf32, #tpu.memory_space<vmem>>
    tpu.wait_dma2 semaphore(%arg13 : memref<!tpu.dma_semaphore, #tpu.memory_space<semaphore_mem>>) src(%dma_wait3A_479 : memref<32x1024xf32, #tpu.memory_space<vmem>>) dst(%dma_wait3A_475 : memref<32x1024xf32, #tpu.memory_space<hbm>>)
    %add3A_480 = arith.constant 128 : i32
    %add3A_481 = arith.addi %mul3A_2, %add3A_480 : i32
    %dma_start3A_482 = arith.constant 1 : i32
    %dma_start3A_483 = arith.constant 0 : i32
    %dma_start3A_484 = arith.constant 0 : i32
    %dma_start3A_485 = tpu.memref_slice %arg6[%dma_start3A_482, %dma_start3A_483, %dma_start3A_484] : memref<3x32x1024xf32, #tpu.memory_space<vmem>> -> memref<1x32x1024xf32, #tpu.memory_space<vmem>>
    %dma_start3A_486 = tpu.memref_squeeze %dma_start3A_485 : memref<1x32x1024xf32, #tpu.memory_space<vmem>> -> memref<32x1024xf32, #tpu.memory_space<vmem>>
    %dma_start3A_487 = arith.constant 0 : i32
    %dma_start3A_488 = tpu.memref_slice %arg3[%add3A_481, %dma_start3A_487] : memref<8208x1024xf32, #tpu.memory_space<hbm>> -> memref<32x1024xf32, #tpu.memory_space<hbm>>
    %dma_start3A_489 = arith.constant 0 : i32
    %dma_start3A_490 = arith.constant 0 : i32
    %dma_start3A_491 = tpu.memref_slice %arg6[%dma_start3A_482, %dma_start3A_489, %dma_start3A_490] : memref<3x32x1024xf32, #tpu.memory_space<vmem>> -> memref<1x32x1024xf32, #tpu.memory_space<vmem>>
    %dma_start3A_492 = tpu.memref_squeeze %dma_start3A_491 : memref<1x32x1024xf32, #tpu.memory_space<vmem>> -> memref<32x1024xf32, #tpu.memory_space<vmem>>
    %dma_start3A_493 = arith.constant 0 : i32
    %dma_start3A_494 = tpu.memref_slice %arg3[%add3A_481, %dma_start3A_493] : memref<8208x1024xf32, #tpu.memory_space<hbm>> -> memref<32x1024xf32, #tpu.memory_space<hbm>>
    tpu.enqueue_dma source(%dma_start3A_494 : memref<32x1024xf32, #tpu.memory_space<hbm>>) target(%dma_start3A_492 : memref<32x1024xf32, #tpu.memory_space<vmem>>) target_semaphore(%arg10 : memref<!tpu.dma_semaphore, #tpu.memory_space<semaphore_mem>>)
    %dma_wait3A_495 = arith.constant 0 : i32
    %dma_wait3A_496 = arith.constant 0 : i32
    %dma_wait3A_497 = arith.constant 0 : i32
    %dma_wait3A_498 = tpu.memref_slice %arg6[%dma_wait3A_495, %dma_wait3A_496, %dma_wait3A_497] : memref<3x32x1024xf32, #tpu.memory_space<vmem>> -> memref<1x32x1024xf32, #tpu.memory_space<vmem>>
    %dma_wait3A_499 = tpu.memref_squeeze %dma_wait3A_498 : memref<1x32x1024xf32, #tpu.memory_space<vmem>> -> memref<32x1024xf32, #tpu.memory_space<vmem>>
    %dma_wait3A_500 = arith.constant 0 : i32
    %dma_wait3A_501 = arith.constant 0 : i32
    %dma_wait3A_502 = tpu.memref_slice %arg3[%dma_wait3A_500, %dma_wait3A_501] : memref<8208x1024xf32, #tpu.memory_space<hbm>> -> memref<32x1024xf32, #tpu.memory_space<hbm>>
    %dma_wait3A_503 = arith.constant 0 : i32
    %dma_wait3A_504 = arith.constant 0 : i32
    %dma_wait3A_505 = tpu.memref_slice %arg6[%dma_wait3A_495, %dma_wait3A_503, %dma_wait3A_504] : memref<3x32x1024xf32, #tpu.memory_space<vmem>> -> memref<1x32x1024xf32, #tpu.memory_space<vmem>>
    %dma_wait3A_506 = tpu.memref_squeeze %dma_wait3A_505 : memref<1x32x1024xf32, #tpu.memory_space<vmem>> -> memref<32x1024xf32, #tpu.memory_space<vmem>>
    %dma_wait3A_507 = arith.constant 0 : i32
    %dma_wait3A_508 = arith.constant 0 : i32
    %dma_wait3A_509 = tpu.memref_slice %arg3[%dma_wait3A_507, %dma_wait3A_508] : memref<8208x1024xf32, #tpu.memory_space<hbm>> -> memref<32x1024xf32, #tpu.memory_space<hbm>>
    tpu.wait_dma2 semaphore(%arg9 : memref<!tpu.dma_semaphore, #tpu.memory_space<semaphore_mem>>) src(%dma_wait3A_509 : memref<32x1024xf32, #tpu.memory_space<hbm>>) dst(%dma_wait3A_506 : memref<32x1024xf32, #tpu.memory_space<vmem>>)
    %add3A_510 = arith.constant 0 : i32
    %add3A_511 = arith.addi %add3A_510, %mul3A_2 : i32
    %add3A_512 = arith.constant 96 : i32
    %add3A_513 = arith.addi %add3A_511, %add3A_512 : i32
    %dma_start3A_514 = arith.constant 0 : i32
    %dma_start3A_515 = arith.constant 0 : i32
    %dma_start3A_516 = arith.constant 0 : i32
    %dma_start3A_517 = tpu.memref_slice %arg6[%dma_start3A_514, %dma_start3A_515, %dma_start3A_516] : memref<3x32x1024xf32, #tpu.memory_space<vmem>> -> memref<1x32x1024xf32, #tpu.memory_space<vmem>>
    %dma_start3A_518 = tpu.memref_squeeze %dma_start3A_517 : memref<1x32x1024xf32, #tpu.memory_space<vmem>> -> memref<32x1024xf32, #tpu.memory_space<vmem>>
    %dma_start3A_519 = arith.constant 0 : i32
    %dma_start3A_520 = tpu.memref_slice %arg4[%add3A_513, %dma_start3A_519] : memref<32768x1024xf32, #tpu.memory_space<hbm>> -> memref<32x1024xf32, #tpu.memory_space<hbm>>
    %dma_start3A_521 = arith.constant 0 : i32
    %dma_start3A_522 = tpu.memref_slice %arg4[%add3A_513, %dma_start3A_521] : memref<32768x1024xf32, #tpu.memory_space<hbm>> -> memref<32x1024xf32, #tpu.memory_space<hbm>>
    %dma_start3A_523 = arith.constant 0 : i32
    %dma_start3A_524 = arith.constant 0 : i32
    %dma_start3A_525 = tpu.memref_slice %arg6[%dma_start3A_514, %dma_start3A_523, %dma_start3A_524] : memref<3x32x1024xf32, #tpu.memory_space<vmem>> -> memref<1x32x1024xf32, #tpu.memory_space<vmem>>
    %dma_start3A_526 = tpu.memref_squeeze %dma_start3A_525 : memref<1x32x1024xf32, #tpu.memory_space<vmem>> -> memref<32x1024xf32, #tpu.memory_space<vmem>>
    tpu.enqueue_dma source(%dma_start3A_526 : memref<32x1024xf32, #tpu.memory_space<vmem>>) target(%dma_start3A_522 : memref<32x1024xf32, #tpu.memory_space<hbm>>) target_semaphore(%arg12 : memref<!tpu.dma_semaphore, #tpu.memory_space<semaphore_mem>>)
    %add3A_527 = arith.constant 8192 : i32
    %add3A_528 = arith.addi %add3A_527, %mul3A_2 : i32
    %add3A_529 = arith.constant 96 : i32
    %add3A_530 = arith.addi %add3A_528, %add3A_529 : i32
    %dma_start3A_531 = arith.constant 0 : i32
    %dma_start3A_532 = arith.constant 0 : i32
    %dma_start3A_533 = arith.constant 0 : i32
    %dma_start3A_534 = tpu.memref_slice %arg6[%dma_start3A_531, %dma_start3A_532, %dma_start3A_533] : memref<3x32x1024xf32, #tpu.memory_space<vmem>> -> memref<1x32x1024xf32, #tpu.memory_space<vmem>>
    %dma_start3A_535 = tpu.memref_squeeze %dma_start3A_534 : memref<1x32x1024xf32, #tpu.memory_space<vmem>> -> memref<32x1024xf32, #tpu.memory_space<vmem>>
    %dma_start3A_536 = arith.constant 0 : i32
    %dma_start3A_537 = tpu.memref_slice %arg4[%add3A_530, %dma_start3A_536] : memref<32768x1024xf32, #tpu.memory_space<hbm>> -> memref<32x1024xf32, #tpu.memory_space<hbm>>
    %dma_start3A_538 = arith.constant 0 : i32
    %dma_start3A_539 = tpu.memref_slice %arg4[%add3A_530, %dma_start3A_538] : memref<32768x1024xf32, #tpu.memory_space<hbm>> -> memref<32x1024xf32, #tpu.memory_space<hbm>>
    %dma_start3A_540 = arith.constant 0 : i32
    %dma_start3A_541 = arith.constant 0 : i32
    %dma_start3A_542 = tpu.memref_slice %arg6[%dma_start3A_531, %dma_start3A_540, %dma_start3A_541] : memref<3x32x1024xf32, #tpu.memory_space<vmem>> -> memref<1x32x1024xf32, #tpu.memory_space<vmem>>
    %dma_start3A_543 = tpu.memref_squeeze %dma_start3A_542 : memref<1x32x1024xf32, #tpu.memory_space<vmem>> -> memref<32x1024xf32, #tpu.memory_space<vmem>>
    tpu.enqueue_dma source(%dma_start3A_543 : memref<32x1024xf32, #tpu.memory_space<vmem>>) target(%dma_start3A_539 : memref<32x1024xf32, #tpu.memory_space<hbm>>) target_semaphore(%arg12 : memref<!tpu.dma_semaphore, #tpu.memory_space<semaphore_mem>>)
    %add3A_544 = arith.constant 16384 : i32
    %add3A_545 = arith.addi %add3A_544, %mul3A_2 : i32
    %add3A_546 = arith.constant 96 : i32
    %add3A_547 = arith.addi %add3A_545, %add3A_546 : i32
    %dma_start3A_548 = arith.constant 0 : i32
    %dma_start3A_549 = arith.constant 0 : i32
    %dma_start3A_550 = arith.constant 0 : i32
    %dma_start3A_551 = tpu.memref_slice %arg6[%dma_start3A_548, %dma_start3A_549, %dma_start3A_550] : memref<3x32x1024xf32, #tpu.memory_space<vmem>> -> memref<1x32x1024xf32, #tpu.memory_space<vmem>>
    %dma_start3A_552 = tpu.memref_squeeze %dma_start3A_551 : memref<1x32x1024xf32, #tpu.memory_space<vmem>> -> memref<32x1024xf32, #tpu.memory_space<vmem>>
    %dma_start3A_553 = arith.constant 0 : i32
    %dma_start3A_554 = tpu.memref_slice %arg4[%add3A_547, %dma_start3A_553] : memref<32768x1024xf32, #tpu.memory_space<hbm>> -> memref<32x1024xf32, #tpu.memory_space<hbm>>
    %dma_start3A_555 = arith.constant 0 : i32
    %dma_start3A_556 = tpu.memref_slice %arg4[%add3A_547, %dma_start3A_555] : memref<32768x1024xf32, #tpu.memory_space<hbm>> -> memref<32x1024xf32, #tpu.memory_space<hbm>>
    %dma_start3A_557 = arith.constant 0 : i32
    %dma_start3A_558 = arith.constant 0 : i32
    %dma_start3A_559 = tpu.memref_slice %arg6[%dma_start3A_548, %dma_start3A_557, %dma_start3A_558] : memref<3x32x1024xf32, #tpu.memory_space<vmem>> -> memref<1x32x1024xf32, #tpu.memory_space<vmem>>
    %dma_start3A_560 = tpu.memref_squeeze %dma_start3A_559 : memref<1x32x1024xf32, #tpu.memory_space<vmem>> -> memref<32x1024xf32, #tpu.memory_space<vmem>>
    tpu.enqueue_dma source(%dma_start3A_560 : memref<32x1024xf32, #tpu.memory_space<vmem>>) target(%dma_start3A_556 : memref<32x1024xf32, #tpu.memory_space<hbm>>) target_semaphore(%arg12 : memref<!tpu.dma_semaphore, #tpu.memory_space<semaphore_mem>>)
    %add3A_561 = arith.constant 24576 : i32
    %add3A_562 = arith.addi %add3A_561, %mul3A_2 : i32
    %add3A_563 = arith.constant 96 : i32
    %add3A_564 = arith.addi %add3A_562, %add3A_563 : i32
    %dma_start3A_565 = arith.constant 0 : i32
    %dma_start3A_566 = arith.constant 0 : i32
    %dma_start3A_567 = arith.constant 0 : i32
    %dma_start3A_568 = tpu.memref_slice %arg6[%dma_start3A_565, %dma_start3A_566, %dma_start3A_567] : memref<3x32x1024xf32, #tpu.memory_space<vmem>> -> memref<1x32x1024xf32, #tpu.memory_space<vmem>>
    %dma_start3A_569 = tpu.memref_squeeze %dma_start3A_568 : memref<1x32x1024xf32, #tpu.memory_space<vmem>> -> memref<32x1024xf32, #tpu.memory_space<vmem>>
    %dma_start3A_570 = arith.constant 0 : i32
    %dma_start3A_571 = tpu.memref_slice %arg4[%add3A_564, %dma_start3A_570] : memref<32768x1024xf32, #tpu.memory_space<hbm>> -> memref<32x1024xf32, #tpu.memory_space<hbm>>
    %dma_start3A_572 = arith.constant 0 : i32
    %dma_start3A_573 = tpu.memref_slice %arg4[%add3A_564, %dma_start3A_572] : memref<32768x1024xf32, #tpu.memory_space<hbm>> -> memref<32x1024xf32, #tpu.memory_space<hbm>>
    %dma_start3A_574 = arith.constant 0 : i32
    %dma_start3A_575 = arith.constant 0 : i32
    %dma_start3A_576 = tpu.memref_slice %arg6[%dma_start3A_565, %dma_start3A_574, %dma_start3A_575] : memref<3x32x1024xf32, #tpu.memory_space<vmem>> -> memref<1x32x1024xf32, #tpu.memory_space<vmem>>
    %dma_start3A_577 = tpu.memref_squeeze %dma_start3A_576 : memref<1x32x1024xf32, #tpu.memory_space<vmem>> -> memref<32x1024xf32, #tpu.memory_space<vmem>>
    tpu.enqueue_dma source(%dma_start3A_577 : memref<32x1024xf32, #tpu.memory_space<vmem>>) target(%dma_start3A_573 : memref<32x1024xf32, #tpu.memory_space<hbm>>) target_semaphore(%arg12 : memref<!tpu.dma_semaphore, #tpu.memory_space<semaphore_mem>>)
    %dma_wait3A_578 = arith.constant 2 : i32
    %dma_wait3A_579 = arith.constant 0 : i32
    %dma_wait3A_580 = arith.constant 0 : i32
    %dma_wait3A_581 = tpu.memref_slice %arg6[%dma_wait3A_578, %dma_wait3A_579, %dma_wait3A_580] : memref<3x32x1024xf32, #tpu.memory_space<vmem>> -> memref<1x32x1024xf32, #tpu.memory_space<vmem>>
    %dma_wait3A_582 = tpu.memref_squeeze %dma_wait3A_581 : memref<1x32x1024xf32, #tpu.memory_space<vmem>> -> memref<32x1024xf32, #tpu.memory_space<vmem>>
    %dma_wait3A_583 = arith.constant 0 : i32
    %dma_wait3A_584 = arith.constant 0 : i32
    %dma_wait3A_585 = tpu.memref_slice %arg4[%dma_wait3A_583, %dma_wait3A_584] : memref<32768x1024xf32, #tpu.memory_space<hbm>> -> memref<32x1024xf32, #tpu.memory_space<hbm>>
    %dma_wait3A_586 = arith.constant 0 : i32
    %dma_wait3A_587 = arith.constant 0 : i32
    %dma_wait3A_588 = tpu.memref_slice %arg4[%dma_wait3A_586, %dma_wait3A_587] : memref<32768x1024xf32, #tpu.memory_space<hbm>> -> memref<32x1024xf32, #tpu.memory_space<hbm>>
    %dma_wait3A_589 = arith.constant 0 : i32
    %dma_wait3A_590 = arith.constant 0 : i32
    %dma_wait3A_591 = tpu.memref_slice %arg6[%dma_wait3A_578, %dma_wait3A_589, %dma_wait3A_590] : memref<3x32x1024xf32, #tpu.memory_space<vmem>> -> memref<1x32x1024xf32, #tpu.memory_space<vmem>>
    %dma_wait3A_592 = tpu.memref_squeeze %dma_wait3A_591 : memref<1x32x1024xf32, #tpu.memory_space<vmem>> -> memref<32x1024xf32, #tpu.memory_space<vmem>>
    tpu.wait_dma2 semaphore(%arg14 : memref<!tpu.dma_semaphore, #tpu.memory_space<semaphore_mem>>) src(%dma_wait3A_592 : memref<32x1024xf32, #tpu.memory_space<vmem>>) dst(%dma_wait3A_588 : memref<32x1024xf32, #tpu.memory_space<hbm>>)
    %dma_wait3A_593 = arith.constant 2 : i32
    %dma_wait3A_594 = arith.constant 0 : i32
    %dma_wait3A_595 = arith.constant 0 : i32
    %dma_wait3A_596 = tpu.memref_slice %arg6[%dma_wait3A_593, %dma_wait3A_594, %dma_wait3A_595] : memref<3x32x1024xf32, #tpu.memory_space<vmem>> -> memref<1x32x1024xf32, #tpu.memory_space<vmem>>
    %dma_wait3A_597 = tpu.memref_squeeze %dma_wait3A_596 : memref<1x32x1024xf32, #tpu.memory_space<vmem>> -> memref<32x1024xf32, #tpu.memory_space<vmem>>
    %dma_wait3A_598 = arith.constant 0 : i32
    %dma_wait3A_599 = arith.constant 0 : i32
    %dma_wait3A_600 = tpu.memref_slice %arg4[%dma_wait3A_598, %dma_wait3A_599] : memref<32768x1024xf32, #tpu.memory_space<hbm>> -> memref<32x1024xf32, #tpu.memory_space<hbm>>
    %dma_wait3A_601 = arith.constant 0 : i32
    %dma_wait3A_602 = arith.constant 0 : i32
    %dma_wait3A_603 = tpu.memref_slice %arg4[%dma_wait3A_601, %dma_wait3A_602] : memref<32768x1024xf32, #tpu.memory_space<hbm>> -> memref<32x1024xf32, #tpu.memory_space<hbm>>
    %dma_wait3A_604 = arith.constant 0 : i32
    %dma_wait3A_605 = arith.constant 0 : i32
    %dma_wait3A_606 = tpu.memref_slice %arg6[%dma_wait3A_593, %dma_wait3A_604, %dma_wait3A_605] : memref<3x32x1024xf32, #tpu.memory_space<vmem>> -> memref<1x32x1024xf32, #tpu.memory_space<vmem>>
    %dma_wait3A_607 = tpu.memref_squeeze %dma_wait3A_606 : memref<1x32x1024xf32, #tpu.memory_space<vmem>> -> memref<32x1024xf32, #tpu.memory_space<vmem>>
    tpu.wait_dma2 semaphore(%arg14 : memref<!tpu.dma_semaphore, #tpu.memory_space<semaphore_mem>>) src(%dma_wait3A_607 : memref<32x1024xf32, #tpu.memory_space<vmem>>) dst(%dma_wait3A_603 : memref<32x1024xf32, #tpu.memory_space<hbm>>)
    %dma_wait3A_608 = arith.constant 2 : i32
    %dma_wait3A_609 = arith.constant 0 : i32
    %dma_wait3A_610 = arith.constant 0 : i32
    %dma_wait3A_611 = tpu.memref_slice %arg6[%dma_wait3A_608, %dma_wait3A_609, %dma_wait3A_610] : memref<3x32x1024xf32, #tpu.memory_space<vmem>> -> memref<1x32x1024xf32, #tpu.memory_space<vmem>>
    %dma_wait3A_612 = tpu.memref_squeeze %dma_wait3A_611 : memref<1x32x1024xf32, #tpu.memory_space<vmem>> -> memref<32x1024xf32, #tpu.memory_space<vmem>>
    %dma_wait3A_613 = arith.constant 0 : i32
    %dma_wait3A_614 = arith.constant 0 : i32
    %dma_wait3A_615 = tpu.memref_slice %arg4[%dma_wait3A_613, %dma_wait3A_614] : memref<32768x1024xf32, #tpu.memory_space<hbm>> -> memref<32x1024xf32, #tpu.memory_space<hbm>>
    %dma_wait3A_616 = arith.constant 0 : i32
    %dma_wait3A_617 = arith.constant 0 : i32
    %dma_wait3A_618 = tpu.memref_slice %arg4[%dma_wait3A_616, %dma_wait3A_617] : memref<32768x1024xf32, #tpu.memory_space<hbm>> -> memref<32x1024xf32, #tpu.memory_space<hbm>>
    %dma_wait3A_619 = arith.constant 0 : i32
    %dma_wait3A_620 = arith.constant 0 : i32
    %dma_wait3A_621 = tpu.memref_slice %arg6[%dma_wait3A_608, %dma_wait3A_619, %dma_wait3A_620] : memref<3x32x1024xf32, #tpu.memory_space<vmem>> -> memref<1x32x1024xf32, #tpu.memory_space<vmem>>
    %dma_wait3A_622 = tpu.memref_squeeze %dma_wait3A_621 : memref<1x32x1024xf32, #tpu.memory_space<vmem>> -> memref<32x1024xf32, #tpu.memory_space<vmem>>
    tpu.wait_dma2 semaphore(%arg14 : memref<!tpu.dma_semaphore, #tpu.memory_space<semaphore_mem>>) src(%dma_wait3A_622 : memref<32x1024xf32, #tpu.memory_space<vmem>>) dst(%dma_wait3A_618 : memref<32x1024xf32, #tpu.memory_space<hbm>>)
    %dma_wait3A_623 = arith.constant 2 : i32
    %dma_wait3A_624 = arith.constant 0 : i32
    %dma_wait3A_625 = arith.constant 0 : i32
    %dma_wait3A_626 = tpu.memref_slice %arg6[%dma_wait3A_623, %dma_wait3A_624, %dma_wait3A_625] : memref<3x32x1024xf32, #tpu.memory_space<vmem>> -> memref<1x32x1024xf32, #tpu.memory_space<vmem>>
    %dma_wait3A_627 = tpu.memref_squeeze %dma_wait3A_626 : memref<1x32x1024xf32, #tpu.memory_space<vmem>> -> memref<32x1024xf32, #tpu.memory_space<vmem>>
    %dma_wait3A_628 = arith.constant 0 : i32
    %dma_wait3A_629 = arith.constant 0 : i32
    %dma_wait3A_630 = tpu.memref_slice %arg4[%dma_wait3A_628, %dma_wait3A_629] : memref<32768x1024xf32, #tpu.memory_space<hbm>> -> memref<32x1024xf32, #tpu.memory_space<hbm>>
    %dma_wait3A_631 = arith.constant 0 : i32
    %dma_wait3A_632 = arith.constant 0 : i32
    %dma_wait3A_633 = tpu.memref_slice %arg4[%dma_wait3A_631, %dma_wait3A_632] : memref<32768x1024xf32, #tpu.memory_space<hbm>> -> memref<32x1024xf32, #tpu.memory_space<hbm>>
    %dma_wait3A_634 = arith.constant 0 : i32
    %dma_wait3A_635 = arith.constant 0 : i32
    %dma_wait3A_636 = tpu.memref_slice %arg6[%dma_wait3A_623, %dma_wait3A_634, %dma_wait3A_635] : memref<3x32x1024xf32, #tpu.memory_space<vmem>> -> memref<1x32x1024xf32, #tpu.memory_space<vmem>>
    %dma_wait3A_637 = tpu.memref_squeeze %dma_wait3A_636 : memref<1x32x1024xf32, #tpu.memory_space<vmem>> -> memref<32x1024xf32, #tpu.memory_space<vmem>>
    tpu.wait_dma2 semaphore(%arg14 : memref<!tpu.dma_semaphore, #tpu.memory_space<semaphore_mem>>) src(%dma_wait3A_637 : memref<32x1024xf32, #tpu.memory_space<vmem>>) dst(%dma_wait3A_633 : memref<32x1024xf32, #tpu.memory_space<hbm>>)
    %add3A_638 = arith.constant 160 : i32
    %add3A_639 = arith.addi %mul3A_2, %add3A_638 : i32
    %dma_start3A_640 = arith.constant 2 : i32
    %dma_start3A_641 = arith.constant 0 : i32
    %dma_start3A_642 = arith.constant 0 : i32
    %dma_start3A_643 = tpu.memref_slice %arg6[%dma_start3A_640, %dma_start3A_641, %dma_start3A_642] : memref<3x32x1024xf32, #tpu.memory_space<vmem>> -> memref<1x32x1024xf32, #tpu.memory_space<vmem>>
    %dma_start3A_644 = tpu.memref_squeeze %dma_start3A_643 : memref<1x32x1024xf32, #tpu.memory_space<vmem>> -> memref<32x1024xf32, #tpu.memory_space<vmem>>
    %dma_start3A_645 = arith.constant 0 : i32
    %dma_start3A_646 = tpu.memref_slice %arg3[%add3A_639, %dma_start3A_645] : memref<8208x1024xf32, #tpu.memory_space<hbm>> -> memref<32x1024xf32, #tpu.memory_space<hbm>>
    %dma_start3A_647 = arith.constant 0 : i32
    %dma_start3A_648 = arith.constant 0 : i32
    %dma_start3A_649 = tpu.memref_slice %arg6[%dma_start3A_640, %dma_start3A_647, %dma_start3A_648] : memref<3x32x1024xf32, #tpu.memory_space<vmem>> -> memref<1x32x1024xf32, #tpu.memory_space<vmem>>
    %dma_start3A_650 = tpu.memref_squeeze %dma_start3A_649 : memref<1x32x1024xf32, #tpu.memory_space<vmem>> -> memref<32x1024xf32, #tpu.memory_space<vmem>>
    %dma_start3A_651 = arith.constant 0 : i32
    %dma_start3A_652 = tpu.memref_slice %arg3[%add3A_639, %dma_start3A_651] : memref<8208x1024xf32, #tpu.memory_space<hbm>> -> memref<32x1024xf32, #tpu.memory_space<hbm>>
    tpu.enqueue_dma source(%dma_start3A_652 : memref<32x1024xf32, #tpu.memory_space<hbm>>) target(%dma_start3A_650 : memref<32x1024xf32, #tpu.memory_space<vmem>>) target_semaphore(%arg11 : memref<!tpu.dma_semaphore, #tpu.memory_space<semaphore_mem>>)
    %dma_wait3A_653 = arith.constant 1 : i32
    %dma_wait3A_654 = arith.constant 0 : i32
    %dma_wait3A_655 = arith.constant 0 : i32
    %dma_wait3A_656 = tpu.memref_slice %arg6[%dma_wait3A_653, %dma_wait3A_654, %dma_wait3A_655] : memref<3x32x1024xf32, #tpu.memory_space<vmem>> -> memref<1x32x1024xf32, #tpu.memory_space<vmem>>
    %dma_wait3A_657 = tpu.memref_squeeze %dma_wait3A_656 : memref<1x32x1024xf32, #tpu.memory_space<vmem>> -> memref<32x1024xf32, #tpu.memory_space<vmem>>
    %dma_wait3A_658 = arith.constant 0 : i32
    %dma_wait3A_659 = arith.constant 0 : i32
    %dma_wait3A_660 = tpu.memref_slice %arg3[%dma_wait3A_658, %dma_wait3A_659] : memref<8208x1024xf32, #tpu.memory_space<hbm>> -> memref<32x1024xf32, #tpu.memory_space<hbm>>
    %dma_wait3A_661 = arith.constant 0 : i32
    %dma_wait3A_662 = arith.constant 0 : i32
    %dma_wait3A_663 = tpu.memref_slice %arg6[%dma_wait3A_653, %dma_wait3A_661, %dma_wait3A_662] : memref<3x32x1024xf32, #tpu.memory_space<vmem>> -> memref<1x32x1024xf32, #tpu.memory_space<vmem>>
    %dma_wait3A_664 = tpu.memref_squeeze %dma_wait3A_663 : memref<1x32x1024xf32, #tpu.memory_space<vmem>> -> memref<32x1024xf32, #tpu.memory_space<vmem>>
    %dma_wait3A_665 = arith.constant 0 : i32
    %dma_wait3A_666 = arith.constant 0 : i32
    %dma_wait3A_667 = tpu.memref_slice %arg3[%dma_wait3A_665, %dma_wait3A_666] : memref<8208x1024xf32, #tpu.memory_space<hbm>> -> memref<32x1024xf32, #tpu.memory_space<hbm>>
    tpu.wait_dma2 semaphore(%arg10 : memref<!tpu.dma_semaphore, #tpu.memory_space<semaphore_mem>>) src(%dma_wait3A_667 : memref<32x1024xf32, #tpu.memory_space<hbm>>) dst(%dma_wait3A_664 : memref<32x1024xf32, #tpu.memory_space<vmem>>)
    %add3A_668 = arith.constant 0 : i32
    %add3A_669 = arith.addi %add3A_668, %mul3A_2 : i32
    %add3A_670 = arith.constant 128 : i32
    %add3A_671 = arith.addi %add3A_669, %add3A_670 : i32
    %dma_start3A_672 = arith.constant 1 : i32
    %dma_start3A_673 = arith.constant 0 : i32
    %dma_start3A_674 = arith.constant 0 : i32
    %dma_start3A_675 = tpu.memref_slice %arg6[%dma_start3A_672, %dma_start3A_673, %dma_start3A_674] : memref<3x32x1024xf32, #tpu.memory_space<vmem>> -> memref<1x32x1024xf32, #tpu.memory_space<vmem>>
    %dma_start3A_676 = tpu.memref_squeeze %dma_start3A_675 : memref<1x32x1024xf32, #tpu.memory_space<vmem>> -> memref<32x1024xf32, #tpu.memory_space<vmem>>
    %dma_start3A_677 = arith.constant 0 : i32
    %dma_start3A_678 = tpu.memref_slice %arg4[%add3A_671, %dma_start3A_677] : memref<32768x1024xf32, #tpu.memory_space<hbm>> -> memref<32x1024xf32, #tpu.memory_space<hbm>>
    %dma_start3A_679 = arith.constant 0 : i32
    %dma_start3A_680 = tpu.memref_slice %arg4[%add3A_671, %dma_start3A_679] : memref<32768x1024xf32, #tpu.memory_space<hbm>> -> memref<32x1024xf32, #tpu.memory_space<hbm>>
    %dma_start3A_681 = arith.constant 0 : i32
    %dma_start3A_682 = arith.constant 0 : i32
    %dma_start3A_683 = tpu.memref_slice %arg6[%dma_start3A_672, %dma_start3A_681, %dma_start3A_682] : memref<3x32x1024xf32, #tpu.memory_space<vmem>> -> memref<1x32x1024xf32, #tpu.memory_space<vmem>>
    %dma_start3A_684 = tpu.memref_squeeze %dma_start3A_683 : memref<1x32x1024xf32, #tpu.memory_space<vmem>> -> memref<32x1024xf32, #tpu.memory_space<vmem>>
    tpu.enqueue_dma source(%dma_start3A_684 : memref<32x1024xf32, #tpu.memory_space<vmem>>) target(%dma_start3A_680 : memref<32x1024xf32, #tpu.memory_space<hbm>>) target_semaphore(%arg13 : memref<!tpu.dma_semaphore, #tpu.memory_space<semaphore_mem>>)
    %add3A_685 = arith.constant 8192 : i32
    %add3A_686 = arith.addi %add3A_685, %mul3A_2 : i32
    %add3A_687 = arith.constant 128 : i32
    %add3A_688 = arith.addi %add3A_686, %add3A_687 : i32
    %dma_start3A_689 = arith.constant 1 : i32
    %dma_start3A_690 = arith.constant 0 : i32
    %dma_start3A_691 = arith.constant 0 : i32
    %dma_start3A_692 = tpu.memref_slice %arg6[%dma_start3A_689, %dma_start3A_690, %dma_start3A_691] : memref<3x32x1024xf32, #tpu.memory_space<vmem>> -> memref<1x32x1024xf32, #tpu.memory_space<vmem>>
    %dma_start3A_693 = tpu.memref_squeeze %dma_start3A_692 : memref<1x32x1024xf32, #tpu.memory_space<vmem>> -> memref<32x1024xf32, #tpu.memory_space<vmem>>
    %dma_start3A_694 = arith.constant 0 : i32
    %dma_start3A_695 = tpu.memref_slice %arg4[%add3A_688, %dma_start3A_694] : memref<32768x1024xf32, #tpu.memory_space<hbm>> -> memref<32x1024xf32, #tpu.memory_space<hbm>>
    %dma_start3A_696 = arith.constant 0 : i32
    %dma_start3A_697 = tpu.memref_slice %arg4[%add3A_688, %dma_start3A_696] : memref<32768x1024xf32, #tpu.memory_space<hbm>> -> memref<32x1024xf32, #tpu.memory_space<hbm>>
    %dma_start3A_698 = arith.constant 0 : i32
    %dma_start3A_699 = arith.constant 0 : i32
    %dma_start3A_700 = tpu.memref_slice %arg6[%dma_start3A_689, %dma_start3A_698, %dma_start3A_699] : memref<3x32x1024xf32, #tpu.memory_space<vmem>> -> memref<1x32x1024xf32, #tpu.memory_space<vmem>>
    %dma_start3A_701 = tpu.memref_squeeze %dma_start3A_700 : memref<1x32x1024xf32, #tpu.memory_space<vmem>> -> memref<32x1024xf32, #tpu.memory_space<vmem>>
    tpu.enqueue_dma source(%dma_start3A_701 : memref<32x1024xf32, #tpu.memory_space<vmem>>) target(%dma_start3A_697 : memref<32x1024xf32, #tpu.memory_space<hbm>>) target_semaphore(%arg13 : memref<!tpu.dma_semaphore, #tpu.memory_space<semaphore_mem>>)
    %add3A_702 = arith.constant 16384 : i32
    %add3A_703 = arith.addi %add3A_702, %mul3A_2 : i32
    %add3A_704 = arith.constant 128 : i32
    %add3A_705 = arith.addi %add3A_703, %add3A_704 : i32
    %dma_start3A_706 = arith.constant 1 : i32
    %dma_start3A_707 = arith.constant 0 : i32
    %dma_start3A_708 = arith.constant 0 : i32
    %dma_start3A_709 = tpu.memref_slice %arg6[%dma_start3A_706, %dma_start3A_707, %dma_start3A_708] : memref<3x32x1024xf32, #tpu.memory_space<vmem>> -> memref<1x32x1024xf32, #tpu.memory_space<vmem>>
    %dma_start3A_710 = tpu.memref_squeeze %dma_start3A_709 : memref<1x32x1024xf32, #tpu.memory_space<vmem>> -> memref<32x1024xf32, #tpu.memory_space<vmem>>
    %dma_start3A_711 = arith.constant 0 : i32
    %dma_start3A_712 = tpu.memref_slice %arg4[%add3A_705, %dma_start3A_711] : memref<32768x1024xf32, #tpu.memory_space<hbm>> -> memref<32x1024xf32, #tpu.memory_space<hbm>>
    %dma_start3A_713 = arith.constant 0 : i32
    %dma_start3A_714 = tpu.memref_slice %arg4[%add3A_705, %dma_start3A_713] : memref<32768x1024xf32, #tpu.memory_space<hbm>> -> memref<32x1024xf32, #tpu.memory_space<hbm>>
    %dma_start3A_715 = arith.constant 0 : i32
    %dma_start3A_716 = arith.constant 0 : i32
    %dma_start3A_717 = tpu.memref_slice %arg6[%dma_start3A_706, %dma_start3A_715, %dma_start3A_716] : memref<3x32x1024xf32, #tpu.memory_space<vmem>> -> memref<1x32x1024xf32, #tpu.memory_space<vmem>>
    %dma_start3A_718 = tpu.memref_squeeze %dma_start3A_717 : memref<1x32x1024xf32, #tpu.memory_space<vmem>> -> memref<32x1024xf32, #tpu.memory_space<vmem>>
    tpu.enqueue_dma source(%dma_start3A_718 : memref<32x1024xf32, #tpu.memory_space<vmem>>) target(%dma_start3A_714 : memref<32x1024xf32, #tpu.memory_space<hbm>>) target_semaphore(%arg13 : memref<!tpu.dma_semaphore, #tpu.memory_space<semaphore_mem>>)
    %add3A_719 = arith.constant 24576 : i32
    %add3A_720 = arith.addi %add3A_719, %mul3A_2 : i32
    %add3A_721 = arith.constant 128 : i32
    %add3A_722 = arith.addi %add3A_720, %add3A_721 : i32
    %dma_start3A_723 = arith.constant 1 : i32
    %dma_start3A_724 = arith.constant 0 : i32
    %dma_start3A_725 = arith.constant 0 : i32
    %dma_start3A_726 = tpu.memref_slice %arg6[%dma_start3A_723, %dma_start3A_724, %dma_start3A_725] : memref<3x32x1024xf32, #tpu.memory_space<vmem>> -> memref<1x32x1024xf32, #tpu.memory_space<vmem>>
    %dma_start3A_727 = tpu.memref_squeeze %dma_start3A_726 : memref<1x32x1024xf32, #tpu.memory_space<vmem>> -> memref<32x1024xf32, #tpu.memory_space<vmem>>
    %dma_start3A_728 = arith.constant 0 : i32
    %dma_start3A_729 = tpu.memref_slice %arg4[%add3A_722, %dma_start3A_728] : memref<32768x1024xf32, #tpu.memory_space<hbm>> -> memref<32x1024xf32, #tpu.memory_space<hbm>>
    %dma_start3A_730 = arith.constant 0 : i32
    %dma_start3A_731 = tpu.memref_slice %arg4[%add3A_722, %dma_start3A_730] : memref<32768x1024xf32, #tpu.memory_space<hbm>> -> memref<32x1024xf32, #tpu.memory_space<hbm>>
    %dma_start3A_732 = arith.constant 0 : i32
    %dma_start3A_733 = arith.constant 0 : i32
    %dma_start3A_734 = tpu.memref_slice %arg6[%dma_start3A_723, %dma_start3A_732, %dma_start3A_733] : memref<3x32x1024xf32, #tpu.memory_space<vmem>> -> memref<1x32x1024xf32, #tpu.memory_space<vmem>>
    %dma_start3A_735 = tpu.memref_squeeze %dma_start3A_734 : memref<1x32x1024xf32, #tpu.memory_space<vmem>> -> memref<32x1024xf32, #tpu.memory_space<vmem>>
    tpu.enqueue_dma source(%dma_start3A_735 : memref<32x1024xf32, #tpu.memory_space<vmem>>) target(%dma_start3A_731 : memref<32x1024xf32, #tpu.memory_space<hbm>>) target_semaphore(%arg13 : memref<!tpu.dma_semaphore, #tpu.memory_space<semaphore_mem>>)
    %dma_wait3A_736 = arith.constant 0 : i32
    %dma_wait3A_737 = arith.constant 0 : i32
    %dma_wait3A_738 = arith.constant 0 : i32
    %dma_wait3A_739 = tpu.memref_slice %arg6[%dma_wait3A_736, %dma_wait3A_737, %dma_wait3A_738] : memref<3x32x1024xf32, #tpu.memory_space<vmem>> -> memref<1x32x1024xf32, #tpu.memory_space<vmem>>
    %dma_wait3A_740 = tpu.memref_squeeze %dma_wait3A_739 : memref<1x32x1024xf32, #tpu.memory_space<vmem>> -> memref<32x1024xf32, #tpu.memory_space<vmem>>
    %dma_wait3A_741 = arith.constant 0 : i32
    %dma_wait3A_742 = arith.constant 0 : i32
    %dma_wait3A_743 = tpu.memref_slice %arg4[%dma_wait3A_741, %dma_wait3A_742] : memref<32768x1024xf32, #tpu.memory_space<hbm>> -> memref<32x1024xf32, #tpu.memory_space<hbm>>
    %dma_wait3A_744 = arith.constant 0 : i32
    %dma_wait3A_745 = arith.constant 0 : i32
    %dma_wait3A_746 = tpu.memref_slice %arg4[%dma_wait3A_744, %dma_wait3A_745] : memref<32768x1024xf32, #tpu.memory_space<hbm>> -> memref<32x1024xf32, #tpu.memory_space<hbm>>
    %dma_wait3A_747 = arith.constant 0 : i32
    %dma_wait3A_748 = arith.constant 0 : i32
    %dma_wait3A_749 = tpu.memref_slice %arg6[%dma_wait3A_736, %dma_wait3A_747, %dma_wait3A_748] : memref<3x32x1024xf32, #tpu.memory_space<vmem>> -> memref<1x32x1024xf32, #tpu.memory_space<vmem>>
    %dma_wait3A_750 = tpu.memref_squeeze %dma_wait3A_749 : memref<1x32x1024xf32, #tpu.memory_space<vmem>> -> memref<32x1024xf32, #tpu.memory_space<vmem>>
    tpu.wait_dma2 semaphore(%arg12 : memref<!tpu.dma_semaphore, #tpu.memory_space<semaphore_mem>>) src(%dma_wait3A_750 : memref<32x1024xf32, #tpu.memory_space<vmem>>) dst(%dma_wait3A_746 : memref<32x1024xf32, #tpu.memory_space<hbm>>)
    %dma_wait3A_751 = arith.constant 0 : i32
    %dma_wait3A_752 = arith.constant 0 : i32
    %dma_wait3A_753 = arith.constant 0 : i32
    %dma_wait3A_754 = tpu.memref_slice %arg6[%dma_wait3A_751, %dma_wait3A_752, %dma_wait3A_753] : memref<3x32x1024xf32, #tpu.memory_space<vmem>> -> memref<1x32x1024xf32, #tpu.memory_space<vmem>>
    %dma_wait3A_755 = tpu.memref_squeeze %dma_wait3A_754 : memref<1x32x1024xf32, #tpu.memory_space<vmem>> -> memref<32x1024xf32, #tpu.memory_space<vmem>>
    %dma_wait3A_756 = arith.constant 0 : i32
    %dma_wait3A_757 = arith.constant 0 : i32
    %dma_wait3A_758 = tpu.memref_slice %arg4[%dma_wait3A_756, %dma_wait3A_757] : memref<32768x1024xf32, #tpu.memory_space<hbm>> -> memref<32x1024xf32, #tpu.memory_space<hbm>>
    %dma_wait3A_759 = arith.constant 0 : i32
    %dma_wait3A_760 = arith.constant 0 : i32
    %dma_wait3A_761 = tpu.memref_slice %arg4[%dma_wait3A_759, %dma_wait3A_760] : memref<32768x1024xf32, #tpu.memory_space<hbm>> -> memref<32x1024xf32, #tpu.memory_space<hbm>>
    %dma_wait3A_762 = arith.constant 0 : i32
    %dma_wait3A_763 = arith.constant 0 : i32
    %dma_wait3A_764 = tpu.memref_slice %arg6[%dma_wait3A_751, %dma_wait3A_762, %dma_wait3A_763] : memref<3x32x1024xf32, #tpu.memory_space<vmem>> -> memref<1x32x1024xf32, #tpu.memory_space<vmem>>
    %dma_wait3A_765 = tpu.memref_squeeze %dma_wait3A_764 : memref<1x32x1024xf32, #tpu.memory_space<vmem>> -> memref<32x1024xf32, #tpu.memory_space<vmem>>
    tpu.wait_dma2 semaphore(%arg12 : memref<!tpu.dma_semaphore, #tpu.memory_space<semaphore_mem>>) src(%dma_wait3A_765 : memref<32x1024xf32, #tpu.memory_space<vmem>>) dst(%dma_wait3A_761 : memref<32x1024xf32, #tpu.memory_space<hbm>>)
    %dma_wait3A_766 = arith.constant 0 : i32
    %dma_wait3A_767 = arith.constant 0 : i32
    %dma_wait3A_768 = arith.constant 0 : i32
    %dma_wait3A_769 = tpu.memref_slice %arg6[%dma_wait3A_766, %dma_wait3A_767, %dma_wait3A_768] : memref<3x32x1024xf32, #tpu.memory_space<vmem>> -> memref<1x32x1024xf32, #tpu.memory_space<vmem>>
    %dma_wait3A_770 = tpu.memref_squeeze %dma_wait3A_769 : memref<1x32x1024xf32, #tpu.memory_space<vmem>> -> memref<32x1024xf32, #tpu.memory_space<vmem>>
    %dma_wait3A_771 = arith.constant 0 : i32
    %dma_wait3A_772 = arith.constant 0 : i32
    %dma_wait3A_773 = tpu.memref_slice %arg4[%dma_wait3A_771, %dma_wait3A_772] : memref<32768x1024xf32, #tpu.memory_space<hbm>> -> memref<32x1024xf32, #tpu.memory_space<hbm>>
    %dma_wait3A_774 = arith.constant 0 : i32
    %dma_wait3A_775 = arith.constant 0 : i32
    %dma_wait3A_776 = tpu.memref_slice %arg4[%dma_wait3A_774, %dma_wait3A_775] : memref<32768x1024xf32, #tpu.memory_space<hbm>> -> memref<32x1024xf32, #tpu.memory_space<hbm>>
    %dma_wait3A_777 = arith.constant 0 : i32
    %dma_wait3A_778 = arith.constant 0 : i32
    %dma_wait3A_779 = tpu.memref_slice %arg6[%dma_wait3A_766, %dma_wait3A_777, %dma_wait3A_778] : memref<3x32x1024xf32, #tpu.memory_space<vmem>> -> memref<1x32x1024xf32, #tpu.memory_space<vmem>>
    %dma_wait3A_780 = tpu.memref_squeeze %dma_wait3A_779 : memref<1x32x1024xf32, #tpu.memory_space<vmem>> -> memref<32x1024xf32, #tpu.memory_space<vmem>>
    tpu.wait_dma2 semaphore(%arg12 : memref<!tpu.dma_semaphore, #tpu.memory_space<semaphore_mem>>) src(%dma_wait3A_780 : memref<32x1024xf32, #tpu.memory_space<vmem>>) dst(%dma_wait3A_776 : memref<32x1024xf32, #tpu.memory_space<hbm>>)
    %dma_wait3A_781 = arith.constant 0 : i32
    %dma_wait3A_782 = arith.constant 0 : i32
    %dma_wait3A_783 = arith.constant 0 : i32
    %dma_wait3A_784 = tpu.memref_slice %arg6[%dma_wait3A_781, %dma_wait3A_782, %dma_wait3A_783] : memref<3x32x1024xf32, #tpu.memory_space<vmem>> -> memref<1x32x1024xf32, #tpu.memory_space<vmem>>
    %dma_wait3A_785 = tpu.memref_squeeze %dma_wait3A_784 : memref<1x32x1024xf32, #tpu.memory_space<vmem>> -> memref<32x1024xf32, #tpu.memory_space<vmem>>
    %dma_wait3A_786 = arith.constant 0 : i32
    %dma_wait3A_787 = arith.constant 0 : i32
    %dma_wait3A_788 = tpu.memref_slice %arg4[%dma_wait3A_786, %dma_wait3A_787] : memref<32768x1024xf32, #tpu.memory_space<hbm>> -> memref<32x1024xf32, #tpu.memory_space<hbm>>
    %dma_wait3A_789 = arith.constant 0 : i32
    %dma_wait3A_790 = arith.constant 0 : i32
    %dma_wait3A_791 = tpu.memref_slice %arg4[%dma_wait3A_789, %dma_wait3A_790] : memref<32768x1024xf32, #tpu.memory_space<hbm>> -> memref<32x1024xf32, #tpu.memory_space<hbm>>
    %dma_wait3A_792 = arith.constant 0 : i32
    %dma_wait3A_793 = arith.constant 0 : i32
    %dma_wait3A_794 = tpu.memref_slice %arg6[%dma_wait3A_781, %dma_wait3A_792, %dma_wait3A_793] : memref<3x32x1024xf32, #tpu.memory_space<vmem>> -> memref<1x32x1024xf32, #tpu.memory_space<vmem>>
    %dma_wait3A_795 = tpu.memref_squeeze %dma_wait3A_794 : memref<1x32x1024xf32, #tpu.memory_space<vmem>> -> memref<32x1024xf32, #tpu.memory_space<vmem>>
    tpu.wait_dma2 semaphore(%arg12 : memref<!tpu.dma_semaphore, #tpu.memory_space<semaphore_mem>>) src(%dma_wait3A_795 : memref<32x1024xf32, #tpu.memory_space<vmem>>) dst(%dma_wait3A_791 : memref<32x1024xf32, #tpu.memory_space<hbm>>)
    %add3A_796 = arith.constant 192 : i32
    %add3A_797 = arith.addi %mul3A_2, %add3A_796 : i32
    %dma_start3A_798 = arith.constant 0 : i32
    %dma_start3A_799 = arith.constant 0 : i32
    %dma_start3A_800 = arith.constant 0 : i32
    %dma_start3A_801 = tpu.memref_slice %arg6[%dma_start3A_798, %dma_start3A_799, %dma_start3A_800] : memref<3x32x1024xf32, #tpu.memory_space<vmem>> -> memref<1x32x1024xf32, #tpu.memory_space<vmem>>
    %dma_start3A_802 = tpu.memref_squeeze %dma_start3A_801 : memref<1x32x1024xf32, #tpu.memory_space<vmem>> -> memref<32x1024xf32, #tpu.memory_space<vmem>>
    %dma_start3A_803 = arith.constant 0 : i32
    %dma_start3A_804 = tpu.memref_slice %arg3[%add3A_797, %dma_start3A_803] : memref<8208x1024xf32, #tpu.memory_space<hbm>> -> memref<32x1024xf32, #tpu.memory_space<hbm>>
    %dma_start3A_805 = arith.constant 0 : i32
    %dma_start3A_806 = arith.constant 0 : i32
    %dma_start3A_807 = tpu.memref_slice %arg6[%dma_start3A_798, %dma_start3A_805, %dma_start3A_806] : memref<3x32x1024xf32, #tpu.memory_space<vmem>> -> memref<1x32x1024xf32, #tpu.memory_space<vmem>>
    %dma_start3A_808 = tpu.memref_squeeze %dma_start3A_807 : memref<1x32x1024xf32, #tpu.memory_space<vmem>> -> memref<32x1024xf32, #tpu.memory_space<vmem>>
    %dma_start3A_809 = arith.constant 0 : i32
    %dma_start3A_810 = tpu.memref_slice %arg3[%add3A_797, %dma_start3A_809] : memref<8208x1024xf32, #tpu.memory_space<hbm>> -> memref<32x1024xf32, #tpu.memory_space<hbm>>
    tpu.enqueue_dma source(%dma_start3A_810 : memref<32x1024xf32, #tpu.memory_space<hbm>>) target(%dma_start3A_808 : memref<32x1024xf32, #tpu.memory_space<vmem>>) target_semaphore(%arg9 : memref<!tpu.dma_semaphore, #tpu.memory_space<semaphore_mem>>)
    %dma_wait3A_811 = arith.constant 2 : i32
    %dma_wait3A_812 = arith.constant 0 : i32
    %dma_wait3A_813 = arith.constant 0 : i32
    %dma_wait3A_814 = tpu.memref_slice %arg6[%dma_wait3A_811, %dma_wait3A_812, %dma_wait3A_813] : memref<3x32x1024xf32, #tpu.memory_space<vmem>> -> memref<1x32x1024xf32, #tpu.memory_space<vmem>>
    %dma_wait3A_815 = tpu.memref_squeeze %dma_wait3A_814 : memref<1x32x1024xf32, #tpu.memory_space<vmem>> -> memref<32x1024xf32, #tpu.memory_space<vmem>>
    %dma_wait3A_816 = arith.constant 0 : i32
    %dma_wait3A_817 = arith.constant 0 : i32
    %dma_wait3A_818 = tpu.memref_slice %arg3[%dma_wait3A_816, %dma_wait3A_817] : memref<8208x1024xf32, #tpu.memory_space<hbm>> -> memref<32x1024xf32, #tpu.memory_space<hbm>>
    %dma_wait3A_819 = arith.constant 0 : i32
    %dma_wait3A_820 = arith.constant 0 : i32
    %dma_wait3A_821 = tpu.memref_slice %arg6[%dma_wait3A_811, %dma_wait3A_819, %dma_wait3A_820] : memref<3x32x1024xf32, #tpu.memory_space<vmem>> -> memref<1x32x1024xf32, #tpu.memory_space<vmem>>
    %dma_wait3A_822 = tpu.memref_squeeze %dma_wait3A_821 : memref<1x32x1024xf32, #tpu.memory_space<vmem>> -> memref<32x1024xf32, #tpu.memory_space<vmem>>
    %dma_wait3A_823 = arith.constant 0 : i32
    %dma_wait3A_824 = arith.constant 0 : i32
    %dma_wait3A_825 = tpu.memref_slice %arg3[%dma_wait3A_823, %dma_wait3A_824] : memref<8208x1024xf32, #tpu.memory_space<hbm>> -> memref<32x1024xf32, #tpu.memory_space<hbm>>
    tpu.wait_dma2 semaphore(%arg11 : memref<!tpu.dma_semaphore, #tpu.memory_space<semaphore_mem>>) src(%dma_wait3A_825 : memref<32x1024xf32, #tpu.memory_space<hbm>>) dst(%dma_wait3A_822 : memref<32x1024xf32, #tpu.memory_space<vmem>>)
    %add3A_826 = arith.constant 0 : i32
    %add3A_827 = arith.addi %add3A_826, %mul3A_2 : i32
    %add3A_828 = arith.constant 160 : i32
    %add3A_829 = arith.addi %add3A_827, %add3A_828 : i32
    %dma_start3A_830 = arith.constant 2 : i32
    %dma_start3A_831 = arith.constant 0 : i32
    %dma_start3A_832 = arith.constant 0 : i32
    %dma_start3A_833 = tpu.memref_slice %arg6[%dma_start3A_830, %dma_start3A_831, %dma_start3A_832] : memref<3x32x1024xf32, #tpu.memory_space<vmem>> -> memref<1x32x1024xf32, #tpu.memory_space<vmem>>
    %dma_start3A_834 = tpu.memref_squeeze %dma_start3A_833 : memref<1x32x1024xf32, #tpu.memory_space<vmem>> -> memref<32x1024xf32, #tpu.memory_space<vmem>>
    %dma_start3A_835 = arith.constant 0 : i32
    %dma_start3A_836 = tpu.memref_slice %arg4[%add3A_829, %dma_start3A_835] : memref<32768x1024xf32, #tpu.memory_space<hbm>> -> memref<32x1024xf32, #tpu.memory_space<hbm>>
    %dma_start3A_837 = arith.constant 0 : i32
    %dma_start3A_838 = tpu.memref_slice %arg4[%add3A_829, %dma_start3A_837] : memref<32768x1024xf32, #tpu.memory_space<hbm>> -> memref<32x1024xf32, #tpu.memory_space<hbm>>
    %dma_start3A_839 = arith.constant 0 : i32
    %dma_start3A_840 = arith.constant 0 : i32
    %dma_start3A_841 = tpu.memref_slice %arg6[%dma_start3A_830, %dma_start3A_839, %dma_start3A_840] : memref<3x32x1024xf32, #tpu.memory_space<vmem>> -> memref<1x32x1024xf32, #tpu.memory_space<vmem>>
    %dma_start3A_842 = tpu.memref_squeeze %dma_start3A_841 : memref<1x32x1024xf32, #tpu.memory_space<vmem>> -> memref<32x1024xf32, #tpu.memory_space<vmem>>
    tpu.enqueue_dma source(%dma_start3A_842 : memref<32x1024xf32, #tpu.memory_space<vmem>>) target(%dma_start3A_838 : memref<32x1024xf32, #tpu.memory_space<hbm>>) target_semaphore(%arg14 : memref<!tpu.dma_semaphore, #tpu.memory_space<semaphore_mem>>)
    %add3A_843 = arith.constant 8192 : i32
    %add3A_844 = arith.addi %add3A_843, %mul3A_2 : i32
    %add3A_845 = arith.constant 160 : i32
    %add3A_846 = arith.addi %add3A_844, %add3A_845 : i32
    %dma_start3A_847 = arith.constant 2 : i32
    %dma_start3A_848 = arith.constant 0 : i32
    %dma_start3A_849 = arith.constant 0 : i32
    %dma_start3A_850 = tpu.memref_slice %arg6[%dma_start3A_847, %dma_start3A_848, %dma_start3A_849] : memref<3x32x1024xf32, #tpu.memory_space<vmem>> -> memref<1x32x1024xf32, #tpu.memory_space<vmem>>
    %dma_start3A_851 = tpu.memref_squeeze %dma_start3A_850 : memref<1x32x1024xf32, #tpu.memory_space<vmem>> -> memref<32x1024xf32, #tpu.memory_space<vmem>>
    %dma_start3A_852 = arith.constant 0 : i32
    %dma_start3A_853 = tpu.memref_slice %arg4[%add3A_846, %dma_start3A_852] : memref<32768x1024xf32, #tpu.memory_space<hbm>> -> memref<32x1024xf32, #tpu.memory_space<hbm>>
    %dma_start3A_854 = arith.constant 0 : i32
    %dma_start3A_855 = tpu.memref_slice %arg4[%add3A_846, %dma_start3A_854] : memref<32768x1024xf32, #tpu.memory_space<hbm>> -> memref<32x1024xf32, #tpu.memory_space<hbm>>
    %dma_start3A_856 = arith.constant 0 : i32
    %dma_start3A_857 = arith.constant 0 : i32
    %dma_start3A_858 = tpu.memref_slice %arg6[%dma_start3A_847, %dma_start3A_856, %dma_start3A_857] : memref<3x32x1024xf32, #tpu.memory_space<vmem>> -> memref<1x32x1024xf32, #tpu.memory_space<vmem>>
    %dma_start3A_859 = tpu.memref_squeeze %dma_start3A_858 : memref<1x32x1024xf32, #tpu.memory_space<vmem>> -> memref<32x1024xf32, #tpu.memory_space<vmem>>
    tpu.enqueue_dma source(%dma_start3A_859 : memref<32x1024xf32, #tpu.memory_space<vmem>>) target(%dma_start3A_855 : memref<32x1024xf32, #tpu.memory_space<hbm>>) target_semaphore(%arg14 : memref<!tpu.dma_semaphore, #tpu.memory_space<semaphore_mem>>)
    %add3A_860 = arith.constant 16384 : i32
    %add3A_861 = arith.addi %add3A_860, %mul3A_2 : i32
    %add3A_862 = arith.constant 160 : i32
    %add3A_863 = arith.addi %add3A_861, %add3A_862 : i32
    %dma_start3A_864 = arith.constant 2 : i32
    %dma_start3A_865 = arith.constant 0 : i32
    %dma_start3A_866 = arith.constant 0 : i32
    %dma_start3A_867 = tpu.memref_slice %arg6[%dma_start3A_864, %dma_start3A_865, %dma_start3A_866] : memref<3x32x1024xf32, #tpu.memory_space<vmem>> -> memref<1x32x1024xf32, #tpu.memory_space<vmem>>
    %dma_start3A_868 = tpu.memref_squeeze %dma_start3A_867 : memref<1x32x1024xf32, #tpu.memory_space<vmem>> -> memref<32x1024xf32, #tpu.memory_space<vmem>>
    %dma_start3A_869 = arith.constant 0 : i32
    %dma_start3A_870 = tpu.memref_slice %arg4[%add3A_863, %dma_start3A_869] : memref<32768x1024xf32, #tpu.memory_space<hbm>> -> memref<32x1024xf32, #tpu.memory_space<hbm>>
    %dma_start3A_871 = arith.constant 0 : i32
    %dma_start3A_872 = tpu.memref_slice %arg4[%add3A_863, %dma_start3A_871] : memref<32768x1024xf32, #tpu.memory_space<hbm>> -> memref<32x1024xf32, #tpu.memory_space<hbm>>
    %dma_start3A_873 = arith.constant 0 : i32
    %dma_start3A_874 = arith.constant 0 : i32
    %dma_start3A_875 = tpu.memref_slice %arg6[%dma_start3A_864, %dma_start3A_873, %dma_start3A_874] : memref<3x32x1024xf32, #tpu.memory_space<vmem>> -> memref<1x32x1024xf32, #tpu.memory_space<vmem>>
    %dma_start3A_876 = tpu.memref_squeeze %dma_start3A_875 : memref<1x32x1024xf32, #tpu.memory_space<vmem>> -> memref<32x1024xf32, #tpu.memory_space<vmem>>
    tpu.enqueue_dma source(%dma_start3A_876 : memref<32x1024xf32, #tpu.memory_space<vmem>>) target(%dma_start3A_872 : memref<32x1024xf32, #tpu.memory_space<hbm>>) target_semaphore(%arg14 : memref<!tpu.dma_semaphore, #tpu.memory_space<semaphore_mem>>)
    %add3A_877 = arith.constant 24576 : i32
    %add3A_878 = arith.addi %add3A_877, %mul3A_2 : i32
    %add3A_879 = arith.constant 160 : i32
    %add3A_880 = arith.addi %add3A_878, %add3A_879 : i32
    %dma_start3A_881 = arith.constant 2 : i32
    %dma_start3A_882 = arith.constant 0 : i32
    %dma_start3A_883 = arith.constant 0 : i32
    %dma_start3A_884 = tpu.memref_slice %arg6[%dma_start3A_881, %dma_start3A_882, %dma_start3A_883] : memref<3x32x1024xf32, #tpu.memory_space<vmem>> -> memref<1x32x1024xf32, #tpu.memory_space<vmem>>
    %dma_start3A_885 = tpu.memref_squeeze %dma_start3A_884 : memref<1x32x1024xf32, #tpu.memory_space<vmem>> -> memref<32x1024xf32, #tpu.memory_space<vmem>>
    %dma_start3A_886 = arith.constant 0 : i32
    %dma_start3A_887 = tpu.memref_slice %arg4[%add3A_880, %dma_start3A_886] : memref<32768x1024xf32, #tpu.memory_space<hbm>> -> memref<32x1024xf32, #tpu.memory_space<hbm>>
    %dma_start3A_888 = arith.constant 0 : i32
    %dma_start3A_889 = tpu.memref_slice %arg4[%add3A_880, %dma_start3A_888] : memref<32768x1024xf32, #tpu.memory_space<hbm>> -> memref<32x1024xf32, #tpu.memory_space<hbm>>
    %dma_start3A_890 = arith.constant 0 : i32
    %dma_start3A_891 = arith.constant 0 : i32
    %dma_start3A_892 = tpu.memref_slice %arg6[%dma_start3A_881, %dma_start3A_890, %dma_start3A_891] : memref<3x32x1024xf32, #tpu.memory_space<vmem>> -> memref<1x32x1024xf32, #tpu.memory_space<vmem>>
    %dma_start3A_893 = tpu.memref_squeeze %dma_start3A_892 : memref<1x32x1024xf32, #tpu.memory_space<vmem>> -> memref<32x1024xf32, #tpu.memory_space<vmem>>
    tpu.enqueue_dma source(%dma_start3A_893 : memref<32x1024xf32, #tpu.memory_space<vmem>>) target(%dma_start3A_889 : memref<32x1024xf32, #tpu.memory_space<hbm>>) target_semaphore(%arg14 : memref<!tpu.dma_semaphore, #tpu.memory_space<semaphore_mem>>)
    %dma_wait3A_894 = arith.constant 1 : i32
    %dma_wait3A_895 = arith.constant 0 : i32
    %dma_wait3A_896 = arith.constant 0 : i32
    %dma_wait3A_897 = tpu.memref_slice %arg6[%dma_wait3A_894, %dma_wait3A_895, %dma_wait3A_896] : memref<3x32x1024xf32, #tpu.memory_space<vmem>> -> memref<1x32x1024xf32, #tpu.memory_space<vmem>>
    %dma_wait3A_898 = tpu.memref_squeeze %dma_wait3A_897 : memref<1x32x1024xf32, #tpu.memory_space<vmem>> -> memref<32x1024xf32, #tpu.memory_space<vmem>>
    %dma_wait3A_899 = arith.constant 0 : i32
    %dma_wait3A_900 = arith.constant 0 : i32
    %dma_wait3A_901 = tpu.memref_slice %arg4[%dma_wait3A_899, %dma_wait3A_900] : memref<32768x1024xf32, #tpu.memory_space<hbm>> -> memref<32x1024xf32, #tpu.memory_space<hbm>>
    %dma_wait3A_902 = arith.constant 0 : i32
    %dma_wait3A_903 = arith.constant 0 : i32
    %dma_wait3A_904 = tpu.memref_slice %arg4[%dma_wait3A_902, %dma_wait3A_903] : memref<32768x1024xf32, #tpu.memory_space<hbm>> -> memref<32x1024xf32, #tpu.memory_space<hbm>>
    %dma_wait3A_905 = arith.constant 0 : i32
    %dma_wait3A_906 = arith.constant 0 : i32
    %dma_wait3A_907 = tpu.memref_slice %arg6[%dma_wait3A_894, %dma_wait3A_905, %dma_wait3A_906] : memref<3x32x1024xf32, #tpu.memory_space<vmem>> -> memref<1x32x1024xf32, #tpu.memory_space<vmem>>
    %dma_wait3A_908 = tpu.memref_squeeze %dma_wait3A_907 : memref<1x32x1024xf32, #tpu.memory_space<vmem>> -> memref<32x1024xf32, #tpu.memory_space<vmem>>
    tpu.wait_dma2 semaphore(%arg13 : memref<!tpu.dma_semaphore, #tpu.memory_space<semaphore_mem>>) src(%dma_wait3A_908 : memref<32x1024xf32, #tpu.memory_space<vmem>>) dst(%dma_wait3A_904 : memref<32x1024xf32, #tpu.memory_space<hbm>>)
    %dma_wait3A_909 = arith.constant 1 : i32
    %dma_wait3A_910 = arith.constant 0 : i32
    %dma_wait3A_911 = arith.constant 0 : i32
    %dma_wait3A_912 = tpu.memref_slice %arg6[%dma_wait3A_909, %dma_wait3A_910, %dma_wait3A_911] : memref<3x32x1024xf32, #tpu.memory_space<vmem>> -> memref<1x32x1024xf32, #tpu.memory_space<vmem>>
    %dma_wait3A_913 = tpu.memref_squeeze %dma_wait3A_912 : memref<1x32x1024xf32, #tpu.memory_space<vmem>> -> memref<32x1024xf32, #tpu.memory_space<vmem>>
    %dma_wait3A_914 = arith.constant 0 : i32
    %dma_wait3A_915 = arith.constant 0 : i32
    %dma_wait3A_916 = tpu.memref_slice %arg4[%dma_wait3A_914, %dma_wait3A_915] : memref<32768x1024xf32, #tpu.memory_space<hbm>> -> memref<32x1024xf32, #tpu.memory_space<hbm>>
    %dma_wait3A_917 = arith.constant 0 : i32
    %dma_wait3A_918 = arith.constant 0 : i32
    %dma_wait3A_919 = tpu.memref_slice %arg4[%dma_wait3A_917, %dma_wait3A_918] : memref<32768x1024xf32, #tpu.memory_space<hbm>> -> memref<32x1024xf32, #tpu.memory_space<hbm>>
    %dma_wait3A_920 = arith.constant 0 : i32
    %dma_wait3A_921 = arith.constant 0 : i32
    %dma_wait3A_922 = tpu.memref_slice %arg6[%dma_wait3A_909, %dma_wait3A_920, %dma_wait3A_921] : memref<3x32x1024xf32, #tpu.memory_space<vmem>> -> memref<1x32x1024xf32, #tpu.memory_space<vmem>>
    %dma_wait3A_923 = tpu.memref_squeeze %dma_wait3A_922 : memref<1x32x1024xf32, #tpu.memory_space<vmem>> -> memref<32x1024xf32, #tpu.memory_space<vmem>>
    tpu.wait_dma2 semaphore(%arg13 : memref<!tpu.dma_semaphore, #tpu.memory_space<semaphore_mem>>) src(%dma_wait3A_923 : memref<32x1024xf32, #tpu.memory_space<vmem>>) dst(%dma_wait3A_919 : memref<32x1024xf32, #tpu.memory_space<hbm>>)
    %dma_wait3A_924 = arith.constant 1 : i32
    %dma_wait3A_925 = arith.constant 0 : i32
    %dma_wait3A_926 = arith.constant 0 : i32
    %dma_wait3A_927 = tpu.memref_slice %arg6[%dma_wait3A_924, %dma_wait3A_925, %dma_wait3A_926] : memref<3x32x1024xf32, #tpu.memory_space<vmem>> -> memref<1x32x1024xf32, #tpu.memory_space<vmem>>
    %dma_wait3A_928 = tpu.memref_squeeze %dma_wait3A_927 : memref<1x32x1024xf32, #tpu.memory_space<vmem>> -> memref<32x1024xf32, #tpu.memory_space<vmem>>
    %dma_wait3A_929 = arith.constant 0 : i32
    %dma_wait3A_930 = arith.constant 0 : i32
    %dma_wait3A_931 = tpu.memref_slice %arg4[%dma_wait3A_929, %dma_wait3A_930] : memref<32768x1024xf32, #tpu.memory_space<hbm>> -> memref<32x1024xf32, #tpu.memory_space<hbm>>
    %dma_wait3A_932 = arith.constant 0 : i32
    %dma_wait3A_933 = arith.constant 0 : i32
    %dma_wait3A_934 = tpu.memref_slice %arg4[%dma_wait3A_932, %dma_wait3A_933] : memref<32768x1024xf32, #tpu.memory_space<hbm>> -> memref<32x1024xf32, #tpu.memory_space<hbm>>
    %dma_wait3A_935 = arith.constant 0 : i32
    %dma_wait3A_936 = arith.constant 0 : i32
    %dma_wait3A_937 = tpu.memref_slice %arg6[%dma_wait3A_924, %dma_wait3A_935, %dma_wait3A_936] : memref<3x32x1024xf32, #tpu.memory_space<vmem>> -> memref<1x32x1024xf32, #tpu.memory_space<vmem>>
    %dma_wait3A_938 = tpu.memref_squeeze %dma_wait3A_937 : memref<1x32x1024xf32, #tpu.memory_space<vmem>> -> memref<32x1024xf32, #tpu.memory_space<vmem>>
    tpu.wait_dma2 semaphore(%arg13 : memref<!tpu.dma_semaphore, #tpu.memory_space<semaphore_mem>>) src(%dma_wait3A_938 : memref<32x1024xf32, #tpu.memory_space<vmem>>) dst(%dma_wait3A_934 : memref<32x1024xf32, #tpu.memory_space<hbm>>)
    %dma_wait3A_939 = arith.constant 1 : i32
    %dma_wait3A_940 = arith.constant 0 : i32
    %dma_wait3A_941 = arith.constant 0 : i32
    %dma_wait3A_942 = tpu.memref_slice %arg6[%dma_wait3A_939, %dma_wait3A_940, %dma_wait3A_941] : memref<3x32x1024xf32, #tpu.memory_space<vmem>> -> memref<1x32x1024xf32, #tpu.memory_space<vmem>>
    %dma_wait3A_943 = tpu.memref_squeeze %dma_wait3A_942 : memref<1x32x1024xf32, #tpu.memory_space<vmem>> -> memref<32x1024xf32, #tpu.memory_space<vmem>>
    %dma_wait3A_944 = arith.constant 0 : i32
    %dma_wait3A_945 = arith.constant 0 : i32
    %dma_wait3A_946 = tpu.memref_slice %arg4[%dma_wait3A_944, %dma_wait3A_945] : memref<32768x1024xf32, #tpu.memory_space<hbm>> -> memref<32x1024xf32, #tpu.memory_space<hbm>>
    %dma_wait3A_947 = arith.constant 0 : i32
    %dma_wait3A_948 = arith.constant 0 : i32
    %dma_wait3A_949 = tpu.memref_slice %arg4[%dma_wait3A_947, %dma_wait3A_948] : memref<32768x1024xf32, #tpu.memory_space<hbm>> -> memref<32x1024xf32, #tpu.memory_space<hbm>>
    %dma_wait3A_950 = arith.constant 0 : i32
    %dma_wait3A_951 = arith.constant 0 : i32
    %dma_wait3A_952 = tpu.memref_slice %arg6[%dma_wait3A_939, %dma_wait3A_950, %dma_wait3A_951] : memref<3x32x1024xf32, #tpu.memory_space<vmem>> -> memref<1x32x1024xf32, #tpu.memory_space<vmem>>
    %dma_wait3A_953 = tpu.memref_squeeze %dma_wait3A_952 : memref<1x32x1024xf32, #tpu.memory_space<vmem>> -> memref<32x1024xf32, #tpu.memory_space<vmem>>
    tpu.wait_dma2 semaphore(%arg13 : memref<!tpu.dma_semaphore, #tpu.memory_space<semaphore_mem>>) src(%dma_wait3A_953 : memref<32x1024xf32, #tpu.memory_space<vmem>>) dst(%dma_wait3A_949 : memref<32x1024xf32, #tpu.memory_space<hbm>>)
    %add3A_954 = arith.constant 224 : i32
    %add3A_955 = arith.addi %mul3A_2, %add3A_954 : i32
    %dma_start3A_956 = arith.constant 1 : i32
    %dma_start3A_957 = arith.constant 0 : i32
    %dma_start3A_958 = arith.constant 0 : i32
    %dma_start3A_959 = tpu.memref_slice %arg6[%dma_start3A_956, %dma_start3A_957, %dma_start3A_958] : memref<3x32x1024xf32, #tpu.memory_space<vmem>> -> memref<1x32x1024xf32, #tpu.memory_space<vmem>>
    %dma_start3A_960 = tpu.memref_squeeze %dma_start3A_959 : memref<1x32x1024xf32, #tpu.memory_space<vmem>> -> memref<32x1024xf32, #tpu.memory_space<vmem>>
    %dma_start3A_961 = arith.constant 0 : i32
    %dma_start3A_962 = tpu.memref_slice %arg3[%add3A_955, %dma_start3A_961] : memref<8208x1024xf32, #tpu.memory_space<hbm>> -> memref<32x1024xf32, #tpu.memory_space<hbm>>
    %dma_start3A_963 = arith.constant 0 : i32
    %dma_start3A_964 = arith.constant 0 : i32
    %dma_start3A_965 = tpu.memref_slice %arg6[%dma_start3A_956, %dma_start3A_963, %dma_start3A_964] : memref<3x32x1024xf32, #tpu.memory_space<vmem>> -> memref<1x32x1024xf32, #tpu.memory_space<vmem>>
    %dma_start3A_966 = tpu.memref_squeeze %dma_start3A_965 : memref<1x32x1024xf32, #tpu.memory_space<vmem>> -> memref<32x1024xf32, #tpu.memory_space<vmem>>
    %dma_start3A_967 = arith.constant 0 : i32
    %dma_start3A_968 = tpu.memref_slice %arg3[%add3A_955, %dma_start3A_967] : memref<8208x1024xf32, #tpu.memory_space<hbm>> -> memref<32x1024xf32, #tpu.memory_space<hbm>>
    tpu.enqueue_dma source(%dma_start3A_968 : memref<32x1024xf32, #tpu.memory_space<hbm>>) target(%dma_start3A_966 : memref<32x1024xf32, #tpu.memory_space<vmem>>) target_semaphore(%arg10 : memref<!tpu.dma_semaphore, #tpu.memory_space<semaphore_mem>>)
    %dma_wait3A_969 = arith.constant 0 : i32
    %dma_wait3A_970 = arith.constant 0 : i32
    %dma_wait3A_971 = arith.constant 0 : i32
    %dma_wait3A_972 = tpu.memref_slice %arg6[%dma_wait3A_969, %dma_wait3A_970, %dma_wait3A_971] : memref<3x32x1024xf32, #tpu.memory_space<vmem>> -> memref<1x32x1024xf32, #tpu.memory_space<vmem>>
    %dma_wait3A_973 = tpu.memref_squeeze %dma_wait3A_972 : memref<1x32x1024xf32, #tpu.memory_space<vmem>> -> memref<32x1024xf32, #tpu.memory_space<vmem>>
    %dma_wait3A_974 = arith.constant 0 : i32
    %dma_wait3A_975 = arith.constant 0 : i32
    %dma_wait3A_976 = tpu.memref_slice %arg3[%dma_wait3A_974, %dma_wait3A_975] : memref<8208x1024xf32, #tpu.memory_space<hbm>> -> memref<32x1024xf32, #tpu.memory_space<hbm>>
    %dma_wait3A_977 = arith.constant 0 : i32
    %dma_wait3A_978 = arith.constant 0 : i32
    %dma_wait3A_979 = tpu.memref_slice %arg6[%dma_wait3A_969, %dma_wait3A_977, %dma_wait3A_978] : memref<3x32x1024xf32, #tpu.memory_space<vmem>> -> memref<1x32x1024xf32, #tpu.memory_space<vmem>>
    %dma_wait3A_980 = tpu.memref_squeeze %dma_wait3A_979 : memref<1x32x1024xf32, #tpu.memory_space<vmem>> -> memref<32x1024xf32, #tpu.memory_space<vmem>>
    %dma_wait3A_981 = arith.constant 0 : i32
    %dma_wait3A_982 = arith.constant 0 : i32
    %dma_wait3A_983 = tpu.memref_slice %arg3[%dma_wait3A_981, %dma_wait3A_982] : memref<8208x1024xf32, #tpu.memory_space<hbm>> -> memref<32x1024xf32, #tpu.memory_space<hbm>>
    tpu.wait_dma2 semaphore(%arg9 : memref<!tpu.dma_semaphore, #tpu.memory_space<semaphore_mem>>) src(%dma_wait3A_983 : memref<32x1024xf32, #tpu.memory_space<hbm>>) dst(%dma_wait3A_980 : memref<32x1024xf32, #tpu.memory_space<vmem>>)
    %add3A_984 = arith.constant 0 : i32
    %add3A_985 = arith.addi %add3A_984, %mul3A_2 : i32
    %add3A_986 = arith.constant 192 : i32
    %add3A_987 = arith.addi %add3A_985, %add3A_986 : i32
    %dma_start3A_988 = arith.constant 0 : i32
    %dma_start3A_989 = arith.constant 0 : i32
    %dma_start3A_990 = arith.constant 0 : i32
    %dma_start3A_991 = tpu.memref_slice %arg6[%dma_start3A_988, %dma_start3A_989, %dma_start3A_990] : memref<3x32x1024xf32, #tpu.memory_space<vmem>> -> memref<1x32x1024xf32, #tpu.memory_space<vmem>>
    %dma_start3A_992 = tpu.memref_squeeze %dma_start3A_991 : memref<1x32x1024xf32, #tpu.memory_space<vmem>> -> memref<32x1024xf32, #tpu.memory_space<vmem>>
    %dma_start3A_993 = arith.constant 0 : i32
    %dma_start3A_994 = tpu.memref_slice %arg4[%add3A_987, %dma_start3A_993] : memref<32768x1024xf32, #tpu.memory_space<hbm>> -> memref<32x1024xf32, #tpu.memory_space<hbm>>
    %dma_start3A_995 = arith.constant 0 : i32
    %dma_start3A_996 = tpu.memref_slice %arg4[%add3A_987, %dma_start3A_995] : memref<32768x1024xf32, #tpu.memory_space<hbm>> -> memref<32x1024xf32, #tpu.memory_space<hbm>>
    %dma_start3A_997 = arith.constant 0 : i32
    %dma_start3A_998 = arith.constant 0 : i32
    %dma_start3A_999 = tpu.memref_slice %arg6[%dma_start3A_988, %dma_start3A_997, %dma_start3A_998] : memref<3x32x1024xf32, #tpu.memory_space<vmem>> -> memref<1x32x1024xf32, #tpu.memory_space<vmem>>
    %dma_start3A_1000 = tpu.memref_squeeze %dma_start3A_999 : memref<1x32x1024xf32, #tpu.memory_space<vmem>> -> memref<32x1024xf32, #tpu.memory_space<vmem>>
    tpu.enqueue_dma source(%dma_start3A_1000 : memref<32x1024xf32, #tpu.memory_space<vmem>>) target(%dma_start3A_996 : memref<32x1024xf32, #tpu.memory_space<hbm>>) target_semaphore(%arg12 : memref<!tpu.dma_semaphore, #tpu.memory_space<semaphore_mem>>)
    %add3A_1001 = arith.constant 8192 : i32
    %add3A_1002 = arith.addi %add3A_1001, %mul3A_2 : i32
    %add3A_1003 = arith.constant 192 : i32
    %add3A_1004 = arith.addi %add3A_1002, %add3A_1003 : i32
    %dma_start3A_1005 = arith.constant 0 : i32
    %dma_start3A_1006 = arith.constant 0 : i32
    %dma_start3A_1007 = arith.constant 0 : i32
    %dma_start3A_1008 = tpu.memref_slice %arg6[%dma_start3A_1005, %dma_start3A_1006, %dma_start3A_1007] : memref<3x32x1024xf32, #tpu.memory_space<vmem>> -> memref<1x32x1024xf32, #tpu.memory_space<vmem>>
    %dma_start3A_1009 = tpu.memref_squeeze %dma_start3A_1008 : memref<1x32x1024xf32, #tpu.memory_space<vmem>> -> memref<32x1024xf32, #tpu.memory_space<vmem>>
    %dma_start3A_1010 = arith.constant 0 : i32
    %dma_start3A_1011 = tpu.memref_slice %arg4[%add3A_1004, %dma_start3A_1010] : memref<32768x1024xf32, #tpu.memory_space<hbm>> -> memref<32x1024xf32, #tpu.memory_space<hbm>>
    %dma_start3A_1012 = arith.constant 0 : i32
    %dma_start3A_1013 = tpu.memref_slice %arg4[%add3A_1004, %dma_start3A_1012] : memref<32768x1024xf32, #tpu.memory_space<hbm>> -> memref<32x1024xf32, #tpu.memory_space<hbm>>
    %dma_start3A_1014 = arith.constant 0 : i32
    %dma_start3A_1015 = arith.constant 0 : i32
    %dma_start3A_1016 = tpu.memref_slice %arg6[%dma_start3A_1005, %dma_start3A_1014, %dma_start3A_1015] : memref<3x32x1024xf32, #tpu.memory_space<vmem>> -> memref<1x32x1024xf32, #tpu.memory_space<vmem>>
    %dma_start3A_1017 = tpu.memref_squeeze %dma_start3A_1016 : memref<1x32x1024xf32, #tpu.memory_space<vmem>> -> memref<32x1024xf32, #tpu.memory_space<vmem>>
    tpu.enqueue_dma source(%dma_start3A_1017 : memref<32x1024xf32, #tpu.memory_space<vmem>>) target(%dma_start3A_1013 : memref<32x1024xf32, #tpu.memory_space<hbm>>) target_semaphore(%arg12 : memref<!tpu.dma_semaphore, #tpu.memory_space<semaphore_mem>>)
    %add3A_1018 = arith.constant 16384 : i32
    %add3A_1019 = arith.addi %add3A_1018, %mul3A_2 : i32
    %add3A_1020 = arith.constant 192 : i32
    %add3A_1021 = arith.addi %add3A_1019, %add3A_1020 : i32
    %dma_start3A_1022 = arith.constant 0 : i32
    %dma_start3A_1023 = arith.constant 0 : i32
    %dma_start3A_1024 = arith.constant 0 : i32
    %dma_start3A_1025 = tpu.memref_slice %arg6[%dma_start3A_1022, %dma_start3A_1023, %dma_start3A_1024] : memref<3x32x1024xf32, #tpu.memory_space<vmem>> -> memref<1x32x1024xf32, #tpu.memory_space<vmem>>
    %dma_start3A_1026 = tpu.memref_squeeze %dma_start3A_1025 : memref<1x32x1024xf32, #tpu.memory_space<vmem>> -> memref<32x1024xf32, #tpu.memory_space<vmem>>
    %dma_start3A_1027 = arith.constant 0 : i32
    %dma_start3A_1028 = tpu.memref_slice %arg4[%add3A_1021, %dma_start3A_1027] : memref<32768x1024xf32, #tpu.memory_space<hbm>> -> memref<32x1024xf32, #tpu.memory_space<hbm>>
    %dma_start3A_1029 = arith.constant 0 : i32
    %dma_start3A_1030 = tpu.memref_slice %arg4[%add3A_1021, %dma_start3A_1029] : memref<32768x1024xf32, #tpu.memory_space<hbm>> -> memref<32x1024xf32, #tpu.memory_space<hbm>>
    %dma_start3A_1031 = arith.constant 0 : i32
    %dma_start3A_1032 = arith.constant 0 : i32
    %dma_start3A_1033 = tpu.memref_slice %arg6[%dma_start3A_1022, %dma_start3A_1031, %dma_start3A_1032] : memref<3x32x1024xf32, #tpu.memory_space<vmem>> -> memref<1x32x1024xf32, #tpu.memory_space<vmem>>
    %dma_start3A_1034 = tpu.memref_squeeze %dma_start3A_1033 : memref<1x32x1024xf32, #tpu.memory_space<vmem>> -> memref<32x1024xf32, #tpu.memory_space<vmem>>
    tpu.enqueue_dma source(%dma_start3A_1034 : memref<32x1024xf32, #tpu.memory_space<vmem>>) target(%dma_start3A_1030 : memref<32x1024xf32, #tpu.memory_space<hbm>>) target_semaphore(%arg12 : memref<!tpu.dma_semaphore, #tpu.memory_space<semaphore_mem>>)
    %add3A_1035 = arith.constant 24576 : i32
    %add3A_1036 = arith.addi %add3A_1035, %mul3A_2 : i32
    %add3A_1037 = arith.constant 192 : i32
    %add3A_1038 = arith.addi %add3A_1036, %add3A_1037 : i32
    %dma_start3A_1039 = arith.constant 0 : i32
    %dma_start3A_1040 = arith.constant 0 : i32
    %dma_start3A_1041 = arith.constant 0 : i32
    %dma_start3A_1042 = tpu.memref_slice %arg6[%dma_start3A_1039, %dma_start3A_1040, %dma_start3A_1041] : memref<3x32x1024xf32, #tpu.memory_space<vmem>> -> memref<1x32x1024xf32, #tpu.memory_space<vmem>>
    %dma_start3A_1043 = tpu.memref_squeeze %dma_start3A_1042 : memref<1x32x1024xf32, #tpu.memory_space<vmem>> -> memref<32x1024xf32, #tpu.memory_space<vmem>>
    %dma_start3A_1044 = arith.constant 0 : i32
    %dma_start3A_1045 = tpu.memref_slice %arg4[%add3A_1038, %dma_start3A_1044] : memref<32768x1024xf32, #tpu.memory_space<hbm>> -> memref<32x1024xf32, #tpu.memory_space<hbm>>
    %dma_start3A_1046 = arith.constant 0 : i32
    %dma_start3A_1047 = tpu.memref_slice %arg4[%add3A_1038, %dma_start3A_1046] : memref<32768x1024xf32, #tpu.memory_space<hbm>> -> memref<32x1024xf32, #tpu.memory_space<hbm>>
    %dma_start3A_1048 = arith.constant 0 : i32
    %dma_start3A_1049 = arith.constant 0 : i32
    %dma_start3A_1050 = tpu.memref_slice %arg6[%dma_start3A_1039, %dma_start3A_1048, %dma_start3A_1049] : memref<3x32x1024xf32, #tpu.memory_space<vmem>> -> memref<1x32x1024xf32, #tpu.memory_space<vmem>>
    %dma_start3A_1051 = tpu.memref_squeeze %dma_start3A_1050 : memref<1x32x1024xf32, #tpu.memory_space<vmem>> -> memref<32x1024xf32, #tpu.memory_space<vmem>>
    tpu.enqueue_dma source(%dma_start3A_1051 : memref<32x1024xf32, #tpu.memory_space<vmem>>) target(%dma_start3A_1047 : memref<32x1024xf32, #tpu.memory_space<hbm>>) target_semaphore(%arg12 : memref<!tpu.dma_semaphore, #tpu.memory_space<semaphore_mem>>)
    %dma_wait3A_1052 = arith.constant 1 : i32
    %dma_wait3A_1053 = arith.constant 0 : i32
    %dma_wait3A_1054 = arith.constant 0 : i32
    %dma_wait3A_1055 = tpu.memref_slice %arg6[%dma_wait3A_1052, %dma_wait3A_1053, %dma_wait3A_1054] : memref<3x32x1024xf32, #tpu.memory_space<vmem>> -> memref<1x32x1024xf32, #tpu.memory_space<vmem>>
    %dma_wait3A_1056 = tpu.memref_squeeze %dma_wait3A_1055 : memref<1x32x1024xf32, #tpu.memory_space<vmem>> -> memref<32x1024xf32, #tpu.memory_space<vmem>>
    %dma_wait3A_1057 = arith.constant 0 : i32
    %dma_wait3A_1058 = arith.constant 0 : i32
    %dma_wait3A_1059 = tpu.memref_slice %arg3[%dma_wait3A_1057, %dma_wait3A_1058] : memref<8208x1024xf32, #tpu.memory_space<hbm>> -> memref<32x1024xf32, #tpu.memory_space<hbm>>
    %dma_wait3A_1060 = arith.constant 0 : i32
    %dma_wait3A_1061 = arith.constant 0 : i32
    %dma_wait3A_1062 = tpu.memref_slice %arg6[%dma_wait3A_1052, %dma_wait3A_1060, %dma_wait3A_1061] : memref<3x32x1024xf32, #tpu.memory_space<vmem>> -> memref<1x32x1024xf32, #tpu.memory_space<vmem>>
    %dma_wait3A_1063 = tpu.memref_squeeze %dma_wait3A_1062 : memref<1x32x1024xf32, #tpu.memory_space<vmem>> -> memref<32x1024xf32, #tpu.memory_space<vmem>>
    %dma_wait3A_1064 = arith.constant 0 : i32
    %dma_wait3A_1065 = arith.constant 0 : i32
    %dma_wait3A_1066 = tpu.memref_slice %arg3[%dma_wait3A_1064, %dma_wait3A_1065] : memref<8208x1024xf32, #tpu.memory_space<hbm>> -> memref<32x1024xf32, #tpu.memory_space<hbm>>
    tpu.wait_dma2 semaphore(%arg10 : memref<!tpu.dma_semaphore, #tpu.memory_space<semaphore_mem>>) src(%dma_wait3A_1066 : memref<32x1024xf32, #tpu.memory_space<hbm>>) dst(%dma_wait3A_1063 : memref<32x1024xf32, #tpu.memory_space<vmem>>)
    %add3A_1067 = arith.constant 0 : i32
    %add3A_1068 = arith.addi %add3A_1067, %mul3A_2 : i32
    %add3A_1069 = arith.constant 224 : i32
    %add3A_1070 = arith.addi %add3A_1068, %add3A_1069 : i32
    %dma_start3A_1071 = arith.constant 1 : i32
    %dma_start3A_1072 = arith.constant 0 : i32
    %dma_start3A_1073 = arith.constant 0 : i32
    %dma_start3A_1074 = tpu.memref_slice %arg6[%dma_start3A_1071, %dma_start3A_1072, %dma_start3A_1073] : memref<3x32x1024xf32, #tpu.memory_space<vmem>> -> memref<1x32x1024xf32, #tpu.memory_space<vmem>>
    %dma_start3A_1075 = tpu.memref_squeeze %dma_start3A_1074 : memref<1x32x1024xf32, #tpu.memory_space<vmem>> -> memref<32x1024xf32, #tpu.memory_space<vmem>>
    %dma_start3A_1076 = arith.constant 0 : i32
    %dma_start3A_1077 = tpu.memref_slice %arg4[%add3A_1070, %dma_start3A_1076] : memref<32768x1024xf32, #tpu.memory_space<hbm>> -> memref<32x1024xf32, #tpu.memory_space<hbm>>
    %dma_start3A_1078 = arith.constant 0 : i32
    %dma_start3A_1079 = tpu.memref_slice %arg4[%add3A_1070, %dma_start3A_1078] : memref<32768x1024xf32, #tpu.memory_space<hbm>> -> memref<32x1024xf32, #tpu.memory_space<hbm>>
    %dma_start3A_1080 = arith.constant 0 : i32
    %dma_start3A_1081 = arith.constant 0 : i32
    %dma_start3A_1082 = tpu.memref_slice %arg6[%dma_start3A_1071, %dma_start3A_1080, %dma_start3A_1081] : memref<3x32x1024xf32, #tpu.memory_space<vmem>> -> memref<1x32x1024xf32, #tpu.memory_space<vmem>>
    %dma_start3A_1083 = tpu.memref_squeeze %dma_start3A_1082 : memref<1x32x1024xf32, #tpu.memory_space<vmem>> -> memref<32x1024xf32, #tpu.memory_space<vmem>>
    tpu.enqueue_dma source(%dma_start3A_1083 : memref<32x1024xf32, #tpu.memory_space<vmem>>) target(%dma_start3A_1079 : memref<32x1024xf32, #tpu.memory_space<hbm>>) target_semaphore(%arg13 : memref<!tpu.dma_semaphore, #tpu.memory_space<semaphore_mem>>)
    %add3A_1084 = arith.constant 8192 : i32
    %add3A_1085 = arith.addi %add3A_1084, %mul3A_2 : i32
    %add3A_1086 = arith.constant 224 : i32
    %add3A_1087 = arith.addi %add3A_1085, %add3A_1086 : i32
    %dma_start3A_1088 = arith.constant 1 : i32
    %dma_start3A_1089 = arith.constant 0 : i32
    %dma_start3A_1090 = arith.constant 0 : i32
    %dma_start3A_1091 = tpu.memref_slice %arg6[%dma_start3A_1088, %dma_start3A_1089, %dma_start3A_1090] : memref<3x32x1024xf32, #tpu.memory_space<vmem>> -> memref<1x32x1024xf32, #tpu.memory_space<vmem>>
    %dma_start3A_1092 = tpu.memref_squeeze %dma_start3A_1091 : memref<1x32x1024xf32, #tpu.memory_space<vmem>> -> memref<32x1024xf32, #tpu.memory_space<vmem>>
    %dma_start3A_1093 = arith.constant 0 : i32
    %dma_start3A_1094 = tpu.memref_slice %arg4[%add3A_1087, %dma_start3A_1093] : memref<32768x1024xf32, #tpu.memory_space<hbm>> -> memref<32x1024xf32, #tpu.memory_space<hbm>>
    %dma_start3A_1095 = arith.constant 0 : i32
    %dma_start3A_1096 = tpu.memref_slice %arg4[%add3A_1087, %dma_start3A_1095] : memref<32768x1024xf32, #tpu.memory_space<hbm>> -> memref<32x1024xf32, #tpu.memory_space<hbm>>
    %dma_start3A_1097 = arith.constant 0 : i32
    %dma_start3A_1098 = arith.constant 0 : i32
    %dma_start3A_1099 = tpu.memref_slice %arg6[%dma_start3A_1088, %dma_start3A_1097, %dma_start3A_1098] : memref<3x32x1024xf32, #tpu.memory_space<vmem>> -> memref<1x32x1024xf32, #tpu.memory_space<vmem>>
    %dma_start3A_1100 = tpu.memref_squeeze %dma_start3A_1099 : memref<1x32x1024xf32, #tpu.memory_space<vmem>> -> memref<32x1024xf32, #tpu.memory_space<vmem>>
    tpu.enqueue_dma source(%dma_start3A_1100 : memref<32x1024xf32, #tpu.memory_space<vmem>>) target(%dma_start3A_1096 : memref<32x1024xf32, #tpu.memory_space<hbm>>) target_semaphore(%arg13 : memref<!tpu.dma_semaphore, #tpu.memory_space<semaphore_mem>>)
    %add3A_1101 = arith.constant 16384 : i32
    %add3A_1102 = arith.addi %add3A_1101, %mul3A_2 : i32
    %add3A_1103 = arith.constant 224 : i32
    %add3A_1104 = arith.addi %add3A_1102, %add3A_1103 : i32
    %dma_start3A_1105 = arith.constant 1 : i32
    %dma_start3A_1106 = arith.constant 0 : i32
    %dma_start3A_1107 = arith.constant 0 : i32
    %dma_start3A_1108 = tpu.memref_slice %arg6[%dma_start3A_1105, %dma_start3A_1106, %dma_start3A_1107] : memref<3x32x1024xf32, #tpu.memory_space<vmem>> -> memref<1x32x1024xf32, #tpu.memory_space<vmem>>
    %dma_start3A_1109 = tpu.memref_squeeze %dma_start3A_1108 : memref<1x32x1024xf32, #tpu.memory_space<vmem>> -> memref<32x1024xf32, #tpu.memory_space<vmem>>
    %dma_start3A_1110 = arith.constant 0 : i32
    %dma_start3A_1111 = tpu.memref_slice %arg4[%add3A_1104, %dma_start3A_1110] : memref<32768x1024xf32, #tpu.memory_space<hbm>> -> memref<32x1024xf32, #tpu.memory_space<hbm>>
    %dma_start3A_1112 = arith.constant 0 : i32
    %dma_start3A_1113 = tpu.memref_slice %arg4[%add3A_1104, %dma_start3A_1112] : memref<32768x1024xf32, #tpu.memory_space<hbm>> -> memref<32x1024xf32, #tpu.memory_space<hbm>>
    %dma_start3A_1114 = arith.constant 0 : i32
    %dma_start3A_1115 = arith.constant 0 : i32
    %dma_start3A_1116 = tpu.memref_slice %arg6[%dma_start3A_1105, %dma_start3A_1114, %dma_start3A_1115] : memref<3x32x1024xf32, #tpu.memory_space<vmem>> -> memref<1x32x1024xf32, #tpu.memory_space<vmem>>
    %dma_start3A_1117 = tpu.memref_squeeze %dma_start3A_1116 : memref<1x32x1024xf32, #tpu.memory_space<vmem>> -> memref<32x1024xf32, #tpu.memory_space<vmem>>
    tpu.enqueue_dma source(%dma_start3A_1117 : memref<32x1024xf32, #tpu.memory_space<vmem>>) target(%dma_start3A_1113 : memref<32x1024xf32, #tpu.memory_space<hbm>>) target_semaphore(%arg13 : memref<!tpu.dma_semaphore, #tpu.memory_space<semaphore_mem>>)
    %add3A_1118 = arith.constant 24576 : i32
    %add3A_1119 = arith.addi %add3A_1118, %mul3A_2 : i32
    %add3A_1120 = arith.constant 224 : i32
    %add3A_1121 = arith.addi %add3A_1119, %add3A_1120 : i32
    %dma_start3A_1122 = arith.constant 1 : i32
    %dma_start3A_1123 = arith.constant 0 : i32
    %dma_start3A_1124 = arith.constant 0 : i32
    %dma_start3A_1125 = tpu.memref_slice %arg6[%dma_start3A_1122, %dma_start3A_1123, %dma_start3A_1124] : memref<3x32x1024xf32, #tpu.memory_space<vmem>> -> memref<1x32x1024xf32, #tpu.memory_space<vmem>>
    %dma_start3A_1126 = tpu.memref_squeeze %dma_start3A_1125 : memref<1x32x1024xf32, #tpu.memory_space<vmem>> -> memref<32x1024xf32, #tpu.memory_space<vmem>>
    %dma_start3A_1127 = arith.constant 0 : i32
    %dma_start3A_1128 = tpu.memref_slice %arg4[%add3A_1121, %dma_start3A_1127] : memref<32768x1024xf32, #tpu.memory_space<hbm>> -> memref<32x1024xf32, #tpu.memory_space<hbm>>
    %dma_start3A_1129 = arith.constant 0 : i32
    %dma_start3A_1130 = tpu.memref_slice %arg4[%add3A_1121, %dma_start3A_1129] : memref<32768x1024xf32, #tpu.memory_space<hbm>> -> memref<32x1024xf32, #tpu.memory_space<hbm>>
    %dma_start3A_1131 = arith.constant 0 : i32
    %dma_start3A_1132 = arith.constant 0 : i32
    %dma_start3A_1133 = tpu.memref_slice %arg6[%dma_start3A_1122, %dma_start3A_1131, %dma_start3A_1132] : memref<3x32x1024xf32, #tpu.memory_space<vmem>> -> memref<1x32x1024xf32, #tpu.memory_space<vmem>>
    %dma_start3A_1134 = tpu.memref_squeeze %dma_start3A_1133 : memref<1x32x1024xf32, #tpu.memory_space<vmem>> -> memref<32x1024xf32, #tpu.memory_space<vmem>>
    tpu.enqueue_dma source(%dma_start3A_1134 : memref<32x1024xf32, #tpu.memory_space<vmem>>) target(%dma_start3A_1130 : memref<32x1024xf32, #tpu.memory_space<hbm>>) target_semaphore(%arg13 : memref<!tpu.dma_semaphore, #tpu.memory_space<semaphore_mem>>)
    %dma_wait3A_1135 = arith.constant 2 : i32
    %dma_wait3A_1136 = arith.constant 0 : i32
    %dma_wait3A_1137 = arith.constant 0 : i32
    %dma_wait3A_1138 = tpu.memref_slice %arg6[%dma_wait3A_1135, %dma_wait3A_1136, %dma_wait3A_1137] : memref<3x32x1024xf32, #tpu.memory_space<vmem>> -> memref<1x32x1024xf32, #tpu.memory_space<vmem>>
    %dma_wait3A_1139 = tpu.memref_squeeze %dma_wait3A_1138 : memref<1x32x1024xf32, #tpu.memory_space<vmem>> -> memref<32x1024xf32, #tpu.memory_space<vmem>>
    %dma_wait3A_1140 = arith.constant 0 : i32
    %dma_wait3A_1141 = arith.constant 0 : i32
    %dma_wait3A_1142 = tpu.memref_slice %arg4[%dma_wait3A_1140, %dma_wait3A_1141] : memref<32768x1024xf32, #tpu.memory_space<hbm>> -> memref<32x1024xf32, #tpu.memory_space<hbm>>
    %dma_wait3A_1143 = arith.constant 0 : i32
    %dma_wait3A_1144 = arith.constant 0 : i32
    %dma_wait3A_1145 = tpu.memref_slice %arg4[%dma_wait3A_1143, %dma_wait3A_1144] : memref<32768x1024xf32, #tpu.memory_space<hbm>> -> memref<32x1024xf32, #tpu.memory_space<hbm>>
    %dma_wait3A_1146 = arith.constant 0 : i32
    %dma_wait3A_1147 = arith.constant 0 : i32
    %dma_wait3A_1148 = tpu.memref_slice %arg6[%dma_wait3A_1135, %dma_wait3A_1146, %dma_wait3A_1147] : memref<3x32x1024xf32, #tpu.memory_space<vmem>> -> memref<1x32x1024xf32, #tpu.memory_space<vmem>>
    %dma_wait3A_1149 = tpu.memref_squeeze %dma_wait3A_1148 : memref<1x32x1024xf32, #tpu.memory_space<vmem>> -> memref<32x1024xf32, #tpu.memory_space<vmem>>
    tpu.wait_dma2 semaphore(%arg14 : memref<!tpu.dma_semaphore, #tpu.memory_space<semaphore_mem>>) src(%dma_wait3A_1149 : memref<32x1024xf32, #tpu.memory_space<vmem>>) dst(%dma_wait3A_1145 : memref<32x1024xf32, #tpu.memory_space<hbm>>)
    %dma_wait3A_1150 = arith.constant 2 : i32
    %dma_wait3A_1151 = arith.constant 0 : i32
    %dma_wait3A_1152 = arith.constant 0 : i32
    %dma_wait3A_1153 = tpu.memref_slice %arg6[%dma_wait3A_1150, %dma_wait3A_1151, %dma_wait3A_1152] : memref<3x32x1024xf32, #tpu.memory_space<vmem>> -> memref<1x32x1024xf32, #tpu.memory_space<vmem>>
    %dma_wait3A_1154 = tpu.memref_squeeze %dma_wait3A_1153 : memref<1x32x1024xf32, #tpu.memory_space<vmem>> -> memref<32x1024xf32, #tpu.memory_space<vmem>>
    %dma_wait3A_1155 = arith.constant 0 : i32
    %dma_wait3A_1156 = arith.constant 0 : i32
    %dma_wait3A_1157 = tpu.memref_slice %arg4[%dma_wait3A_1155, %dma_wait3A_1156] : memref<32768x1024xf32, #tpu.memory_space<hbm>> -> memref<32x1024xf32, #tpu.memory_space<hbm>>
    %dma_wait3A_1158 = arith.constant 0 : i32
    %dma_wait3A_1159 = arith.constant 0 : i32
    %dma_wait3A_1160 = tpu.memref_slice %arg4[%dma_wait3A_1158, %dma_wait3A_1159] : memref<32768x1024xf32, #tpu.memory_space<hbm>> -> memref<32x1024xf32, #tpu.memory_space<hbm>>
    %dma_wait3A_1161 = arith.constant 0 : i32
    %dma_wait3A_1162 = arith.constant 0 : i32
    %dma_wait3A_1163 = tpu.memref_slice %arg6[%dma_wait3A_1150, %dma_wait3A_1161, %dma_wait3A_1162] : memref<3x32x1024xf32, #tpu.memory_space<vmem>> -> memref<1x32x1024xf32, #tpu.memory_space<vmem>>
    %dma_wait3A_1164 = tpu.memref_squeeze %dma_wait3A_1163 : memref<1x32x1024xf32, #tpu.memory_space<vmem>> -> memref<32x1024xf32, #tpu.memory_space<vmem>>
    tpu.wait_dma2 semaphore(%arg14 : memref<!tpu.dma_semaphore, #tpu.memory_space<semaphore_mem>>) src(%dma_wait3A_1164 : memref<32x1024xf32, #tpu.memory_space<vmem>>) dst(%dma_wait3A_1160 : memref<32x1024xf32, #tpu.memory_space<hbm>>)
    %dma_wait3A_1165 = arith.constant 2 : i32
    %dma_wait3A_1166 = arith.constant 0 : i32
    %dma_wait3A_1167 = arith.constant 0 : i32
    %dma_wait3A_1168 = tpu.memref_slice %arg6[%dma_wait3A_1165, %dma_wait3A_1166, %dma_wait3A_1167] : memref<3x32x1024xf32, #tpu.memory_space<vmem>> -> memref<1x32x1024xf32, #tpu.memory_space<vmem>>
    %dma_wait3A_1169 = tpu.memref_squeeze %dma_wait3A_1168 : memref<1x32x1024xf32, #tpu.memory_space<vmem>> -> memref<32x1024xf32, #tpu.memory_space<vmem>>
    %dma_wait3A_1170 = arith.constant 0 : i32
    %dma_wait3A_1171 = arith.constant 0 : i32
    %dma_wait3A_1172 = tpu.memref_slice %arg4[%dma_wait3A_1170, %dma_wait3A_1171] : memref<32768x1024xf32, #tpu.memory_space<hbm>> -> memref<32x1024xf32, #tpu.memory_space<hbm>>
    %dma_wait3A_1173 = arith.constant 0 : i32
    %dma_wait3A_1174 = arith.constant 0 : i32
    %dma_wait3A_1175 = tpu.memref_slice %arg4[%dma_wait3A_1173, %dma_wait3A_1174] : memref<32768x1024xf32, #tpu.memory_space<hbm>> -> memref<32x1024xf32, #tpu.memory_space<hbm>>
    %dma_wait3A_1176 = arith.constant 0 : i32
    %dma_wait3A_1177 = arith.constant 0 : i32
    %dma_wait3A_1178 = tpu.memref_slice %arg6[%dma_wait3A_1165, %dma_wait3A_1176, %dma_wait3A_1177] : memref<3x32x1024xf32, #tpu.memory_space<vmem>> -> memref<1x32x1024xf32, #tpu.memory_space<vmem>>
    %dma_wait3A_1179 = tpu.memref_squeeze %dma_wait3A_1178 : memref<1x32x1024xf32, #tpu.memory_space<vmem>> -> memref<32x1024xf32, #tpu.memory_space<vmem>>
    tpu.wait_dma2 semaphore(%arg14 : memref<!tpu.dma_semaphore, #tpu.memory_space<semaphore_mem>>) src(%dma_wait3A_1179 : memref<32x1024xf32, #tpu.memory_space<vmem>>) dst(%dma_wait3A_1175 : memref<32x1024xf32, #tpu.memory_space<hbm>>)
    %dma_wait3A_1180 = arith.constant 2 : i32
    %dma_wait3A_1181 = arith.constant 0 : i32
    %dma_wait3A_1182 = arith.constant 0 : i32
    %dma_wait3A_1183 = tpu.memref_slice %arg6[%dma_wait3A_1180, %dma_wait3A_1181, %dma_wait3A_1182] : memref<3x32x1024xf32, #tpu.memory_space<vmem>> -> memref<1x32x1024xf32, #tpu.memory_space<vmem>>
    %dma_wait3A_1184 = tpu.memref_squeeze %dma_wait3A_1183 : memref<1x32x1024xf32, #tpu.memory_space<vmem>> -> memref<32x1024xf32, #tpu.memory_space<vmem>>
    %dma_wait3A_1185 = arith.constant 0 : i32
    %dma_wait3A_1186 = arith.constant 0 : i32
    %dma_wait3A_1187 = tpu.memref_slice %arg4[%dma_wait3A_1185, %dma_wait3A_1186] : memref<32768x1024xf32, #tpu.memory_space<hbm>> -> memref<32x1024xf32, #tpu.memory_space<hbm>>
    %dma_wait3A_1188 = arith.constant 0 : i32
    %dma_wait3A_1189 = arith.constant 0 : i32
    %dma_wait3A_1190 = tpu.memref_slice %arg4[%dma_wait3A_1188, %dma_wait3A_1189] : memref<32768x1024xf32, #tpu.memory_space<hbm>> -> memref<32x1024xf32, #tpu.memory_space<hbm>>
    %dma_wait3A_1191 = arith.constant 0 : i32
    %dma_wait3A_1192 = arith.constant 0 : i32
    %dma_wait3A_1193 = tpu.memref_slice %arg6[%dma_wait3A_1180, %dma_wait3A_1191, %dma_wait3A_1192] : memref<3x32x1024xf32, #tpu.memory_space<vmem>> -> memref<1x32x1024xf32, #tpu.memory_space<vmem>>
    %dma_wait3A_1194 = tpu.memref_squeeze %dma_wait3A_1193 : memref<1x32x1024xf32, #tpu.memory_space<vmem>> -> memref<32x1024xf32, #tpu.memory_space<vmem>>
    tpu.wait_dma2 semaphore(%arg14 : memref<!tpu.dma_semaphore, #tpu.memory_space<semaphore_mem>>) src(%dma_wait3A_1194 : memref<32x1024xf32, #tpu.memory_space<vmem>>) dst(%dma_wait3A_1190 : memref<32x1024xf32, #tpu.memory_space<hbm>>)
    %dma_wait3A_1195 = arith.constant 0 : i32
    %dma_wait3A_1196 = arith.constant 0 : i32
    %dma_wait3A_1197 = arith.constant 0 : i32
    %dma_wait3A_1198 = tpu.memref_slice %arg6[%dma_wait3A_1195, %dma_wait3A_1196, %dma_wait3A_1197] : memref<3x32x1024xf32, #tpu.memory_space<vmem>> -> memref<1x32x1024xf32, #tpu.memory_space<vmem>>
    %dma_wait3A_1199 = tpu.memref_squeeze %dma_wait3A_1198 : memref<1x32x1024xf32, #tpu.memory_space<vmem>> -> memref<32x1024xf32, #tpu.memory_space<vmem>>
    %dma_wait3A_1200 = arith.constant 0 : i32
    %dma_wait3A_1201 = arith.constant 0 : i32
    %dma_wait3A_1202 = tpu.memref_slice %arg4[%dma_wait3A_1200, %dma_wait3A_1201] : memref<32768x1024xf32, #tpu.memory_space<hbm>> -> memref<32x1024xf32, #tpu.memory_space<hbm>>
    %dma_wait3A_1203 = arith.constant 0 : i32
    %dma_wait3A_1204 = arith.constant 0 : i32
    %dma_wait3A_1205 = tpu.memref_slice %arg4[%dma_wait3A_1203, %dma_wait3A_1204] : memref<32768x1024xf32, #tpu.memory_space<hbm>> -> memref<32x1024xf32, #tpu.memory_space<hbm>>
    %dma_wait3A_1206 = arith.constant 0 : i32
    %dma_wait3A_1207 = arith.constant 0 : i32
    %dma_wait3A_1208 = tpu.memref_slice %arg6[%dma_wait3A_1195, %dma_wait3A_1206, %dma_wait3A_1207] : memref<3x32x1024xf32, #tpu.memory_space<vmem>> -> memref<1x32x1024xf32, #tpu.memory_space<vmem>>
    %dma_wait3A_1209 = tpu.memref_squeeze %dma_wait3A_1208 : memref<1x32x1024xf32, #tpu.memory_space<vmem>> -> memref<32x1024xf32, #tpu.memory_space<vmem>>
    tpu.wait_dma2 semaphore(%arg12 : memref<!tpu.dma_semaphore, #tpu.memory_space<semaphore_mem>>) src(%dma_wait3A_1209 : memref<32x1024xf32, #tpu.memory_space<vmem>>) dst(%dma_wait3A_1205 : memref<32x1024xf32, #tpu.memory_space<hbm>>)
    %dma_wait3A_1210 = arith.constant 0 : i32
    %dma_wait3A_1211 = arith.constant 0 : i32
    %dma_wait3A_1212 = arith.constant 0 : i32
    %dma_wait3A_1213 = tpu.memref_slice %arg6[%dma_wait3A_1210, %dma_wait3A_1211, %dma_wait3A_1212] : memref<3x32x1024xf32, #tpu.memory_space<vmem>> -> memref<1x32x1024xf32, #tpu.memory_space<vmem>>
    %dma_wait3A_1214 = tpu.memref_squeeze %dma_wait3A_1213 : memref<1x32x1024xf32, #tpu.memory_space<vmem>> -> memref<32x1024xf32, #tpu.memory_space<vmem>>
    %dma_wait3A_1215 = arith.constant 0 : i32
    %dma_wait3A_1216 = arith.constant 0 : i32
    %dma_wait3A_1217 = tpu.memref_slice %arg4[%dma_wait3A_1215, %dma_wait3A_1216] : memref<32768x1024xf32, #tpu.memory_space<hbm>> -> memref<32x1024xf32, #tpu.memory_space<hbm>>
    %dma_wait3A_1218 = arith.constant 0 : i32
    %dma_wait3A_1219 = arith.constant 0 : i32
    %dma_wait3A_1220 = tpu.memref_slice %arg4[%dma_wait3A_1218, %dma_wait3A_1219] : memref<32768x1024xf32, #tpu.memory_space<hbm>> -> memref<32x1024xf32, #tpu.memory_space<hbm>>
    %dma_wait3A_1221 = arith.constant 0 : i32
    %dma_wait3A_1222 = arith.constant 0 : i32
    %dma_wait3A_1223 = tpu.memref_slice %arg6[%dma_wait3A_1210, %dma_wait3A_1221, %dma_wait3A_1222] : memref<3x32x1024xf32, #tpu.memory_space<vmem>> -> memref<1x32x1024xf32, #tpu.memory_space<vmem>>
    %dma_wait3A_1224 = tpu.memref_squeeze %dma_wait3A_1223 : memref<1x32x1024xf32, #tpu.memory_space<vmem>> -> memref<32x1024xf32, #tpu.memory_space<vmem>>
    tpu.wait_dma2 semaphore(%arg12 : memref<!tpu.dma_semaphore, #tpu.memory_space<semaphore_mem>>) src(%dma_wait3A_1224 : memref<32x1024xf32, #tpu.memory_space<vmem>>) dst(%dma_wait3A_1220 : memref<32x1024xf32, #tpu.memory_space<hbm>>)
    %dma_wait3A_1225 = arith.constant 0 : i32
    %dma_wait3A_1226 = arith.constant 0 : i32
    %dma_wait3A_1227 = arith.constant 0 : i32
    %dma_wait3A_1228 = tpu.memref_slice %arg6[%dma_wait3A_1225, %dma_wait3A_1226, %dma_wait3A_1227] : memref<3x32x1024xf32, #tpu.memory_space<vmem>> -> memref<1x32x1024xf32, #tpu.memory_space<vmem>>
    %dma_wait3A_1229 = tpu.memref_squeeze %dma_wait3A_1228 : memref<1x32x1024xf32, #tpu.memory_space<vmem>> -> memref<32x1024xf32, #tpu.memory_space<vmem>>
    %dma_wait3A_1230 = arith.constant 0 : i32
    %dma_wait3A_1231 = arith.constant 0 : i32
    %dma_wait3A_1232 = tpu.memref_slice %arg4[%dma_wait3A_1230, %dma_wait3A_1231] : memref<32768x1024xf32, #tpu.memory_space<hbm>> -> memref<32x1024xf32, #tpu.memory_space<hbm>>
    %dma_wait3A_1233 = arith.constant 0 : i32
    %dma_wait3A_1234 = arith.constant 0 : i32
    %dma_wait3A_1235 = tpu.memref_slice %arg4[%dma_wait3A_1233, %dma_wait3A_1234] : memref<32768x1024xf32, #tpu.memory_space<hbm>> -> memref<32x1024xf32, #tpu.memory_space<hbm>>
    %dma_wait3A_1236 = arith.constant 0 : i32
    %dma_wait3A_1237 = arith.constant 0 : i32
    %dma_wait3A_1238 = tpu.memref_slice %arg6[%dma_wait3A_1225, %dma_wait3A_1236, %dma_wait3A_1237] : memref<3x32x1024xf32, #tpu.memory_space<vmem>> -> memref<1x32x1024xf32, #tpu.memory_space<vmem>>
    %dma_wait3A_1239 = tpu.memref_squeeze %dma_wait3A_1238 : memref<1x32x1024xf32, #tpu.memory_space<vmem>> -> memref<32x1024xf32, #tpu.memory_space<vmem>>
    tpu.wait_dma2 semaphore(%arg12 : memref<!tpu.dma_semaphore, #tpu.memory_space<semaphore_mem>>) src(%dma_wait3A_1239 : memref<32x1024xf32, #tpu.memory_space<vmem>>) dst(%dma_wait3A_1235 : memref<32x1024xf32, #tpu.memory_space<hbm>>)
    %dma_wait3A_1240 = arith.constant 0 : i32
    %dma_wait3A_1241 = arith.constant 0 : i32
    %dma_wait3A_1242 = arith.constant 0 : i32
    %dma_wait3A_1243 = tpu.memref_slice %arg6[%dma_wait3A_1240, %dma_wait3A_1241, %dma_wait3A_1242] : memref<3x32x1024xf32, #tpu.memory_space<vmem>> -> memref<1x32x1024xf32, #tpu.memory_space<vmem>>
    %dma_wait3A_1244 = tpu.memref_squeeze %dma_wait3A_1243 : memref<1x32x1024xf32, #tpu.memory_space<vmem>> -> memref<32x1024xf32, #tpu.memory_space<vmem>>
    %dma_wait3A_1245 = arith.constant 0 : i32
    %dma_wait3A_1246 = arith.constant 0 : i32
    %dma_wait3A_1247 = tpu.memref_slice %arg4[%dma_wait3A_1245, %dma_wait3A_1246] : memref<32768x1024xf32, #tpu.memory_space<hbm>> -> memref<32x1024xf32, #tpu.memory_space<hbm>>
    %dma_wait3A_1248 = arith.constant 0 : i32
    %dma_wait3A_1249 = arith.constant 0 : i32
    %dma_wait3A_1250 = tpu.memref_slice %arg4[%dma_wait3A_1248, %dma_wait3A_1249] : memref<32768x1024xf32, #tpu.memory_space<hbm>> -> memref<32x1024xf32, #tpu.memory_space<hbm>>
    %dma_wait3A_1251 = arith.constant 0 : i32
    %dma_wait3A_1252 = arith.constant 0 : i32
    %dma_wait3A_1253 = tpu.memref_slice %arg6[%dma_wait3A_1240, %dma_wait3A_1251, %dma_wait3A_1252] : memref<3x32x1024xf32, #tpu.memory_space<vmem>> -> memref<1x32x1024xf32, #tpu.memory_space<vmem>>
    %dma_wait3A_1254 = tpu.memref_squeeze %dma_wait3A_1253 : memref<1x32x1024xf32, #tpu.memory_space<vmem>> -> memref<32x1024xf32, #tpu.memory_space<vmem>>
    tpu.wait_dma2 semaphore(%arg12 : memref<!tpu.dma_semaphore, #tpu.memory_space<semaphore_mem>>) src(%dma_wait3A_1254 : memref<32x1024xf32, #tpu.memory_space<vmem>>) dst(%dma_wait3A_1250 : memref<32x1024xf32, #tpu.memory_space<hbm>>)
    %dma_wait3A_1255 = arith.constant 1 : i32
    %dma_wait3A_1256 = arith.constant 0 : i32
    %dma_wait3A_1257 = arith.constant 0 : i32
    %dma_wait3A_1258 = tpu.memref_slice %arg6[%dma_wait3A_1255, %dma_wait3A_1256, %dma_wait3A_1257] : memref<3x32x1024xf32, #tpu.memory_space<vmem>> -> memref<1x32x1024xf32, #tpu.memory_space<vmem>>
    %dma_wait3A_1259 = tpu.memref_squeeze %dma_wait3A_1258 : memref<1x32x1024xf32, #tpu.memory_space<vmem>> -> memref<32x1024xf32, #tpu.memory_space<vmem>>
    %dma_wait3A_1260 = arith.constant 0 : i32
    %dma_wait3A_1261 = arith.constant 0 : i32
    %dma_wait3A_1262 = tpu.memref_slice %arg4[%dma_wait3A_1260, %dma_wait3A_1261] : memref<32768x1024xf32, #tpu.memory_space<hbm>> -> memref<32x1024xf32, #tpu.memory_space<hbm>>
    %dma_wait3A_1263 = arith.constant 0 : i32
    %dma_wait3A_1264 = arith.constant 0 : i32
    %dma_wait3A_1265 = tpu.memref_slice %arg4[%dma_wait3A_1263, %dma_wait3A_1264] : memref<32768x1024xf32, #tpu.memory_space<hbm>> -> memref<32x1024xf32, #tpu.memory_space<hbm>>
    %dma_wait3A_1266 = arith.constant 0 : i32
    %dma_wait3A_1267 = arith.constant 0 : i32
    %dma_wait3A_1268 = tpu.memref_slice %arg6[%dma_wait3A_1255, %dma_wait3A_1266, %dma_wait3A_1267] : memref<3x32x1024xf32, #tpu.memory_space<vmem>> -> memref<1x32x1024xf32, #tpu.memory_space<vmem>>
    %dma_wait3A_1269 = tpu.memref_squeeze %dma_wait3A_1268 : memref<1x32x1024xf32, #tpu.memory_space<vmem>> -> memref<32x1024xf32, #tpu.memory_space<vmem>>
    tpu.wait_dma2 semaphore(%arg13 : memref<!tpu.dma_semaphore, #tpu.memory_space<semaphore_mem>>) src(%dma_wait3A_1269 : memref<32x1024xf32, #tpu.memory_space<vmem>>) dst(%dma_wait3A_1265 : memref<32x1024xf32, #tpu.memory_space<hbm>>)
    %dma_wait3A_1270 = arith.constant 1 : i32
    %dma_wait3A_1271 = arith.constant 0 : i32
    %dma_wait3A_1272 = arith.constant 0 : i32
    %dma_wait3A_1273 = tpu.memref_slice %arg6[%dma_wait3A_1270, %dma_wait3A_1271, %dma_wait3A_1272] : memref<3x32x1024xf32, #tpu.memory_space<vmem>> -> memref<1x32x1024xf32, #tpu.memory_space<vmem>>
    %dma_wait3A_1274 = tpu.memref_squeeze %dma_wait3A_1273 : memref<1x32x1024xf32, #tpu.memory_space<vmem>> -> memref<32x1024xf32, #tpu.memory_space<vmem>>
    %dma_wait3A_1275 = arith.constant 0 : i32
    %dma_wait3A_1276 = arith.constant 0 : i32
    %dma_wait3A_1277 = tpu.memref_slice %arg4[%dma_wait3A_1275, %dma_wait3A_1276] : memref<32768x1024xf32, #tpu.memory_space<hbm>> -> memref<32x1024xf32, #tpu.memory_space<hbm>>
    %dma_wait3A_1278 = arith.constant 0 : i32
    %dma_wait3A_1279 = arith.constant 0 : i32
    %dma_wait3A_1280 = tpu.memref_slice %arg4[%dma_wait3A_1278, %dma_wait3A_1279] : memref<32768x1024xf32, #tpu.memory_space<hbm>> -> memref<32x1024xf32, #tpu.memory_space<hbm>>
    %dma_wait3A_1281 = arith.constant 0 : i32
    %dma_wait3A_1282 = arith.constant 0 : i32
    %dma_wait3A_1283 = tpu.memref_slice %arg6[%dma_wait3A_1270, %dma_wait3A_1281, %dma_wait3A_1282] : memref<3x32x1024xf32, #tpu.memory_space<vmem>> -> memref<1x32x1024xf32, #tpu.memory_space<vmem>>
    %dma_wait3A_1284 = tpu.memref_squeeze %dma_wait3A_1283 : memref<1x32x1024xf32, #tpu.memory_space<vmem>> -> memref<32x1024xf32, #tpu.memory_space<vmem>>
    tpu.wait_dma2 semaphore(%arg13 : memref<!tpu.dma_semaphore, #tpu.memory_space<semaphore_mem>>) src(%dma_wait3A_1284 : memref<32x1024xf32, #tpu.memory_space<vmem>>) dst(%dma_wait3A_1280 : memref<32x1024xf32, #tpu.memory_space<hbm>>)
    %dma_wait3A_1285 = arith.constant 1 : i32
    %dma_wait3A_1286 = arith.constant 0 : i32
    %dma_wait3A_1287 = arith.constant 0 : i32
    %dma_wait3A_1288 = tpu.memref_slice %arg6[%dma_wait3A_1285, %dma_wait3A_1286, %dma_wait3A_1287] : memref<3x32x1024xf32, #tpu.memory_space<vmem>> -> memref<1x32x1024xf32, #tpu.memory_space<vmem>>
    %dma_wait3A_1289 = tpu.memref_squeeze %dma_wait3A_1288 : memref<1x32x1024xf32, #tpu.memory_space<vmem>> -> memref<32x1024xf32, #tpu.memory_space<vmem>>
    %dma_wait3A_1290 = arith.constant 0 : i32
    %dma_wait3A_1291 = arith.constant 0 : i32
    %dma_wait3A_1292 = tpu.memref_slice %arg4[%dma_wait3A_1290, %dma_wait3A_1291] : memref<32768x1024xf32, #tpu.memory_space<hbm>> -> memref<32x1024xf32, #tpu.memory_space<hbm>>
    %dma_wait3A_1293 = arith.constant 0 : i32
    %dma_wait3A_1294 = arith.constant 0 : i32
    %dma_wait3A_1295 = tpu.memref_slice %arg4[%dma_wait3A_1293, %dma_wait3A_1294] : memref<32768x1024xf32, #tpu.memory_space<hbm>> -> memref<32x1024xf32, #tpu.memory_space<hbm>>
    %dma_wait3A_1296 = arith.constant 0 : i32
    %dma_wait3A_1297 = arith.constant 0 : i32
    %dma_wait3A_1298 = tpu.memref_slice %arg6[%dma_wait3A_1285, %dma_wait3A_1296, %dma_wait3A_1297] : memref<3x32x1024xf32, #tpu.memory_space<vmem>> -> memref<1x32x1024xf32, #tpu.memory_space<vmem>>
    %dma_wait3A_1299 = tpu.memref_squeeze %dma_wait3A_1298 : memref<1x32x1024xf32, #tpu.memory_space<vmem>> -> memref<32x1024xf32, #tpu.memory_space<vmem>>
    tpu.wait_dma2 semaphore(%arg13 : memref<!tpu.dma_semaphore, #tpu.memory_space<semaphore_mem>>) src(%dma_wait3A_1299 : memref<32x1024xf32, #tpu.memory_space<vmem>>) dst(%dma_wait3A_1295 : memref<32x1024xf32, #tpu.memory_space<hbm>>)
    %dma_wait3A_1300 = arith.constant 1 : i32
    %dma_wait3A_1301 = arith.constant 0 : i32
    %dma_wait3A_1302 = arith.constant 0 : i32
    %dma_wait3A_1303 = tpu.memref_slice %arg6[%dma_wait3A_1300, %dma_wait3A_1301, %dma_wait3A_1302] : memref<3x32x1024xf32, #tpu.memory_space<vmem>> -> memref<1x32x1024xf32, #tpu.memory_space<vmem>>
    %dma_wait3A_1304 = tpu.memref_squeeze %dma_wait3A_1303 : memref<1x32x1024xf32, #tpu.memory_space<vmem>> -> memref<32x1024xf32, #tpu.memory_space<vmem>>
    %dma_wait3A_1305 = arith.constant 0 : i32
    %dma_wait3A_1306 = arith.constant 0 : i32
    %dma_wait3A_1307 = tpu.memref_slice %arg4[%dma_wait3A_1305, %dma_wait3A_1306] : memref<32768x1024xf32, #tpu.memory_space<hbm>> -> memref<32x1024xf32, #tpu.memory_space<hbm>>
    %dma_wait3A_1308 = arith.constant 0 : i32
    %dma_wait3A_1309 = arith.constant 0 : i32
    %dma_wait3A_1310 = tpu.memref_slice %arg4[%dma_wait3A_1308, %dma_wait3A_1309] : memref<32768x1024xf32, #tpu.memory_space<hbm>> -> memref<32x1024xf32, #tpu.memory_space<hbm>>
    %dma_wait3A_1311 = arith.constant 0 : i32
    %dma_wait3A_1312 = arith.constant 0 : i32
    %dma_wait3A_1313 = tpu.memref_slice %arg6[%dma_wait3A_1300, %dma_wait3A_1311, %dma_wait3A_1312] : memref<3x32x1024xf32, #tpu.memory_space<vmem>> -> memref<1x32x1024xf32, #tpu.memory_space<vmem>>
    %dma_wait3A_1314 = tpu.memref_squeeze %dma_wait3A_1313 : memref<1x32x1024xf32, #tpu.memory_space<vmem>> -> memref<32x1024xf32, #tpu.memory_space<vmem>>
    tpu.wait_dma2 semaphore(%arg13 : memref<!tpu.dma_semaphore, #tpu.memory_space<semaphore_mem>>) src(%dma_wait3A_1314 : memref<32x1024xf32, #tpu.memory_space<vmem>>) dst(%dma_wait3A_1310 : memref<32x1024xf32, #tpu.memory_space<hbm>>)
    %dma_wait3A_1315 = arith.constant 0 : i32
    %dma_wait3A_1316 = arith.constant 0 : i32
    %dma_wait3A_1317 = tpu.memref_slice %arg5[%dma_wait3A_1315, %dma_wait3A_1316] : memref<4x256xi32, #tpu.memory_space<vmem>> -> memref<1x256xi32, #tpu.memory_space<vmem>>
    %dma_wait3A_1318 = tpu.memref_squeeze %dma_wait3A_1317 : memref<1x256xi32, #tpu.memory_space<vmem>> -> memref<256xi32, #tpu.memory_space<vmem>>
    %dma_wait3A_1319 = arith.constant 0 : i32
    %dma_wait3A_1320 = tpu.memref_slice %arg2[%dma_wait3A_1319] : memref<32768xi32, #tpu.memory_space<hbm>> -> memref<256xi32, #tpu.memory_space<hbm>>
    %dma_wait3A_1321 = arith.constant 0 : i32
    %dma_wait3A_1322 = tpu.memref_slice %arg5[%dma_wait3A_1315, %dma_wait3A_1321] : memref<4x256xi32, #tpu.memory_space<vmem>> -> memref<1x256xi32, #tpu.memory_space<vmem>>
    %dma_wait3A_1323 = tpu.memref_squeeze %dma_wait3A_1322 : memref<1x256xi32, #tpu.memory_space<vmem>> -> memref<256xi32, #tpu.memory_space<vmem>>
    %dma_wait3A_1324 = arith.constant 0 : i32
    %dma_wait3A_1325 = tpu.memref_slice %arg2[%dma_wait3A_1324] : memref<32768xi32, #tpu.memory_space<hbm>> -> memref<256xi32, #tpu.memory_space<hbm>>
    tpu.wait_dma2 semaphore(%arg16 : memref<!tpu.dma_semaphore, #tpu.memory_space<semaphore_mem>>) src(%dma_wait3A_1325 : memref<256xi32, #tpu.memory_space<hbm>>) dst(%dma_wait3A_1323 : memref<256xi32, #tpu.memory_space<vmem>>)
    %dma_wait3A_1326 = arith.constant 1 : i32
    %dma_wait3A_1327 = arith.constant 0 : i32
    %dma_wait3A_1328 = tpu.memref_slice %arg5[%dma_wait3A_1326, %dma_wait3A_1327] : memref<4x256xi32, #tpu.memory_space<vmem>> -> memref<1x256xi32, #tpu.memory_space<vmem>>
    %dma_wait3A_1329 = tpu.memref_squeeze %dma_wait3A_1328 : memref<1x256xi32, #tpu.memory_space<vmem>> -> memref<256xi32, #tpu.memory_space<vmem>>
    %dma_wait3A_1330 = arith.constant 0 : i32
    %dma_wait3A_1331 = tpu.memref_slice %arg2[%dma_wait3A_1330] : memref<32768xi32, #tpu.memory_space<hbm>> -> memref<256xi32, #tpu.memory_space<hbm>>
    %dma_wait3A_1332 = arith.constant 0 : i32
    %dma_wait3A_1333 = tpu.memref_slice %arg5[%dma_wait3A_1326, %dma_wait3A_1332] : memref<4x256xi32, #tpu.memory_space<vmem>> -> memref<1x256xi32, #tpu.memory_space<vmem>>
    %dma_wait3A_1334 = tpu.memref_squeeze %dma_wait3A_1333 : memref<1x256xi32, #tpu.memory_space<vmem>> -> memref<256xi32, #tpu.memory_space<vmem>>
    %dma_wait3A_1335 = arith.constant 0 : i32
    %dma_wait3A_1336 = tpu.memref_slice %arg2[%dma_wait3A_1335] : memref<32768xi32, #tpu.memory_space<hbm>> -> memref<256xi32, #tpu.memory_space<hbm>>
    tpu.wait_dma2 semaphore(%arg16 : memref<!tpu.dma_semaphore, #tpu.memory_space<semaphore_mem>>) src(%dma_wait3A_1336 : memref<256xi32, #tpu.memory_space<hbm>>) dst(%dma_wait3A_1334 : memref<256xi32, #tpu.memory_space<vmem>>)
    %dma_wait3A_1337 = arith.constant 2 : i32
    %dma_wait3A_1338 = arith.constant 0 : i32
    %dma_wait3A_1339 = tpu.memref_slice %arg5[%dma_wait3A_1337, %dma_wait3A_1338] : memref<4x256xi32, #tpu.memory_space<vmem>> -> memref<1x256xi32, #tpu.memory_space<vmem>>
    %dma_wait3A_1340 = tpu.memref_squeeze %dma_wait3A_1339 : memref<1x256xi32, #tpu.memory_space<vmem>> -> memref<256xi32, #tpu.memory_space<vmem>>
    %dma_wait3A_1341 = arith.constant 0 : i32
    %dma_wait3A_1342 = tpu.memref_slice %arg2[%dma_wait3A_1341] : memref<32768xi32, #tpu.memory_space<hbm>> -> memref<256xi32, #tpu.memory_space<hbm>>
    %dma_wait3A_1343 = arith.constant 0 : i32
    %dma_wait3A_1344 = tpu.memref_slice %arg5[%dma_wait3A_1337, %dma_wait3A_1343] : memref<4x256xi32, #tpu.memory_space<vmem>> -> memref<1x256xi32, #tpu.memory_space<vmem>>
    %dma_wait3A_1345 = tpu.memref_squeeze %dma_wait3A_1344 : memref<1x256xi32, #tpu.memory_space<vmem>> -> memref<256xi32, #tpu.memory_space<vmem>>
    %dma_wait3A_1346 = arith.constant 0 : i32
    %dma_wait3A_1347 = tpu.memref_slice %arg2[%dma_wait3A_1346] : memref<32768xi32, #tpu.memory_space<hbm>> -> memref<256xi32, #tpu.memory_space<hbm>>
    tpu.wait_dma2 semaphore(%arg16 : memref<!tpu.dma_semaphore, #tpu.memory_space<semaphore_mem>>) src(%dma_wait3A_1347 : memref<256xi32, #tpu.memory_space<hbm>>) dst(%dma_wait3A_1345 : memref<256xi32, #tpu.memory_space<vmem>>)
    %dma_wait3A_1348 = arith.constant 3 : i32
    %dma_wait3A_1349 = arith.constant 0 : i32
    %dma_wait3A_1350 = tpu.memref_slice %arg5[%dma_wait3A_1348, %dma_wait3A_1349] : memref<4x256xi32, #tpu.memory_space<vmem>> -> memref<1x256xi32, #tpu.memory_space<vmem>>
    %dma_wait3A_1351 = tpu.memref_squeeze %dma_wait3A_1350 : memref<1x256xi32, #tpu.memory_space<vmem>> -> memref<256xi32, #tpu.memory_space<vmem>>
    %dma_wait3A_1352 = arith.constant 0 : i32
    %dma_wait3A_1353 = tpu.memref_slice %arg2[%dma_wait3A_1352] : memref<32768xi32, #tpu.memory_space<hbm>> -> memref<256xi32, #tpu.memory_space<hbm>>
    %dma_wait3A_1354 = arith.constant 0 : i32
    %dma_wait3A_1355 = tpu.memref_slice %arg5[%dma_wait3A_1348, %dma_wait3A_1354] : memref<4x256xi32, #tpu.memory_space<vmem>> -> memref<1x256xi32, #tpu.memory_space<vmem>>
    %dma_wait3A_1356 = tpu.memref_squeeze %dma_wait3A_1355 : memref<1x256xi32, #tpu.memory_space<vmem>> -> memref<256xi32, #tpu.memory_space<vmem>>
    %dma_wait3A_1357 = arith.constant 0 : i32
    %dma_wait3A_1358 = tpu.memref_slice %arg2[%dma_wait3A_1357] : memref<32768xi32, #tpu.memory_space<hbm>> -> memref<256xi32, #tpu.memory_space<hbm>>
    tpu.wait_dma2 semaphore(%arg16 : memref<!tpu.dma_semaphore, #tpu.memory_space<semaphore_mem>>) src(%dma_wait3A_1358 : memref<256xi32, #tpu.memory_space<hbm>>) dst(%dma_wait3A_1356 : memref<256xi32, #tpu.memory_space<vmem>>)
    %dma_wait3A_1359 = arith.constant 8192 : i32
    %dma_wait3A_1360 = arith.constant 0 : i32
    %dma_wait3A_1361 = tpu.memref_slice %arg3[%dma_wait3A_1359, %dma_wait3A_1360] : memref<8208x1024xf32, #tpu.memory_space<hbm>> -> memref<16x1024xf32, #tpu.memory_space<hbm>>
    %dma_wait3A_1362 = arith.constant 8192 : i32
    %dma_wait3A_1363 = arith.constant 0 : i32
    %dma_wait3A_1364 = tpu.memref_slice %arg3[%dma_wait3A_1362, %dma_wait3A_1363] : memref<8208x1024xf32, #tpu.memory_space<hbm>> -> memref<16x1024xf32, #tpu.memory_space<hbm>>
    tpu.wait_dma2 semaphore(%arg16 : memref<!tpu.dma_semaphore, #tpu.memory_space<semaphore_mem>>) src(%dma_wait3A_1364 : memref<16x1024xf32, #tpu.memory_space<hbm>>) dst(%arg7 : memref<16x1024xf32, #tpu.memory_space<vmem>>)
    %iota3A = tpu.iota {dimensions = array<i32: 0>} : vector<16xi32>
    %add3A_1365 = arith.constant 0 : i32
    %add3A_1366 = arith.addi %add3A_1365, %mul3A_2 : i32
    %scan3A = arith.constant 0 : i32
    %scan3A_1367 = arith.constant 16 : i32
    %scan3A_1368 = arith.addi %scan3A, %scan3A_1367 : i32
    %scan3A_1369 = arith.constant 1 : i32
    scf.for %scan3A_1392 = %scan3A to %scan3A_1368 step %scan3A_1369  : i32 {
      %mul3A_1393 = arith.constant 1 : i32
      %mul3A_1394 = arith.muli %scan3A_1392, %mul3A_1393 : i32
      %add3A_1395 = arith.constant 0 : i32
      %add3A_1396 = arith.addi %add3A_1395, %mul3A_1394 : i32
      %mul3A_1397 = arith.constant 16 : i32
      %mul3A_1398 = arith.muli %add3A_1396, %mul3A_1397 : i32
      %get3A = arith.constant 0 : i32
      %get3A_1399 = arith.index_cast %get3A : i32 to index
      %get3A_1400 = arith.index_cast %mul3A_1398 : i32 to index
      %get3A_1401 = tpu.vector_load %arg5[%get3A_1399, %get3A_1400] {strides = array<i32>} : memref<4x256xi32, #tpu.memory_space<vmem>>, vector<16xi32>,
      %eq3A = arith.constant 1 : i32
      %eq3A_1402 = vector.broadcast %eq3A : i32 to vector<16xi32>
      %eq3A_1403 = arith.cmpi eq, %get3A_1401, %eq3A_1402 : vector<16xi32>
      %jit3A = arith.constant 1 : i32
      %jit3A_1404 = arith.constant 0 : i32
      %broadcast_in_dim3A = vector.broadcast %jit3A : i32 to vector<16xi32>
      %broadcast_in_dim3A_1405 = vector.broadcast %jit3A_1404 : i32 to vector<16xi32>
      %select_n3A = arith.select %eq3A_1403, %broadcast_in_dim3A, %broadcast_in_dim3A_1405 : vector<16xi1>, vector<16xi32>
      %reduce_sum3A = arith.constant true
      %reduce_sum3A_1406 = vector.broadcast %reduce_sum3A : i1 to vector<16xi1>
      %reduce_sum3A_1407 = tpu.scan <sum>, %select_n3A masked %reduce_sum3A_1406 : vector<16xi32>, vector<16xi1> -> vector<16xi32>
      %reduce_sum3A_1408 = vector.extract %reduce_sum3A_1407[15] : i32 from vector<16xi32>
      %gt3A = arith.constant 0 : i32
      %gt3A_1409 = arith.cmpi sgt, %reduce_sum3A_1408, %gt3A : i32
      %convert_element_type3A = arith.extui %gt3A_1409 : i1 to i32
      %cond3A = arith.constant 0 : i32
      %cond3A_1410 = arith.cmpi ne, %convert_element_type3A, %cond3A : i32
      scf.if %cond3A_1410 {
        %mul3A_1411 = arith.constant 16 : i32
        %mul3A_1412 = arith.muli %add3A_1396, %mul3A_1411 : i32
        %add3A_1413 = arith.addi %add3A_1366, %mul3A_1412 : i32
        %add3A_1414 = vector.broadcast %add3A_1413 : i32 to vector<16xi32>
        %add3A_1415 = arith.addi %add3A_1414, %iota3A : vector<16xi32>
        %mul3A_1416 = arith.constant 16 : i32
        %mul3A_1417 = arith.muli %add3A_1396, %mul3A_1416 : i32
        %add3A_1418 = arith.addi %add3A_1366, %mul3A_1417 : i32
        %all_reduce_ffs3A = tpu.all_reduce %eq3A_1403 {dim = 0 : i64, kind = #tpu.reduction_kind<find_first_set>} : vector<16xi1> -> vector<16xi32>
        %add3A_1419 = vector.broadcast %add3A_1418 : i32 to vector<16xi32>
        %add3A_1420 = arith.addi %add3A_1419, %all_reduce_ffs3A : vector<16xi32>
        %select_n3A_1421 = arith.select %eq3A_1403, %add3A_1415, %add3A_1420 : vector<16xi1>, vector<16xi32>
        %swap3A = arith.constant 0 : i32
        %swap3A_1422 = arith.index_cast %swap3A : i32 to index
        %swap3A_1423 = arith.constant 0 : index
        %swap3A_1424 = tpu.vector_load %arg8[%swap3A_1422, %swap3A_1423] {strides = array<i32>} : memref<1x16xi32, #tpu.memory_space<vmem>>, vector<16xi32>,
        tpu.vector_store %arg8[%swap3A_1422, %swap3A_1423], %select_n3A_1421 {strides = array<i32>} : memref<1x16xi32, #tpu.memory_space<vmem>>, vector<16xi32>,
        %dma_start3A_1425 = arith.constant 0 : i32
        %dma_start3A_1426 = arith.constant 0 : i32
        %dma_start3A_1427 = tpu.memref_slice %arg8[%dma_start3A_1425, %dma_start3A_1426] : memref<1x16xi32, #tpu.memory_space<vmem>> -> memref<1x16xi32, #tpu.memory_space<vmem>>
        %dma_start3A_1428 = tpu.memref_squeeze %dma_start3A_1427 : memref<1x16xi32, #tpu.memory_space<vmem>> -> memref<16xi32, #tpu.memory_space<vmem>>
        %dma_start3A_1429 = arith.constant 0 : i32
        %dma_start3A_1430 = arith.constant 0 : i32
        %dma_start3A_1431 = tpu.memref_slice %arg4[%dma_start3A_1429, %dma_start3A_1430] : memref<32768x1024xf32, #tpu.memory_space<hbm>> -> memref<32768x1024xf32, #tpu.memory_space<hbm>>
        tpu.enqueue_indirect_dma source(%arg7 : memref<16x1024xf32, #tpu.memory_space<vmem>>) target(%dma_start3A_1431 : memref<32768x1024xf32, #tpu.memory_space<hbm>>) offsets(%dma_start3A_1428 : memref<16xi32, #tpu.memory_space<vmem>>) semaphore(%arg15 : memref<!tpu.dma_semaphore, #tpu.memory_space<semaphore_mem>>)
        %dma_wait3A_1432 = arith.constant 0 : i32
        %dma_wait3A_1433 = arith.constant 0 : i32
        %dma_wait3A_1434 = tpu.memref_slice %arg8[%dma_wait3A_1432, %dma_wait3A_1433] : memref<1x16xi32, #tpu.memory_space<vmem>> -> memref<1x16xi32, #tpu.memory_space<vmem>>
        %dma_wait3A_1435 = tpu.memref_squeeze %dma_wait3A_1434 : memref<1x16xi32, #tpu.memory_space<vmem>> -> memref<16xi32, #tpu.memory_space<vmem>>
        %dma_wait3A_1436 = arith.constant 0 : i32
        %dma_wait3A_1437 = arith.constant 0 : i32
        %dma_wait3A_1438 = tpu.memref_slice %arg4[%dma_wait3A_1436, %dma_wait3A_1437] : memref<32768x1024xf32, #tpu.memory_space<hbm>> -> memref<32768x1024xf32, #tpu.memory_space<hbm>>
        tpu.wait_indirect_dma semaphore(%arg15 : memref<!tpu.dma_semaphore, #tpu.memory_space<semaphore_mem>>) src(%arg7 : memref<16x1024xf32, #tpu.memory_space<vmem>>) dst(%dma_wait3A_1438 : memref<32768x1024xf32, #tpu.memory_space<hbm>>)
      } else {
      }
    }
    %scan3A_1370 = arith.constant 16 : i32
    %add3A_1371 = arith.constant 8192 : i32
    %add3A_1372 = arith.addi %add3A_1371, %mul3A_2 : i32
    %scan3A_1373 = arith.constant 0 : i32
    %scan3A_1374 = arith.constant 16 : i32
    %scan3A_1375 = arith.addi %scan3A_1373, %scan3A_1374 : i32
    %scan3A_1376 = arith.constant 1 : i32
    scf.for %scan3A_1392 = %scan3A_1373 to %scan3A_1375 step %scan3A_1376  : i32 {
      %mul3A_1393 = arith.constant 1 : i32
      %mul3A_1394 = arith.muli %scan3A_1392, %mul3A_1393 : i32
      %add3A_1395 = arith.constant 0 : i32
      %add3A_1396 = arith.addi %add3A_1395, %mul3A_1394 : i32
      %mul3A_1397 = arith.constant 16 : i32
      %mul3A_1398 = arith.muli %add3A_1396, %mul3A_1397 : i32
      %get3A = arith.constant 1 : i32
      %get3A_1399 = arith.index_cast %get3A : i32 to index
      %get3A_1400 = arith.index_cast %mul3A_1398 : i32 to index
      %get3A_1401 = tpu.vector_load %arg5[%get3A_1399, %get3A_1400] {strides = array<i32>} : memref<4x256xi32, #tpu.memory_space<vmem>>, vector<16xi32>,
      %eq3A = arith.constant 1 : i32
      %eq3A_1402 = vector.broadcast %eq3A : i32 to vector<16xi32>
      %eq3A_1403 = arith.cmpi eq, %get3A_1401, %eq3A_1402 : vector<16xi32>
      %jit3A = arith.constant 1 : i32
      %jit3A_1404 = arith.constant 0 : i32
      %broadcast_in_dim3A = vector.broadcast %jit3A : i32 to vector<16xi32>
      %broadcast_in_dim3A_1405 = vector.broadcast %jit3A_1404 : i32 to vector<16xi32>
      %select_n3A = arith.select %eq3A_1403, %broadcast_in_dim3A, %broadcast_in_dim3A_1405 : vector<16xi1>, vector<16xi32>
      %reduce_sum3A = arith.constant true
      %reduce_sum3A_1406 = vector.broadcast %reduce_sum3A : i1 to vector<16xi1>
      %reduce_sum3A_1407 = tpu.scan <sum>, %select_n3A masked %reduce_sum3A_1406 : vector<16xi32>, vector<16xi1> -> vector<16xi32>
      %reduce_sum3A_1408 = vector.extract %reduce_sum3A_1407[15] : i32 from vector<16xi32>
      %gt3A = arith.constant 0 : i32
      %gt3A_1409 = arith.cmpi sgt, %reduce_sum3A_1408, %gt3A : i32
      %convert_element_type3A = arith.extui %gt3A_1409 : i1 to i32
      %cond3A = arith.constant 0 : i32
      %cond3A_1410 = arith.cmpi ne, %convert_element_type3A, %cond3A : i32
      scf.if %cond3A_1410 {
        %mul3A_1411 = arith.constant 16 : i32
        %mul3A_1412 = arith.muli %add3A_1396, %mul3A_1411 : i32
        %add3A_1413 = arith.addi %add3A_1372, %mul3A_1412 : i32
        %add3A_1414 = vector.broadcast %add3A_1413 : i32 to vector<16xi32>
        %add3A_1415 = arith.addi %add3A_1414, %iota3A : vector<16xi32>
        %mul3A_1416 = arith.constant 16 : i32
        %mul3A_1417 = arith.muli %add3A_1396, %mul3A_1416 : i32
        %add3A_1418 = arith.addi %add3A_1372, %mul3A_1417 : i32
        %all_reduce_ffs3A = tpu.all_reduce %eq3A_1403 {dim = 0 : i64, kind = #tpu.reduction_kind<find_first_set>} : vector<16xi1> -> vector<16xi32>
        %add3A_1419 = vector.broadcast %add3A_1418 : i32 to vector<16xi32>
        %add3A_1420 = arith.addi %add3A_1419, %all_reduce_ffs3A : vector<16xi32>
        %select_n3A_1421 = arith.select %eq3A_1403, %add3A_1415, %add3A_1420 : vector<16xi1>, vector<16xi32>
        %swap3A = arith.constant 0 : i32
        %swap3A_1422 = arith.index_cast %swap3A : i32 to index
        %swap3A_1423 = arith.constant 0 : index
        %swap3A_1424 = tpu.vector_load %arg8[%swap3A_1422, %swap3A_1423] {strides = array<i32>} : memref<1x16xi32, #tpu.memory_space<vmem>>, vector<16xi32>,
        tpu.vector_store %arg8[%swap3A_1422, %swap3A_1423], %select_n3A_1421 {strides = array<i32>} : memref<1x16xi32, #tpu.memory_space<vmem>>, vector<16xi32>,
        %dma_start3A_1425 = arith.constant 0 : i32
        %dma_start3A_1426 = arith.constant 0 : i32
        %dma_start3A_1427 = tpu.memref_slice %arg8[%dma_start3A_1425, %dma_start3A_1426] : memref<1x16xi32, #tpu.memory_space<vmem>> -> memref<1x16xi32, #tpu.memory_space<vmem>>
        %dma_start3A_1428 = tpu.memref_squeeze %dma_start3A_1427 : memref<1x16xi32, #tpu.memory_space<vmem>> -> memref<16xi32, #tpu.memory_space<vmem>>
        %dma_start3A_1429 = arith.constant 0 : i32
        %dma_start3A_1430 = arith.constant 0 : i32
        %dma_start3A_1431 = tpu.memref_slice %arg4[%dma_start3A_1429, %dma_start3A_1430] : memref<32768x1024xf32, #tpu.memory_space<hbm>> -> memref<32768x1024xf32, #tpu.memory_space<hbm>>
        tpu.enqueue_indirect_dma source(%arg7 : memref<16x1024xf32, #tpu.memory_space<vmem>>) target(%dma_start3A_1431 : memref<32768x1024xf32, #tpu.memory_space<hbm>>) offsets(%dma_start3A_1428 : memref<16xi32, #tpu.memory_space<vmem>>) semaphore(%arg15 : memref<!tpu.dma_semaphore, #tpu.memory_space<semaphore_mem>>)
        %dma_wait3A_1432 = arith.constant 0 : i32
        %dma_wait3A_1433 = arith.constant 0 : i32
        %dma_wait3A_1434 = tpu.memref_slice %arg8[%dma_wait3A_1432, %dma_wait3A_1433] : memref<1x16xi32, #tpu.memory_space<vmem>> -> memref<1x16xi32, #tpu.memory_space<vmem>>
        %dma_wait3A_1435 = tpu.memref_squeeze %dma_wait3A_1434 : memref<1x16xi32, #tpu.memory_space<vmem>> -> memref<16xi32, #tpu.memory_space<vmem>>
        %dma_wait3A_1436 = arith.constant 0 : i32
        %dma_wait3A_1437 = arith.constant 0 : i32
        %dma_wait3A_1438 = tpu.memref_slice %arg4[%dma_wait3A_1436, %dma_wait3A_1437] : memref<32768x1024xf32, #tpu.memory_space<hbm>> -> memref<32768x1024xf32, #tpu.memory_space<hbm>>
        tpu.wait_indirect_dma semaphore(%arg15 : memref<!tpu.dma_semaphore, #tpu.memory_space<semaphore_mem>>) src(%arg7 : memref<16x1024xf32, #tpu.memory_space<vmem>>) dst(%dma_wait3A_1438 : memref<32768x1024xf32, #tpu.memory_space<hbm>>)
      } else {
      }
    }
    %scan3A_1377 = arith.constant 16 : i32
    %add3A_1378 = arith.constant 16384 : i32
    %add3A_1379 = arith.addi %add3A_1378, %mul3A_2 : i32
    %scan3A_1380 = arith.constant 0 : i32
    %scan3A_1381 = arith.constant 16 : i32
    %scan3A_1382 = arith.addi %scan3A_1380, %scan3A_1381 : i32
    %scan3A_1383 = arith.constant 1 : i32
    scf.for %scan3A_1392 = %scan3A_1380 to %scan3A_1382 step %scan3A_1383  : i32 {
      %mul3A_1393 = arith.constant 1 : i32
      %mul3A_1394 = arith.muli %scan3A_1392, %mul3A_1393 : i32
      %add3A_1395 = arith.constant 0 : i32
      %add3A_1396 = arith.addi %add3A_1395, %mul3A_1394 : i32
      %mul3A_1397 = arith.constant 16 : i32
      %mul3A_1398 = arith.muli %add3A_1396, %mul3A_1397 : i32
      %get3A = arith.constant 2 : i32
      %get3A_1399 = arith.index_cast %get3A : i32 to index
      %get3A_1400 = arith.index_cast %mul3A_1398 : i32 to index
      %get3A_1401 = tpu.vector_load %arg5[%get3A_1399, %get3A_1400] {strides = array<i32>} : memref<4x256xi32, #tpu.memory_space<vmem>>, vector<16xi32>,
      %eq3A = arith.constant 1 : i32
      %eq3A_1402 = vector.broadcast %eq3A : i32 to vector<16xi32>
      %eq3A_1403 = arith.cmpi eq, %get3A_1401, %eq3A_1402 : vector<16xi32>
      %jit3A = arith.constant 1 : i32
      %jit3A_1404 = arith.constant 0 : i32
      %broadcast_in_dim3A = vector.broadcast %jit3A : i32 to vector<16xi32>
      %broadcast_in_dim3A_1405 = vector.broadcast %jit3A_1404 : i32 to vector<16xi32>
      %select_n3A = arith.select %eq3A_1403, %broadcast_in_dim3A, %broadcast_in_dim3A_1405 : vector<16xi1>, vector<16xi32>
      %reduce_sum3A = arith.constant true
      %reduce_sum3A_1406 = vector.broadcast %reduce_sum3A : i1 to vector<16xi1>
      %reduce_sum3A_1407 = tpu.scan <sum>, %select_n3A masked %reduce_sum3A_1406 : vector<16xi32>, vector<16xi1> -> vector<16xi32>
      %reduce_sum3A_1408 = vector.extract %reduce_sum3A_1407[15] : i32 from vector<16xi32>
      %gt3A = arith.constant 0 : i32
      %gt3A_1409 = arith.cmpi sgt, %reduce_sum3A_1408, %gt3A : i32
      %convert_element_type3A = arith.extui %gt3A_1409 : i1 to i32
      %cond3A = arith.constant 0 : i32
      %cond3A_1410 = arith.cmpi ne, %convert_element_type3A, %cond3A : i32
      scf.if %cond3A_1410 {
        %mul3A_1411 = arith.constant 16 : i32
        %mul3A_1412 = arith.muli %add3A_1396, %mul3A_1411 : i32
        %add3A_1413 = arith.addi %add3A_1379, %mul3A_1412 : i32
        %add3A_1414 = vector.broadcast %add3A_1413 : i32 to vector<16xi32>
        %add3A_1415 = arith.addi %add3A_1414, %iota3A : vector<16xi32>
        %mul3A_1416 = arith.constant 16 : i32
        %mul3A_1417 = arith.muli %add3A_1396, %mul3A_1416 : i32
        %add3A_1418 = arith.addi %add3A_1379, %mul3A_1417 : i32
        %all_reduce_ffs3A = tpu.all_reduce %eq3A_1403 {dim = 0 : i64, kind = #tpu.reduction_kind<find_first_set>} : vector<16xi1> -> vector<16xi32>
        %add3A_1419 = vector.broadcast %add3A_1418 : i32 to vector<16xi32>
        %add3A_1420 = arith.addi %add3A_1419, %all_reduce_ffs3A : vector<16xi32>
        %select_n3A_1421 = arith.select %eq3A_1403, %add3A_1415, %add3A_1420 : vector<16xi1>, vector<16xi32>
        %swap3A = arith.constant 0 : i32
        %swap3A_1422 = arith.index_cast %swap3A : i32 to index
        %swap3A_1423 = arith.constant 0 : index
        %swap3A_1424 = tpu.vector_load %arg8[%swap3A_1422, %swap3A_1423] {strides = array<i32>} : memref<1x16xi32, #tpu.memory_space<vmem>>, vector<16xi32>,
        tpu.vector_store %arg8[%swap3A_1422, %swap3A_1423], %select_n3A_1421 {strides = array<i32>} : memref<1x16xi32, #tpu.memory_space<vmem>>, vector<16xi32>,
        %dma_start3A_1425 = arith.constant 0 : i32
        %dma_start3A_1426 = arith.constant 0 : i32
        %dma_start3A_1427 = tpu.memref_slice %arg8[%dma_start3A_1425, %dma_start3A_1426] : memref<1x16xi32, #tpu.memory_space<vmem>> -> memref<1x16xi32, #tpu.memory_space<vmem>>
        %dma_start3A_1428 = tpu.memref_squeeze %dma_start3A_1427 : memref<1x16xi32, #tpu.memory_space<vmem>> -> memref<16xi32, #tpu.memory_space<vmem>>
        %dma_start3A_1429 = arith.constant 0 : i32
        %dma_start3A_1430 = arith.constant 0 : i32
        %dma_start3A_1431 = tpu.memref_slice %arg4[%dma_start3A_1429, %dma_start3A_1430] : memref<32768x1024xf32, #tpu.memory_space<hbm>> -> memref<32768x1024xf32, #tpu.memory_space<hbm>>
        tpu.enqueue_indirect_dma source(%arg7 : memref<16x1024xf32, #tpu.memory_space<vmem>>) target(%dma_start3A_1431 : memref<32768x1024xf32, #tpu.memory_space<hbm>>) offsets(%dma_start3A_1428 : memref<16xi32, #tpu.memory_space<vmem>>) semaphore(%arg15 : memref<!tpu.dma_semaphore, #tpu.memory_space<semaphore_mem>>)
        %dma_wait3A_1432 = arith.constant 0 : i32
        %dma_wait3A_1433 = arith.constant 0 : i32
        %dma_wait3A_1434 = tpu.memref_slice %arg8[%dma_wait3A_1432, %dma_wait3A_1433] : memref<1x16xi32, #tpu.memory_space<vmem>> -> memref<1x16xi32, #tpu.memory_space<vmem>>
        %dma_wait3A_1435 = tpu.memref_squeeze %dma_wait3A_1434 : memref<1x16xi32, #tpu.memory_space<vmem>> -> memref<16xi32, #tpu.memory_space<vmem>>
        %dma_wait3A_1436 = arith.constant 0 : i32
        %dma_wait3A_1437 = arith.constant 0 : i32
        %dma_wait3A_1438 = tpu.memref_slice %arg4[%dma_wait3A_1436, %dma_wait3A_1437] : memref<32768x1024xf32, #tpu.memory_space<hbm>> -> memref<32768x1024xf32, #tpu.memory_space<hbm>>
        tpu.wait_indirect_dma semaphore(%arg15 : memref<!tpu.dma_semaphore, #tpu.memory_space<semaphore_mem>>) src(%arg7 : memref<16x1024xf32, #tpu.memory_space<vmem>>) dst(%dma_wait3A_1438 : memref<32768x1024xf32, #tpu.memory_space<hbm>>)
      } else {
      }
    }
    %scan3A_1384 = arith.constant 16 : i32
    %add3A_1385 = arith.constant 24576 : i32
    %add3A_1386 = arith.addi %add3A_1385, %mul3A_2 : i32
    %scan3A_1387 = arith.constant 0 : i32
    %scan3A_1388 = arith.constant 16 : i32
    %scan3A_1389 = arith.addi %scan3A_1387, %scan3A_1388 : i32
    %scan3A_1390 = arith.constant 1 : i32
    scf.for %scan3A_1392 = %scan3A_1387 to %scan3A_1389 step %scan3A_1390  : i32 {
      %mul3A_1393 = arith.constant 1 : i32
      %mul3A_1394 = arith.muli %scan3A_1392, %mul3A_1393 : i32
      %add3A_1395 = arith.constant 0 : i32
      %add3A_1396 = arith.addi %add3A_1395, %mul3A_1394 : i32
      %mul3A_1397 = arith.constant 16 : i32
      %mul3A_1398 = arith.muli %add3A_1396, %mul3A_1397 : i32
      %get3A = arith.constant 3 : i32
      %get3A_1399 = arith.index_cast %get3A : i32 to index
      %get3A_1400 = arith.index_cast %mul3A_1398 : i32 to index
      %get3A_1401 = tpu.vector_load %arg5[%get3A_1399, %get3A_1400] {strides = array<i32>} : memref<4x256xi32, #tpu.memory_space<vmem>>, vector<16xi32>,
      %eq3A = arith.constant 1 : i32
      %eq3A_1402 = vector.broadcast %eq3A : i32 to vector<16xi32>
      %eq3A_1403 = arith.cmpi eq, %get3A_1401, %eq3A_1402 : vector<16xi32>
      %jit3A = arith.constant 1 : i32
      %jit3A_1404 = arith.constant 0 : i32
      %broadcast_in_dim3A = vector.broadcast %jit3A : i32 to vector<16xi32>
      %broadcast_in_dim3A_1405 = vector.broadcast %jit3A_1404 : i32 to vector<16xi32>
      %select_n3A = arith.select %eq3A_1403, %broadcast_in_dim3A, %broadcast_in_dim3A_1405 : vector<16xi1>, vector<16xi32>
      %reduce_sum3A = arith.constant true
      %reduce_sum3A_1406 = vector.broadcast %reduce_sum3A : i1 to vector<16xi1>
      %reduce_sum3A_1407 = tpu.scan <sum>, %select_n3A masked %reduce_sum3A_1406 : vector<16xi32>, vector<16xi1> -> vector<16xi32>
      %reduce_sum3A_1408 = vector.extract %reduce_sum3A_1407[15] : i32 from vector<16xi32>
      %gt3A = arith.constant 0 : i32
      %gt3A_1409 = arith.cmpi sgt, %reduce_sum3A_1408, %gt3A : i32
      %convert_element_type3A = arith.extui %gt3A_1409 : i1 to i32
      %cond3A = arith.constant 0 : i32
      %cond3A_1410 = arith.cmpi ne, %convert_element_type3A, %cond3A : i32
      scf.if %cond3A_1410 {
        %mul3A_1411 = arith.constant 16 : i32
        %mul3A_1412 = arith.muli %add3A_1396, %mul3A_1411 : i32
        %add3A_1413 = arith.addi %add3A_1386, %mul3A_1412 : i32
        %add3A_1414 = vector.broadcast %add3A_1413 : i32 to vector<16xi32>
        %add3A_1415 = arith.addi %add3A_1414, %iota3A : vector<16xi32>
        %mul3A_1416 = arith.constant 16 : i32
        %mul3A_1417 = arith.muli %add3A_1396, %mul3A_1416 : i32
        %add3A_1418 = arith.addi %add3A_1386, %mul3A_1417 : i32
        %all_reduce_ffs3A = tpu.all_reduce %eq3A_1403 {dim = 0 : i64, kind = #tpu.reduction_kind<find_first_set>} : vector<16xi1> -> vector<16xi32>
        %add3A_1419 = vector.broadcast %add3A_1418 : i32 to vector<16xi32>
        %add3A_1420 = arith.addi %add3A_1419, %all_reduce_ffs3A : vector<16xi32>
        %select_n3A_1421 = arith.select %eq3A_1403, %add3A_1415, %add3A_1420 : vector<16xi1>, vector<16xi32>
        %swap3A = arith.constant 0 : i32
        %swap3A_1422 = arith.index_cast %swap3A : i32 to index
        %swap3A_1423 = arith.constant 0 : index
        %swap3A_1424 = tpu.vector_load %arg8[%swap3A_1422, %swap3A_1423] {strides = array<i32>} : memref<1x16xi32, #tpu.memory_space<vmem>>, vector<16xi32>,
        tpu.vector_store %arg8[%swap3A_1422, %swap3A_1423], %select_n3A_1421 {strides = array<i32>} : memref<1x16xi32, #tpu.memory_space<vmem>>, vector<16xi32>,
        %dma_start3A_1425 = arith.constant 0 : i32
        %dma_start3A_1426 = arith.constant 0 : i32
        %dma_start3A_1427 = tpu.memref_slice %arg8[%dma_start3A_1425, %dma_start3A_1426] : memref<1x16xi32, #tpu.memory_space<vmem>> -> memref<1x16xi32, #tpu.memory_space<vmem>>
        %dma_start3A_1428 = tpu.memref_squeeze %dma_start3A_1427 : memref<1x16xi32, #tpu.memory_space<vmem>> -> memref<16xi32, #tpu.memory_space<vmem>>
        %dma_start3A_1429 = arith.constant 0 : i32
        %dma_start3A_1430 = arith.constant 0 : i32
        %dma_start3A_1431 = tpu.memref_slice %arg4[%dma_start3A_1429, %dma_start3A_1430] : memref<32768x1024xf32, #tpu.memory_space<hbm>> -> memref<32768x1024xf32, #tpu.memory_space<hbm>>
        tpu.enqueue_indirect_dma source(%arg7 : memref<16x1024xf32, #tpu.memory_space<vmem>>) target(%dma_start3A_1431 : memref<32768x1024xf32, #tpu.memory_space<hbm>>) offsets(%dma_start3A_1428 : memref<16xi32, #tpu.memory_space<vmem>>) semaphore(%arg15 : memref<!tpu.dma_semaphore, #tpu.memory_space<semaphore_mem>>)
        %dma_wait3A_1432 = arith.constant 0 : i32
        %dma_wait3A_1433 = arith.constant 0 : i32
        %dma_wait3A_1434 = tpu.memref_slice %arg8[%dma_wait3A_1432, %dma_wait3A_1433] : memref<1x16xi32, #tpu.memory_space<vmem>> -> memref<1x16xi32, #tpu.memory_space<vmem>>
        %dma_wait3A_1435 = tpu.memref_squeeze %dma_wait3A_1434 : memref<1x16xi32, #tpu.memory_space<vmem>> -> memref<16xi32, #tpu.memory_space<vmem>>
        %dma_wait3A_1436 = arith.constant 0 : i32
        %dma_wait3A_1437 = arith.constant 0 : i32
        %dma_wait3A_1438 = tpu.memref_slice %arg4[%dma_wait3A_1436, %dma_wait3A_1437] : memref<32768x1024xf32, #tpu.memory_space<hbm>> -> memref<32768x1024xf32, #tpu.memory_space<hbm>>
        tpu.wait_indirect_dma semaphore(%arg15 : memref<!tpu.dma_semaphore, #tpu.memory_space<semaphore_mem>>) src(%arg7 : memref<16x1024xf32, #tpu.memory_space<vmem>>) dst(%dma_wait3A_1438 : memref<32768x1024xf32, #tpu.memory_space<hbm>>)
      } else {
      }
    }
    %scan3A_1391 = arith.constant 16 : i32
    return
  }
}

</mosaic_0001>

<sc_bundles>
// kernel: kernel.3.cloned.1.call-start
scs
__scs_entry_jumppad:
0x0: {  	(pc) =	sbr.rel $0x88, $3  }
0x1: {  	(tag) =	ssettag $0x0;
	lr =	simm.s32 $0x1  }
0x2: {  	[smem:$0x3FA0] =	sst lr;
	_ =	strace $0xD0000000  }
0x3: {  	_ = 	snop  }
0x4: {  	_ = 	snop  }
0x5: {  	_ = 	snop  }
0x6: {  	_ = 	snop  }
0x7: {  	_ = 	snop  }
__scs_overlays_trampoline_lowered:
0x8: {  	[smem:$0x3FAF] =	sst s0  }
0x9: {  	[smem:$0x3FB0] =	sst s1  }
0xa: {  	[smem:$0x3FB1] =	sst s2  }
0xb: {  	[smem:$0x3FB2] =	sst s3  }
0xc: {  	[smem:$0x3FB3] =	sst s4  }
0xd: {  	[smem:$0x3FB4] =	sst s5  }
0xe: {  	[smem:$0x3FB5] =	sst s6  }
0xf: {  	[smem:$0x3FB6] =	sst s7  }
0x10: {  	[smem:$0x3FB7] =	sst s8  }
0x11: {  	[smem:$0x3FB8] =	sst s9;
	s0 =	simm.s32 @!p0 $0x0  }
0x12: {  	s1 =	sld [smem:$0x3F9E];
	s0 =	simm.s32 @p0 $0x1  }
0x13: {  	[smem:$0x3FB9] =	sst s0;
	s0 =	simm.s32 @!p1 $0x0  }
0x14: {  	s2 =	sld [smem:$0x3F9D];
	s0 =	simm.s32 @p1 $0x1  }
0x15: {  	[smem:$0x3FBA] =	sst s0;
	s0 =	simm.s32 @!p2 $0x0  }
0x16: {  	s3 =	sld [smem:$0x3FDB];
	s0 =	simm.s32 @p2 $0x1  }
0x17: {  	s4 =	simm.s32 $0x1BF5;
	[smem:$0x3FBC] =	sst s0  }
0x18: {  	s0 =	sld [smem:$0x3F9F];
	_ =	swait.ge [sflag:s4], $0x0  }
0x19: {  	s7 =	sld [smem:$0x3FA0]  }
0x1a: {  	s8 =	sadd.s32 $0xFFFFE003, lr  }
0x1b: {  	s9 =	sadd.s32 $0xFFFFFEF7, lr;
	s5 =	simm.s32 $0xFFFFFFFF;
	p2 =	slt.u32 s8, $0xFFFFF086  }
0x1c: {  	p1 =	slt.u32 s9, $0xF7A;
	s5 =	simm.s32 @!p2 $0x0  }
0x1d: {  	s5 =	simm.s32 @p1 $0x1;
	p0 =	seq.s32 s7, s2  }
0x1e: {  	s7 =	smul.u32 @!p0 $0xF7A, s2;
	p2 =	seq.s32 @!p0 s5, $0x0  }
0x1f: {  	s9 =	smul.u32 $0xF7A, s1;
	s8 =	simm.s32 @!p0 $0x1BF5;
	p2 =	por !p2, p0  }
0x20: {  	[sflag:s8] =	ssyncset.s32 @!p0 $0xFFFFF086;
	s6 =	sadd.s32 @!p0 s3, s7;
	s7 =	simm.s32 @!p0 $0x108  }
0x21: {  	s3 =	sadd.s32 s3, s9;
	s6 =	sadd.s32 @!p0 $0x88, s6;
	s7 =	simm.s32 @p2 $0x1082  }
0x22: {  	[simem:s7], [sflag:s8] =	dma.local @!p0 [hbm:s6], $0xF7A  }
0x23: {  	s9 =	sor.u32 $0xD0000000, s2;
	s6 =	simm.s32 $0x108;
	_ =	swait.ge @!p0 [sflag:s8], $0x0  }
0x24: {  	s3 =	sadd.s32 $0x88, s3;
	s6 =	simm.s32 @!p1 $0x1082;
	[sflag:s4] =	ssyncset.s32 $0xFFFFF086  }
0x25: {  	[simem:s6], [sflag:s4] =	dma.local [hbm:s3], $0xF7A  }
0x26: {  	[smem:$0x3FA0] =	sst s1;
	(tag) =	ssettag s2;
	_ =	strace s9  }
0x27: {  	s1 =	sld [smem:$0x3FB0]  }
0x28: {  	s2 =	sld [smem:$0x3FB1]  }
0x29: {  	s4 =	sld [smem:$0x3FB3]  }
0x2a: {  	p0 =	seq.s32 s5, $0x0;
	s5 =	sld [smem:$0x3FB4]  }
0x2b: {  	s6 =	sld [smem:$0x3FB5]  }
0x2c: {  	s7 =	sld [smem:$0x3FB6]  }
0x2d: {  	s3 =	simm.s32 $0x108;
	s8 =	sld [smem:$0x3FB7]  }
0x2e: {  	s3 =	simm.s32 @!p0 $0x1082;
	s9 =	sld [smem:$0x3FB8]  }
0x2f: {  	lr =	sadd.s32 s0, s3;
	s0 =	sld [smem:$0x3FAF]  }
0x30: {  	s3 =	sld [smem:$0x3FB2]  }
0x31: {  	[smem:$0x3FBB] =	sst s10  }
0x32: {  	s10 =	sld [smem:$0x3FB9];
	_ =	sdelay $0x3  }
0x33: {  	p0 =	seq.s32 s10, $0x1;
	s10 =	sld [smem:$0x3FBB];
	_ =	sdelay $0x3  }
0x34: {  	[smem:$0x3FBB] =	sst s10  }
0x35: {  	s10 =	sld [smem:$0x3FBA];
	_ =	sdelay $0x3  }
0x36: {  	p1 =	seq.s32 s10, $0x1;
	s10 =	sld [smem:$0x3FBB];
	_ =	sdelay $0x3  }
0x37: {  	[smem:$0x3FBB] =	sst s10  }
0x38: {  	s10 =	sld [smem:$0x3FBC]  }
0x39: {  	_ = 	snop;
	(pc) =	sbr.ind lr, $3  }
0x3a: {  	_ = 	snop  }
0x3b: {  	_ = 	snop  }
0x3c: {  	p2 =	seq.s32 s10, $0x1;
	s10 =	sld [smem:$0x3FBB]  }
0x3d: {  	_ =	shalt  }
0x3e: {  	_ =	shalt  }
0x3f: {  	_ =	shalt  }
0x40: {  	_ =	shalt  }
0x41: {  	_ =	shalt  }
0x42: {  	_ =	shalt  }
0x43: {  	_ =	shalt  }
0x44: {  	_ =	shalt  }
0x45: {  	_ =	shalt  }
0x46: {  	_ =	shalt  }
0x47: {  	_ =	shalt  }
0x48: {  	_ =	shalt  }
0x49: {  	_ =	shalt  }
0x4a: {  	_ =	shalt  }
0x4b: {  	_ =	shalt  }
0x4c: {  	_ =	shalt  }
0x4d: {  	_ =	shalt  }
0x4e: {  	_ =	shalt  }
0x4f: {  	_ =	shalt  }
0x50: {  	_ =	shalt  }
0x51: {  	_ =	shalt  }
0x52: {  	_ =	shalt  }
0x53: {  	_ =	shalt  }
0x54: {  	_ =	shalt  }
0x55: {  	_ =	shalt  }
0x56: {  	_ =	shalt  }
0x57: {  	_ =	shalt  }
0x58: {  	_ =	shalt  }
0x59: {  	_ =	shalt  }
0x5a: {  	_ =	shalt  }
0x5b: {  	_ =	shalt  }
0x5c: {  	_ =	shalt  }
0x5d: {  	_ =	shalt  }
0x5e: {  	_ =	shalt  }
0x5f: {  	_ =	shalt  }
0x60: {  	_ =	shalt  }
0x61: {  	_ =	shalt  }
0x62: {  	_ =	shalt  }
0x63: {  	_ =	shalt  }
0x64: {  	_ =	shalt  }
0x65: {  	_ =	shalt  }
0x66: {  	_ =	shalt  }
0x67: {  	_ =	shalt  }
0x68: {  	_ =	shalt  }
0x69: {  	_ =	shalt  }
0x6a: {  	_ =	shalt  }
0x6b: {  	_ =	shalt  }
0x6c: {  	_ =	shalt  }
0x6d: {  	_ =	shalt  }
0x6e: {  	_ =	shalt  }
0x6f: {  	_ =	shalt  }
0x70: {  	_ =	shalt  }
0x71: {  	_ =	shalt  }
0x72: {  	_ =	shalt  }
0x73: {  	_ =	shalt  }
0x74: {  	_ =	shalt  }
0x75: {  	_ =	shalt  }
0x76: {  	_ =	shalt  }
0x77: {  	_ =	shalt  }
0x78: {  	_ =	shalt  }
0x79: {  	_ =	shalt  }
0x7a: {  	_ =	shalt  }
0x7b: {  	_ =	shalt  }
0x7c: {  	_ =	shalt  }
0x7d: {  	_ =	shalt  }
0x7e: {  	_ =	shalt  }
0x7f: {  	_ =	shalt  }
0x80: {  	_ =	shalt  }
0x81: {  	_ =	shalt  }
0x82: {  	_ =	shalt  }
0x83: {  	_ =	shalt  }
0x84: {  	_ =	shalt  }
0x85: {  	_ =	shalt  }
0x86: {  	_ =	shalt  }
0x87: {  	_ =	shalt  }
.Lfunc_end0:
.L_simem_size_0:
called_computation_lowered:
.L_overlay_start_0:
0x88: {  	s2 =	sld [smem:$0x3FD9]  }
0x89: {  	s3 =	sld [smem:$0x3FFE];
	_ =	sdelay $0x1  }
0x8a: {  	s1 =	srdreg.scid  }
0x8b: {  	s0 =	sand.u32 $0x1, s1  }
0x8c: {  	s17 =	sshll.u32 s0, $0xA;
	s2 =	sadd.s32 s3, s2  }
0x8d: {  	s2 =	sadd.s32 s2, s17  }
0x8e: {  	[smem:$0x3FC7] =	sst s2  }
0x8f: {  	_ = 	snop  }
0x90: {  	s2 =	sld [smem:$0x3FD0];
	(tm) =	ssettm $0x1  }
0x91: {  	s18 =	sld [smem:$0x3FFB];
	_ =	sdelay $0x3  }
0x92: {  	_ =	strace s18  }
0x93: {  	s3 =	sld [smem:$0x3FFC];
	_ =	sdelay $0x3  }
0x94: {  	_ =	strace s3  }
0x95: {  	s3 =	sld [smem:$0x3FFD];
	_ =	sdelay $0x3  }
0x96: {  	_ =	strace s3  }
0x97: {  	_ =	strace $0x8FFFFFFF  }
0x98: {  	s19 =	sld [smem:$0x3FDB];
	_ =	sdelay $0x1  }
0x99: {  	s4 =	simm.s32 $_scs_section_size  }
0x9a: {  	s5 =	simm.s32 $_size__tile_overlayer_lowered;
	s6 =	simm.s32 $_tile_overlayer_lowered  }
0x9b: {  	s22 =	simm.s32 $0x1BFF;
	s21 =	sshll.u32 s6, $0x1;
	s3 =	sadd.s32 s4, s19  }
0x9c: {  	s7 =	simm.s32 $0x0;
	s20 =	sshll.u32 s5, $0x1;
	s5 =	sadd.s32 s21, s3  }
0x9d: {  	[timem:s7], [sflag:s22] =	dma.local [hbm:s5], s20  }
0x9e: {  	_ =	swait.ge [sflag:s22], s20  }
0x9f: {  	s4 =	ssub.s32 $0x0, s20;
	[sflag:s22] =	ssyncset.done $0x0  }
0xa0: {  	[sflag:s22] =	ssyncadd.s32 s4;
	_ =	sdelay $0x1  }
0xa1: {  	s23 =	simm.s32 $0x1B8B  }
0xa2: {  	_ =	swait.ge [sflag:s23], $0x1  }
0xa3: {  	[sflag:s23] =	ssyncset.done $0x0  }
0xa4: {  	s25 =	simm.s32 $0x1B8E;
	s24 =	sld [smem:$0x3FFE];
	[sflag:s23] =	ssyncadd.s32 $0xFFFFFFFF  }
0xa5: {  	s26 =	simm.s32 $execute0_lowered;
	[smem:$0x3FD2] =	sst s25  }
0xa6: {  	s5 =	sshll.u32 s26, $0x1;
	_ =	strace $0x80000046;
	[dreg:$0x1] =	wrdreg $0xFFFFFFFF  }
0xa7: {  	s28 =	simm.s32 $_size_execute0_lowered;
	s3 =	sadd.s32 s3, s5;
	[dreg:$0x0] =	wrdreg $0x0  }
0xa8: {  	s5 =	sshll.u32 s28, $0x1;
	[dreg:$0x2] =	wrdreg s3  }
0xa9: {  	[dreg:$0x3] =	wrdreg s5  }
0xaa: {  	[dreg:$0x4] =	wrdreg $0xC0  }
0xab: {  	_ =	task [dreg:s7], $0x5FFFF  }
0xac: {  	[dreg:$0x1] =	wrdreg $0xFFFFFFFF  }
0xad: {  	[dreg:$0x0] =	wrdreg $0x60  }
0xae: {  	[dreg:$0x2] =	wrdreg s24  }
0xaf: {  	[dreg:$0x3] =	wrdreg s2  }
0xb0: {  	[dreg:$0x4] =	wrdreg $0x9  }
0xb1: {  	_ =	task.clear_ibuf [dreg:s7], $0x5FFFF;
	_ =	strace $0x90000046  }
0xb2: {  	s29 =	simm.s32 $0x9;
	_ =	strace $0x80000048  }
0xb3: {  	_ =	swait.ge [sflag:s29], $0x1  }
0xb4: {  	[sflag:s29] =	ssyncadd.s32 $0xFFFFFFFF  }
0xb5: {  	_ =	strace $0x90000048  }
0xb6: {  	_ =	sfence  }
0xb7: {  	s30 =	sld [smem:$0x0];
	_ =	sdelay $0x2  }
0xb8: {  	s31 =	sshll.u32 s1, $0xD;
	s1 =	sshrl.u32 s1, $0x2  }
0xb9: {  	s3 =	sand.u32 $0x4000, s31;
	s1 =	sadd.s32 s1, s30  }
0xba: {  	s0 =	sor.u32 s3, s0;
	s1 =	sshll.u32 s1, $0x11  }
0xbb: {  	s0 =	sor.u32 s1, s0  }
0xbc: {  	s0 =	sadd.s32 $0x8F2B, s0  }
0xbd: {  	[sflag:s0] =	ssyncadd.remote.s32 $0x1  }
0xbe: {  	_ =	sfence.sel $0xFFFF  }
0xbf: {  	[dreg:$0x0] =	wrdreg $0xFFFFFFFF;
	(pc) =	sbr.abs _section_cstart, $3  }
0xc0: {  	[dreg:$0x1] =	wrdreg $0xFFFFFFFF  }
0xc1: {  	_ =	task.clear_ibuf [dreg:s7], $0x2FFFF;
	_ =	strace $0x9FFFFFFF  }
0xc2: {  	(tm) =	ssettm $0x7FFFFFFF  }
0xc3: {  	_ =	shalt  }
tec
execute0_lowered:
.L_overlay_start_1:
0x0: {  	(tag) =	ssettag $0x1  }
0x1: {  	s0 =	rddreg [dreg:$0x0]  }
0x2: {  	s1 =	rddreg [dreg:$0x1]  }
0x3: {  	s3 =	simm.s32 $0x0;
	s2 =	srdreg.scid;
	s4 =	stileid.u32  }
0x4: {  	[smem:$0x7FF] =	sst s3;
	s2 =	sand.u32 $0x1, s2;
	s4 =	sshll.u32 s4, $0x9  }
0x5: {  	s6 =	sadd.s32 $0x400, s0;
	_ =	strace $0x80000047;
	s5 =	sshll.u32 s2, $0x8  }
0x6: {  	s2 =	ssub.s32 $0x2, s2;
	s4 =	sor.u32 s5, s4;
	s5 =	sadd.s32 $0x1400, s0  }
0x7: {  	s0 =	sadd.s32 $0x101400, s0;
	s11 =	sshll.u32 s4, $0x7;
	s18 =	sshrl.u32 s4, $0x3  }
0x8: {  	[dreg:$0x8] =	wrdreg s0;
	s15 =	sadd.s32 s6, s18;
	s18 =	sadd.s32 s5, s11  }
0x9: {  	s10 =	sor.u32 $0x6000, s4;
	s31 =	sor.u32 $0x1000, s11;
	[dreg:$0x14] =	wrdreg s18  }
0xa: {  	s12 =	sor.u32 $0x2000, s11;
	s8 =	sadd.s32 s5, s31;
	[dreg:$0x5] =	wrdreg s15  }
0xb: {  	s22 =	sshll.u32 s10, $0x7;
	s17 =	sadd.s32 s5, s12;
	[dreg:$0x3] =	wrdreg s8  }
0xc: {  	s7 =	sshrl.u32 s2, $0x1;
	s23 =	sadd.s32 s1, s22;
	[dreg:$0x4] =	wrdreg s17  }
0xd: {  	s24 =	sor.u32 $0x3000, s11;
	s25 =	sadd.s32 s1, s31;
	[dreg:$0xb] =	wrdreg s23  }
0xe: {  	s2 =	ssub.s32 s2, s7;
	s26 =	sadd.s32 s5, s24;
	[dreg:$0xc] =	wrdreg s25  }
0xf: {  	s30 =	sor.u32 $0x4000, s11;
	s29 =	sadd.s32 s1, s12;
	[dreg:$0xd] =	wrdreg s26  }
0x10: {  	s28 =	sadd.s32 s1, s11;
	s12 =	sadd.s32 s5, s30;
	[dreg:$0xe] =	wrdreg s29  }
0x11: {  	s9 =	sor.u32 $0x4000, s4;
	s7 =	sadd.s32 $0x104000, s28;
	[dreg:$0x10] =	wrdreg s12  }
0x12: {  	s14 =	sshrl.u32 s9, $0x3;
	s18 =	sadd.s32 $0x205000, s28;
	[smem:$0x7EE] =	sst s7  }
0x13: {  	s14 =	sadd.s32 s6, s14;
	[smem:$0x7F2] =	sst s18  }
0x14: {  	s23 =	smax.u32 s2, $0x1;
	[dreg:$0x7] =	wrdreg s14  }
0x15: {  	s25 =	sadd.s32 $0x201000, s28;
	[dreg:$0x19] =	wrdreg s23  }
0x16: {  	s26 =	sadd.s32 $0x301000, s28;
	[dreg:$0x1b] =	wrdreg s25  }
0x17: {  	s29 =	sadd.s32 $0x102000, s28;
	[dreg:$0x1c] =	wrdreg s26  }
0x18: {  	s19 =	sshrl.u32 s10, $0x3;
	s2 =	sadd.s32 $0x103000, s28;
	[dreg:$0x1d] =	wrdreg s29  }
0x19: {  	s31 =	sor.u32 $0x5000, s11;
	s12 =	sadd.s32 $0x304000, s28;
	[smem:$0x7EB] =	sst s2  }
0x1a: {  	s8 =	sor.u32 $0x2000, s4;
	[smem:$0x7F0] =	sst s12;
	s23 =	sadd.s32 $0x107000, s28  }
0x1b: {  	s17 =	sadd.s32 s6, s19;
	s25 =	sadd.s32 $0x307000, s28;
	[smem:$0x7F7] =	sst s23  }
0x1c: {  	s20 =	sshll.u32 s8, $0x7;
	s26 =	sadd.s32 $0x10, s15;
	[smem:$0x7F9] =	sst s25  }
0x1d: {  	s13 =	sshrl.u32 s8, $0x3;
	s0 =	sadd.s32 s1, s20;
	[smem:$0x7FA] =	sst s26  }
0x1e: {  	s16 =	sadd.s32 s6, s13;
	s6 =	sadd.s32 s1, s30;
	[dreg:$0x9] =	wrdreg s0  }
0x1f: {  	s13 =	sadd.s32 s5, s31;
	[dreg:$0x11] =	wrdreg s6  }
0x20: {  	s19 =	sor.u32 $0x6000, s11;
	s30 =	sadd.s32 $0x202000, s28;
	[dreg:$0x12] =	wrdreg s13  }
0x21: {  	s20 =	sor.u32 $0x7000, s11;
	s11 =	sadd.s32 $0x204000, s28;
	[dreg:$0x1e] =	wrdreg s30  }
0x22: {  	s21 =	sshll.u32 s9, $0x7;
	[smem:$0x7EF] =	sst s11  }
0x23: {  	s0 =	sadd.s32 s1, s21;
	[dreg:$0x6] =	wrdreg s16  }
0x24: {  	s21 =	sadd.s32 s5, s19;
	[dreg:$0xa] =	wrdreg s0  }
0x25: {  	s5 =	sadd.s32 s5, s20;
	[dreg:$0x15] =	wrdreg s21  }
0x26: {  	s22 =	sadd.s32 s1, s20;
	[dreg:$0x16] =	wrdreg s5  }
0x27: {  	s6 =	sadd.s32 $0x303000, s28;
	[dreg:$0x18] =	wrdreg s22  }
0x28: {  	s13 =	sadd.s32 $0x105000, s28;
	[smem:$0x7ED] =	sst s6  }
0x29: {  	s20 =	sadd.s32 $0x106000, s28;
	[smem:$0x7F1] =	sst s13  }
0x2a: {  	s18 =	simm.s32 $0x10400;
	s29 =	sadd.s32 $0x10, s16;
	[smem:$0x7F4] =	sst s20  }
0x2b: {  	s23 =	simm.s32 $0x5;
	s30 =	sadd.s32 $0x10, s14;
	[smem:$0x7FB] =	sst s29  }
0x2c: {  	s25 =	simm.s32 $0x8;
	s0 =	sadd.s32 s1, s24;
	[smem:$0x7FC] =	sst s30  }
0x2d: {  	s26 =	simm.s32 $0x0;
	s24 =	sadd.s32 $0x101000, s28;
	[dreg:$0xf] =	wrdreg s0  }
0x2e: {  	s11 =	sadd.s32 $0x200, s1;
	s5 =	sadd.s32 $0x203000, s28;
	[dreg:$0x1a] =	wrdreg s24  }
0x2f: {  	s16 =	simm.s32 $0x400;
	s21 =	sadd.s32 $0x206000, s28;
	[smem:$0x7EC] =	sst s5  }
0x30: {  	s22 =	sadd.s32 $0x306000, s28;
	s6 =	sadd.s32 $0x300, s1;
	[smem:$0x7F5] =	sst s21  }
0x31: {  	s13 =	smov.u32 s17;
	s0 =	sadd.s32 s1, s31;
	[smem:$0x7F6] =	sst s22  }
0x32: {  	s20 =	simm.s32 $0x2;
	s31 =	sadd.s32 $0x302000, s28;
	[dreg:$0x13] =	wrdreg s0  }
0x33: {  	s24 =	sadd.s32 $0x207000, s28;
	s5 =	sadd.s32 $0x100, s1;
	[dreg:$0x1f] =	wrdreg s31  }
0x34: {  	s21 =	simm.s32 $0x4;
	s0 =	sadd.s32 s1, s19;
	[smem:$0x7F8] =	sst s24  }
0x35: {  	s22 =	simm.s32 $0x3;
	s19 =	sadd.s32 $0x305000, s28;
	[dreg:$0x17] =	wrdreg s0  }
0x36: {  	s31 =	sadd.s32 $0x10, s17;
	s17 =	simm.s32 $0x8400;
	[smem:$0x7F3] =	sst s19  }
0x37: {  	v0 =	vimm.s32 $0x0;
	s24 =	simm.s32 $0x6;
	[smem:$0x7FD] =	sst s31;
	s19 =	simm.s32 $0x1  }
.LBB2_1:
0x38: {  	s0 =	rddreg [dreg:$0x14]  }
0x39: {  	s12 =	rddreg [dreg:$0x3]  }
0x3a: {  	[tilespmem:s16], [sflag:$0x1] =	stream.linear.gather [hbm4b:s0+s3], $0x8000, $0x38;
	[tilespmem:$0x1C480] =	vst v63  }
0x3b: {  	s14 =	rddreg [dreg:$0x4]  }
0x3c: {  	[tilespmem:s17], [sflag:$0x2] =	stream.linear.gather [hbm4b:s12+s3], $0x8000, $0x38;
	[tilespmem:$0x1C480] =	vst v63  }
0x3d: {  	s15 =	rddreg [dreg:$0x5]  }
0x3e: {  	[tilespmem:s18], [sflag:$0x3] =	stream.linear.gather [hbm4b:s14+s3], $0x8000, $0x38;
	[tilespmem:$0x1C480] =	vst v63  }
0x3f: {  	s31 =	sld [smem:$0x7FA]  }
0x40: {  	[tilespmem:s3], [sflag:$0x8] =	stream.linear.gather [hbm4b:s15+s3], $0x80, $0x38;
	[tilespmem:$0x1C480] =	vst v63  }
0x41: {  	s2 =	simm.s32 $0x200;
	s12 =	sld [smem:$0x7FB]  }
0x42: {  	[tilespmem:s2], [sflag:$0x8] =	stream.linear.gather [hbm4b:s31+s3], $0x80, $0x38;
	[tilespmem:$0x1C480] =	vst v63  }
0x43: {  	s7 =	simm.s32 $0x80;
	s2 =	rddreg [dreg:$0x6]  }
0x44: {  	[tilespmem:s7], [sflag:$0x8] =	stream.linear.gather [hbm4b:s2+s3], $0x80, $0x38;
	[tilespmem:$0x1C480] =	vst v63  }
0x45: {  	s14 =	simm.s32 $0x280;
	s15 =	rddreg [dreg:$0x7]  }
0x46: {  	[tilespmem:s14], [sflag:$0x8] =	stream.linear.gather [hbm4b:s12+s3], $0x80, $0x38;
	[tilespmem:$0x1C480] =	vst v63  }
0x47: {  	s31 =	simm.s32 $0x100;
	s7 =	sld [smem:$0x7FC]  }
0x48: {  	[tilespmem:s31], [sflag:$0x8] =	stream.linear.gather [hbm4b:s15+s3], $0x80, $0x38;
	[tilespmem:$0x1C480] =	vst v63  }
0x49: {  	s12 =	simm.s32 $0x300  }
0x4a: {  	[tilespmem:s12], [sflag:$0x8] =	stream.linear.gather [hbm4b:s7+s3], $0x80, $0x38;
	[tilespmem:$0x1C480] =	vst v63  }
0x4b: {  	s14 =	simm.s32 $0x180;
	s15 =	sld [smem:$0x7FD]  }
0x4c: {  	[tilespmem:s14], [sflag:$0x8] =	stream.linear.gather [hbm4b:s13+s3], $0x80, $0x38;
	[tilespmem:$0x1C480] =	vst v63  }
0x4d: {  	s31 =	simm.s32 $0x380  }
0x4e: {  	[tilespmem:s31], [sflag:$0x8] =	stream.linear.gather [hbm4b:s15+s3], $0x80, $0x38;
	[tilespmem:$0x1C480] =	vst v63  }
0x4f: {  	s7 =	rddreg [dreg:$0x8];
	s12 =	simm.s32 $0x18400  }
0x50: {  	[tilespmem:s12], [sflag:$0x8] =	stream.linear.gather [hbm4b:s7+s3], $0x4000, $0x38;
	[tilespmem:$0x1C480] =	vst v63  }
0x51: {  	_ =	swait.ge [sflag:s19], $0x8000  }
0x52: {  	[sflag:s19] =	ssyncset.done $0x0  }
0x53: {  	[sflag:s19] =	ssyncadd.s32 $0xFFFF8000  }
0x54: {  	[hbm4b:s28+s3] =	stream.linear.scatter [tilespmem:s16], [sflag:$0x4], $0x8000, $0x38;
	[tilespmem:$0x1C480] =	vst v63  }
0x55: {  	s14 =	rddreg [dreg:$0x9]  }
0x56: {  	[hbm4b:s14+s3] =	stream.linear.scatter [tilespmem:s16], [sflag:$0x4], $0x8000, $0x38;
	[tilespmem:$0x1C480] =	vst v63  }
0x57: {  	s15 =	rddreg [dreg:$0xa]  }
0x58: {  	[hbm4b:s15+s3] =	stream.linear.scatter [tilespmem:s16], [sflag:$0x4], $0x8000, $0x38;
	[tilespmem:$0x1C480] =	vst v63  }
0x59: {  	s31 =	rddreg [dreg:$0xb]  }
0x5a: {  	[hbm4b:s31+s3] =	stream.linear.scatter [tilespmem:s16], [sflag:$0x4], $0x8000, $0x38;
	[tilespmem:$0x1C480] =	vst v63  }
0x5b: {  	_ =	swait.ge [sflag:s20], $0x8000  }
0x5c: {  	[sflag:s20] =	ssyncset.done $0x0  }
0x5d: {  	s2 =	rddreg [dreg:$0xc];
	[sflag:s20] =	ssyncadd.s32 $0xFFFF8000  }
0x5e: {  	[hbm4b:s2+s3] =	stream.linear.scatter [tilespmem:s17], [sflag:$0x5], $0x8000, $0x38;
	[tilespmem:$0x1C480] =	vst v63  }
0x5f: {  	s7 =	rddreg [dreg:$0x1a]  }
0x60: {  	[hbm4b:s7+s3] =	stream.linear.scatter [tilespmem:s17], [sflag:$0x5], $0x8000, $0x38;
	[tilespmem:$0x1C480] =	vst v63  }
0x61: {  	s12 =	rddreg [dreg:$0x1b]  }
0x62: {  	[hbm4b:s12+s3] =	stream.linear.scatter [tilespmem:s17], [sflag:$0x5], $0x8000, $0x38;
	[tilespmem:$0x1C480] =	vst v63  }
0x63: {  	s14 =	rddreg [dreg:$0x1c]  }
0x64: {  	[hbm4b:s14+s3] =	stream.linear.scatter [tilespmem:s17], [sflag:$0x5], $0x8000, $0x38;
	[tilespmem:$0x1C480] =	vst v63  }
0x65: {  	_ =	swait.ge [sflag:s21], $0x8000  }
0x66: {  	[sflag:s21] =	ssyncset.done $0x0  }
0x67: {  	[sflag:s21] =	ssyncadd.s32 $0xFFFF8000  }
0x68: {  	_ =	swait.ge [sflag:s21], $0x8000  }
0x69: {  	[sflag:s21] =	ssyncset.done $0x0  }
0x6a: {  	[sflag:s21] =	ssyncadd.s32 $0xFFFF8000  }
0x6b: {  	_ =	swait.ge [sflag:s21], $0x8000  }
0x6c: {  	[sflag:s21] =	ssyncset.done $0x0  }
0x6d: {  	[sflag:s21] =	ssyncadd.s32 $0xFFFF8000  }
0x6e: {  	_ =	swait.ge [sflag:s21], $0x8000  }
0x6f: {  	[sflag:s21] =	ssyncset.done $0x0  }
0x70: {  	s15 =	rddreg [dreg:$0xd];
	[sflag:s21] =	ssyncadd.s32 $0xFFFF8000  }
0x71: {  	[tilespmem:s16], [sflag:$0x1] =	stream.linear.gather [hbm4b:s15+s3], $0x8000, $0x38;
	[tilespmem:$0x1C480] =	vst v63  }
0x72: {  	_ =	swait.ge [sflag:s22], $0x8000  }
0x73: {  	[sflag:s22] =	ssyncset.done $0x0  }
0x74: {  	s31 =	rddreg [dreg:$0xe];
	[sflag:s22] =	ssyncadd.s32 $0xFFFF8000  }
0x75: {  	[hbm4b:s31+s3] =	stream.linear.scatter [tilespmem:s18], [sflag:$0x6], $0x8000, $0x38;
	[tilespmem:$0x1C480] =	vst v63  }
0x76: {  	s2 =	rddreg [dreg:$0x1d]  }
0x77: {  	[hbm4b:s2+s3] =	stream.linear.scatter [tilespmem:s18], [sflag:$0x6], $0x8000, $0x38;
	[tilespmem:$0x1C480] =	vst v63  }
0x78: {  	s7 =	rddreg [dreg:$0x1e]  }
0x79: {  	[hbm4b:s7+s3] =	stream.linear.scatter [tilespmem:s18], [sflag:$0x6], $0x8000, $0x38;
	[tilespmem:$0x1C480] =	vst v63  }
0x7a: {  	s12 =	rddreg [dreg:$0x1f]  }
0x7b: {  	[hbm4b:s12+s3] =	stream.linear.scatter [tilespmem:s18], [sflag:$0x6], $0x8000, $0x38;
	[tilespmem:$0x1C480] =	vst v63  }
0x7c: {  	_ =	swait.ge [sflag:s23], $0x8000  }
0x7d: {  	[sflag:s23] =	ssyncset.done $0x0  }
0x7e: {  	[sflag:s23] =	ssyncadd.s32 $0xFFFF8000  }
0x7f: {  	_ =	swait.ge [sflag:s23], $0x8000  }
0x80: {  	[sflag:s23] =	ssyncset.done $0x0  }
0x81: {  	[sflag:s23] =	ssyncadd.s32 $0xFFFF8000  }
0x82: {  	_ =	swait.ge [sflag:s23], $0x8000  }
0x83: {  	[sflag:s23] =	ssyncset.done $0x0  }
0x84: {  	[sflag:s23] =	ssyncadd.s32 $0xFFFF8000  }
0x85: {  	_ =	swait.ge [sflag:s23], $0x8000  }
0x86: {  	[sflag:s23] =	ssyncset.done $0x0  }
0x87: {  	s14 =	rddreg [dreg:$0x10];
	[sflag:s23] =	ssyncadd.s32 $0xFFFF8000  }
0x88: {  	[tilespmem:s17], [sflag:$0x2] =	stream.linear.gather [hbm4b:s14+s3], $0x8000, $0x38;
	[tilespmem:$0x1C480] =	vst v63  }
0x89: {  	_ =	swait.ge [sflag:s19], $0x8000  }
0x8a: {  	[sflag:s19] =	ssyncset.done $0x0;
	s15 =	rddreg [dreg:$0xf]  }
0x8b: {  	s31 =	sld [smem:$0x7EB];
	[sflag:s19] =	ssyncadd.s32 $0xFFFF8000  }
0x8c: {  	[hbm4b:s15+s3] =	stream.linear.scatter [tilespmem:s16], [sflag:$0x4], $0x8000, $0x38;
	[tilespmem:$0x1C480] =	vst v63  }
0x8d: {  	s2 =	sld [smem:$0x7EC]  }
0x8e: {  	[hbm4b:s31+s3] =	stream.linear.scatter [tilespmem:s16], [sflag:$0x4], $0x8000, $0x38;
	[tilespmem:$0x1C480] =	vst v63  }
0x8f: {  	s7 =	sld [smem:$0x7ED]  }
0x90: {  	[hbm4b:s2+s3] =	stream.linear.scatter [tilespmem:s16], [sflag:$0x4], $0x8000, $0x38;
	[tilespmem:$0x1C480] =	vst v63  }
0x91: {  	_ = 	snop  }
0x92: {  	[hbm4b:s7+s3] =	stream.linear.scatter [tilespmem:s16], [sflag:$0x4], $0x8000, $0x38;
	[tilespmem:$0x1C480] =	vst v63  }
0x93: {  	_ =	swait.ge [sflag:s24], $0x8000  }
0x94: {  	[sflag:s24] =	ssyncset.done $0x0  }
0x95: {  	[sflag:s24] =	ssyncadd.s32 $0xFFFF8000  }
0x96: {  	_ =	swait.ge [sflag:s24], $0x8000  }
0x97: {  	[sflag:s24] =	ssyncset.done $0x0  }
0x98: {  	[sflag:s24] =	ssyncadd.s32 $0xFFFF8000  }
0x99: {  	_ =	swait.ge [sflag:s24], $0x8000  }
0x9a: {  	[sflag:s24] =	ssyncset.done $0x0  }
0x9b: {  	[sflag:s24] =	ssyncadd.s32 $0xFFFF8000  }
0x9c: {  	_ =	swait.ge [sflag:s24], $0x8000  }
0x9d: {  	[sflag:s24] =	ssyncset.done $0x0  }
0x9e: {  	s12 =	rddreg [dreg:$0x12];
	[sflag:s24] =	ssyncadd.s32 $0xFFFF8000  }
0x9f: {  	[tilespmem:s18], [sflag:$0x3] =	stream.linear.gather [hbm4b:s12+s3], $0x8000, $0x38;
	[tilespmem:$0x1C480] =	vst v63  }
0xa0: {  	_ =	swait.ge [sflag:s20], $0x8000  }
0xa1: {  	[sflag:s20] =	ssyncset.done $0x0;
	s14 =	rddreg [dreg:$0x11]  }
0xa2: {  	s15 =	sld [smem:$0x7EE];
	[sflag:s20] =	ssyncadd.s32 $0xFFFF8000  }
0xa3: {  	[hbm4b:s14+s3] =	stream.linear.scatter [tilespmem:s17], [sflag:$0x5], $0x8000, $0x38;
	[tilespmem:$0x1C480] =	vst v63  }
0xa4: {  	s31 =	sld [smem:$0x7EF]  }
0xa5: {  	[hbm4b:s15+s3] =	stream.linear.scatter [tilespmem:s17], [sflag:$0x5], $0x8000, $0x38;
	[tilespmem:$0x1C480] =	vst v63  }
0xa6: {  	s2 =	sld [smem:$0x7F0]  }
0xa7: {  	[hbm4b:s31+s3] =	stream.linear.scatter [tilespmem:s17], [sflag:$0x5], $0x8000, $0x38;
	[tilespmem:$0x1C480] =	vst v63  }
0xa8: {  	_ = 	snop  }
0xa9: {  	[hbm4b:s2+s3] =	stream.linear.scatter [tilespmem:s17], [sflag:$0x5], $0x8000, $0x38;
	[tilespmem:$0x1C480] =	vst v63  }
0xaa: {  	_ =	swait.ge [sflag:s21], $0x8000  }
0xab: {  	[sflag:s21] =	ssyncset.done $0x0  }
0xac: {  	[sflag:s21] =	ssyncadd.s32 $0xFFFF8000  }
0xad: {  	_ =	swait.ge [sflag:s21], $0x8000  }
0xae: {  	[sflag:s21] =	ssyncset.done $0x0  }
0xaf: {  	[sflag:s21] =	ssyncadd.s32 $0xFFFF8000  }
0xb0: {  	_ =	swait.ge [sflag:s21], $0x8000  }
0xb1: {  	[sflag:s21] =	ssyncset.done $0x0  }
0xb2: {  	[sflag:s21] =	ssyncadd.s32 $0xFFFF8000  }
0xb3: {  	_ =	swait.ge [sflag:s21], $0x8000  }
0xb4: {  	[sflag:s21] =	ssyncset.done $0x0  }
0xb5: {  	s7 =	rddreg [dreg:$0x15];
	[sflag:s21] =	ssyncadd.s32 $0xFFFF8000  }
0xb6: {  	[tilespmem:s16], [sflag:$0x1] =	stream.linear.gather [hbm4b:s7+s3], $0x8000, $0x38;
	[tilespmem:$0x1C480] =	vst v63  }
0xb7: {  	_ =	swait.ge [sflag:s22], $0x8000  }
0xb8: {  	[sflag:s22] =	ssyncset.done $0x0;
	s12 =	rddreg [dreg:$0x13]  }
0xb9: {  	s14 =	sld [smem:$0x7F1];
	[sflag:s22] =	ssyncadd.s32 $0xFFFF8000  }
0xba: {  	[hbm4b:s12+s3] =	stream.linear.scatter [tilespmem:s18], [sflag:$0x6], $0x8000, $0x38;
	[tilespmem:$0x1C480] =	vst v63  }
0xbb: {  	s15 =	sld [smem:$0x7F2]  }
0xbc: {  	[hbm4b:s14+s3] =	stream.linear.scatter [tilespmem:s18], [sflag:$0x6], $0x8000, $0x38;
	[tilespmem:$0x1C480] =	vst v63  }
0xbd: {  	s31 =	sld [smem:$0x7F3]  }
0xbe: {  	[hbm4b:s15+s3] =	stream.linear.scatter [tilespmem:s18], [sflag:$0x6], $0x8000, $0x38;
	[tilespmem:$0x1C480] =	vst v63  }
0xbf: {  	_ = 	snop  }
0xc0: {  	[hbm4b:s31+s3] =	stream.linear.scatter [tilespmem:s18], [sflag:$0x6], $0x8000, $0x38;
	[tilespmem:$0x1C480] =	vst v63  }
0xc1: {  	_ =	swait.ge [sflag:s23], $0x8000  }
0xc2: {  	[sflag:s23] =	ssyncset.done $0x0  }
0xc3: {  	[sflag:s23] =	ssyncadd.s32 $0xFFFF8000  }
0xc4: {  	_ =	swait.ge [sflag:s23], $0x8000  }
0xc5: {  	[sflag:s23] =	ssyncset.done $0x0  }
0xc6: {  	[sflag:s23] =	ssyncadd.s32 $0xFFFF8000  }
0xc7: {  	_ =	swait.ge [sflag:s23], $0x8000  }
0xc8: {  	[sflag:s23] =	ssyncset.done $0x0  }
0xc9: {  	[sflag:s23] =	ssyncadd.s32 $0xFFFF8000  }
0xca: {  	_ =	swait.ge [sflag:s23], $0x8000  }
0xcb: {  	[sflag:s23] =	ssyncset.done $0x0  }
0xcc: {  	s2 =	rddreg [dreg:$0x16];
	[sflag:s23] =	ssyncadd.s32 $0xFFFF8000  }
0xcd: {  	[tilespmem:s17], [sflag:$0x2] =	stream.linear.gather [hbm4b:s2+s3], $0x8000, $0x38;
	[tilespmem:$0x1C480] =	vst v63  }
0xce: {  	_ =	swait.ge [sflag:s19], $0x8000  }
0xcf: {  	[sflag:s19] =	ssyncset.done $0x0;
	s7 =	rddreg [dreg:$0x17]  }
0xd0: {  	s12 =	sld [smem:$0x7F4];
	[sflag:s19] =	ssyncadd.s32 $0xFFFF8000  }
0xd1: {  	[hbm4b:s7+s3] =	stream.linear.scatter [tilespmem:s16], [sflag:$0x4], $0x8000, $0x38;
	[tilespmem:$0x1C480] =	vst v63  }
0xd2: {  	s14 =	sld [smem:$0x7F5]  }
0xd3: {  	[hbm4b:s12+s3] =	stream.linear.scatter [tilespmem:s16], [sflag:$0x4], $0x8000, $0x38;
	[tilespmem:$0x1C480] =	vst v63  }
0xd4: {  	s15 =	sld [smem:$0x7F6]  }
0xd5: {  	[hbm4b:s14+s3] =	stream.linear.scatter [tilespmem:s16], [sflag:$0x4], $0x8000, $0x38;
	[tilespmem:$0x1C480] =	vst v63  }
0xd6: {  	_ = 	snop  }
0xd7: {  	[hbm4b:s15+s3] =	stream.linear.scatter [tilespmem:s16], [sflag:$0x4], $0x8000, $0x38;
	[tilespmem:$0x1C480] =	vst v63  }
0xd8: {  	_ =	swait.ge [sflag:s20], $0x8000  }
0xd9: {  	[sflag:s20] =	ssyncset.done $0x0;
	s31 =	rddreg [dreg:$0x18]  }
0xda: {  	s2 =	sld [smem:$0x7F7];
	[sflag:s20] =	ssyncadd.s32 $0xFFFF8000  }
0xdb: {  	[hbm4b:s31+s3] =	stream.linear.scatter [tilespmem:s17], [sflag:$0x5], $0x8000, $0x38;
	[tilespmem:$0x1C480] =	vst v63  }
0xdc: {  	s7 =	sld [smem:$0x7F8]  }
0xdd: {  	[hbm4b:s2+s3] =	stream.linear.scatter [tilespmem:s17], [sflag:$0x5], $0x8000, $0x38;
	[tilespmem:$0x1C480] =	vst v63  }
0xde: {  	s12 =	sld [smem:$0x7F9]  }
0xdf: {  	[hbm4b:s7+s3] =	stream.linear.scatter [tilespmem:s17], [sflag:$0x5], $0x8000, $0x38;
	[tilespmem:$0x1C480] =	vst v63  }
0xe0: {  	_ = 	snop  }
0xe1: {  	[hbm4b:s12+s3] =	stream.linear.scatter [tilespmem:s17], [sflag:$0x5], $0x8000, $0x38;
	[tilespmem:$0x1C480] =	vst v63  }
0xe2: {  	_ =	swait.ge [sflag:s24], $0x8000  }
0xe3: {  	[sflag:s24] =	ssyncset.done $0x0  }
0xe4: {  	[sflag:s24] =	ssyncadd.s32 $0xFFFF8000  }
0xe5: {  	_ =	swait.ge [sflag:s24], $0x8000  }
0xe6: {  	[sflag:s24] =	ssyncset.done $0x0  }
0xe7: {  	[sflag:s24] =	ssyncadd.s32 $0xFFFF8000  }
0xe8: {  	_ =	swait.ge [sflag:s24], $0x8000  }
0xe9: {  	[sflag:s24] =	ssyncset.done $0x0  }
0xea: {  	[sflag:s24] =	ssyncadd.s32 $0xFFFF8000  }
0xeb: {  	_ =	swait.ge [sflag:s24], $0x8000  }
0xec: {  	[sflag:s24] =	ssyncset.done $0x0  }
0xed: {  	[sflag:s24] =	ssyncadd.s32 $0xFFFF8000  }
0xee: {  	_ =	swait.ge [sflag:s21], $0x8000  }
0xef: {  	[sflag:s21] =	ssyncset.done $0x0  }
0xf0: {  	[sflag:s21] =	ssyncadd.s32 $0xFFFF8000  }
0xf1: {  	_ =	swait.ge [sflag:s21], $0x8000  }
0xf2: {  	[sflag:s21] =	ssyncset.done $0x0  }
0xf3: {  	[sflag:s21] =	ssyncadd.s32 $0xFFFF8000  }
0xf4: {  	_ =	swait.ge [sflag:s21], $0x8000  }
0xf5: {  	[sflag:s21] =	ssyncset.done $0x0  }
0xf6: {  	[sflag:s21] =	ssyncadd.s32 $0xFFFF8000  }
0xf7: {  	_ =	swait.ge [sflag:s21], $0x8000  }
0xf8: {  	[sflag:s21] =	ssyncset.done $0x0  }
0xf9: {  	[sflag:s21] =	ssyncadd.s32 $0xFFFF8000  }
0xfa: {  	_ =	swait.ge [sflag:s23], $0x8000  }
0xfb: {  	[sflag:s23] =	ssyncset.done $0x0  }
0xfc: {  	[sflag:s23] =	ssyncadd.s32 $0xFFFF8000  }
0xfd: {  	_ =	swait.ge [sflag:s23], $0x8000  }
0xfe: {  	[sflag:s23] =	ssyncset.done $0x0  }
0xff: {  	[sflag:s23] =	ssyncadd.s32 $0xFFFF8000  }
0x100: {  	_ =	swait.ge [sflag:s23], $0x8000  }
0x101: {  	[sflag:s23] =	ssyncset.done $0x0  }
0x102: {  	[sflag:s23] =	ssyncadd.s32 $0xFFFF8000  }
0x103: {  	_ =	swait.ge [sflag:s23], $0x8000  }
0x104: {  	[sflag:s23] =	ssyncset.done $0x0  }
0x105: {  	[sflag:s23] =	ssyncadd.s32 $0xFFFF8000  }
0x106: {  	_ =	swait.ge [sflag:s25], $0x100  }
0x107: {  	[sflag:s25] =	ssyncset.done $0x0  }
0x108: {  	[sflag:s25] =	ssyncadd.s32 $0xFFFFFF00  }
0x109: {  	_ =	swait.ge [sflag:s25], $0x100  }
0x10a: {  	[sflag:s25] =	ssyncset.done $0x0  }
0x10b: {  	[sflag:s25] =	ssyncadd.s32 $0xFFFFFF00  }
0x10c: {  	_ =	swait.ge [sflag:s25], $0x100  }
0x10d: {  	[sflag:s25] =	ssyncset.done $0x0  }
0x10e: {  	[sflag:s25] =	ssyncadd.s32 $0xFFFFFF00  }
0x10f: {  	_ =	swait.ge [sflag:s25], $0x100  }
0x110: {  	[sflag:s25] =	ssyncset.done $0x0  }
0x111: {  	[sflag:s25] =	ssyncadd.s32 $0xFFFFFF00  }
0x112: {  	_ =	swait.ge [sflag:s25], $0x4000  }
0x113: {  	s14 =	sand.u32 $0x70, s3;
	s15 =	sand.u32 $0x200, s3;
	[sflag:s25] =	ssyncset.done $0x0  }
0x114: {  	s0 =	sor.u32 s14, s15;
	[sflag:s25] =	ssyncadd.s32 $0xFFFFC000  }
0x115: {  	v1 =	vld [tilespmem:s0+$0x0];
	_ =	sdelay $0x4  }
0x116: {  	vm0 =	veq.s32 v1, $0x1  }
0x117: {  	v2 =	vsel vm0, $0x1, v0  }
0x118: {  	(xrf0) =	vadd.scan.msk.s32 $0xffff, v2;
	_ =	sdelay $0x5  }
0x119: {  	v2, _, _ =	vpop (xrf0)  }
0x11a: {  	(v2sf) =	vpush v2, $0xF;
	_ =	sdelay $0xe  }
0x11b: {  	s31 =	spop (v2sf)  }
0x11c: {  	p0 =	slt.s32 s31, $0x1  }
0x11d: {  	vm0 =	veq.s32 @!p0 v1, $0x1  }
0x11e: {  	v1 =	vmctz.xlane @!p0 vm0  }
0x11f: {  	v2 =	vlaneseq.u32 @!p0;
	s0 =	sadd.s32 @!p0 $0x0, s4  }
0x120: {  	v3 =	vor.u32 @!p0 s0, v2;
	v1 =	vadd.s32 @!p0 s0, v1  }
0x121: {  	v1 =	vsel @!p0 vm0, v3, v1  }
0x122: {  	v3 =	vshll.u32 @!p0 v1, $0x3  }
0x123: {  	v4 =	vand.u32 @!p0 $0x7, v1;
	v3 =	vand.u32 @!p0 $0xFFFFFFC0, v3  }
0x124: {  	v5 =	vand.u32 @!p0 $0x7, v2;
	v6 =	vshrl.u32 @!p0 v2, $0x3;
	v3 =	vor.u32 @!p0 v4, v3  }
0x125: {  	v4 =	vperm.xlane @!p0 v3, v5;
	v5 =	vmul.u32 @!p0 $0x8, v6;
	_ =	sdelay $0x1  }
0x126: {  	v4 =	vadd.s32 @!p0 v5, v4;
	_ =	sdelay $0x3  }
0x127: {  	s2 =	simm.s32 @!p0 $0x18400;
	s0 =	simm.s32 @!p0 $0x0;
	vm0 =	vmmov @!p0 $0xffff;
	[tilespmem:$0x1C400] =	vst @!p0 v1  }
0x128: {  	v1 =	vor.u32 @!p0 $0x8, v2;
	[hbm4b:s1+s0] =	stream.indirect_vreg.scatter @!p0 [tilespmem:s2], [sflag:$0x7], $0x80, v4, vm0, $0xb8;
	[tilespmem:$0x1C480] =	vst v63  }
0x129: {  	v1 =	vperm.xlane @!p0 v3, v1;
	s2 =	simm.s32 @!p0 $0x18C00  }
0x12a: {  	[hbm4b:s5+s0] =	stream.indirect_vreg.scatter @!p0 [tilespmem:s2], [sflag:$0x7], $0x80, v4, vm0, $0xb8;
	[tilespmem:$0x1C480] =	vst v63  }
0x12b: {  	v1 =	vadd.s32 @!p0 v5, v1;
	s2 =	simm.s32 @!p0 $0x19400  }
0x12c: {  	[hbm4b:s11+s0] =	stream.indirect_vreg.scatter @!p0 [tilespmem:s2], [sflag:$0x7], $0x80, v4, vm0, $0xb8;
	[tilespmem:$0x1C480] =	vst v63  }
0x12d: {  	s2 =	simm.s32 @!p0 $0x19C00  }
0x12e: {  	[hbm4b:s6+s0] =	stream.indirect_vreg.scatter @!p0 [tilespmem:s2], [sflag:$0x7], $0x80, v4, vm0, $0xb8;
	[tilespmem:$0x1C480] =	vst v63  }
0x12f: {  	s2 =	simm.s32 @!p0 $0x1A400  }
0x130: {  	[hbm4b:s1+s0] =	stream.indirect_vreg.scatter @!p0 [tilespmem:s2], [sflag:$0x7], $0x80, v1, vm0, $0xb8;
	[tilespmem:$0x1C480] =	vst v63  }
0x131: {  	s2 =	simm.s32 @!p0 $0x1AC00  }
0x132: {  	[hbm4b:s5+s0] =	stream.indirect_vreg.scatter @!p0 [tilespmem:s2], [sflag:$0x7], $0x80, v1, vm0, $0xb8;
	[tilespmem:$0x1C480] =	vst v63  }
0x133: {  	s2 =	simm.s32 @!p0 $0x1B400  }
0x134: {  	[hbm4b:s11+s0] =	stream.indirect_vreg.scatter @!p0 [tilespmem:s2], [sflag:$0x7], $0x80, v1, vm0, $0xb8;
	[tilespmem:$0x1C480] =	vst v63  }
0x135: {  	s29 =	simm.s32 @!p0 $0x1BC00;
	s2 =	simm.s32 @!p0 $0x7  }
0x136: {  	[hbm4b:s6+s0] =	stream.indirect_vreg.scatter @!p0 [tilespmem:s29], [sflag:$0x7], $0x80, v1, vm0, $0xb8;
	[tilespmem:$0x1C480] =	vst v63  }
0x137: {  	s30 =	simm.s32 $0x40;
	s7 =	simm.s32 $0x10;
	_ =	swait.ge @!p0 [sflag:s2], $0x4000  }
0x138: {  	s29 =	sand.u32 $0x70, s7;
	s0 =	simm.s32 $0x20;
	[sflag:s2] =	ssyncset.done @!p0 $0x0  }
.LBB2_2:
0x139: {  	s31 =	sand.u32 $0x70, s0  }
0x13a: {  	s12 =	sand.u32 $0x200, s30;
	[sflag:s2] =	ssyncadd.s32 @!p0 $0xFFFFC000;
	s2 =	smov.u32 s0  }
0x13b: {  	s0 =	sadd.s32 $0x10, s0;
	s12 =	sor.u32 s29, s12;
	s29 =	smov.u32 s31  }
0x13c: {  	p1 =	sne.s32 s0, $0x100;
	v1 =	vld [tilespmem:s12+$0x0];
	_ =	sdelay $0x4  }
0x13d: {  	vm0 =	veq.s32 v1, $0x1  }
0x13e: {  	v2 =	vsel vm0, $0x1, v0  }
0x13f: {  	(xrf0) =	vadd.scan.msk.s32 $0xffff, v2;
	_ =	sdelay $0x5  }
0x140: {  	v2, _, _ =	vpop (xrf0)  }
0x141: {  	(v2sf) =	vpush v2, $0xF;
	_ =	sdelay $0xe  }
0x142: {  	s12 =	spop (v2sf)  }
0x143: {  	p0 =	slt.s32 s12, $0x1  }
0x144: {  	vm0 =	veq.s32 @!p0 v1, $0x1;
	v1 =	vlaneseq.u32 @!p0;
	s12 =	simm.s32 @!p0 $0x19400;
	s31 =	simm.s32 @!p0 $0x19C00  }
0x145: {  	v2 =	vmctz.xlane @!p0 vm0;
	v3 =	vand.u32 @!p0 $0x7, v1;
	v4 =	vshrl.u32 @!p0 v1, $0x3  }
0x146: {  	s14 =	sadd.s32 @!p0 s7, s4;
	s7 =	smov.u32 s2  }
0x147: {  	v5 =	vor.u32 @!p0 s14, v1;
	v2 =	vadd.s32 @!p0 s14, v2  }
0x148: {  	v2 =	vsel @!p0 vm0, v5, v2  }
0x149: {  	v5 =	vand.u32 @!p0 $0x7, v2;
	v6 =	vshll.u32 @!p0 v2, $0x3  }
0x14a: {  	v6 =	vand.u32 @!p0 $0xFFFFFFC0, v6  }
0x14b: {  	v1 =	vor.u32 @!p0 $0x8, v1;
	v5 =	vor.u32 @!p0 v5, v6  }
0x14c: {  	v4 =	vmul.u32 @!p0 $0x8, v4;
	v3 =	vperm.xlane @!p0 v5, v3;
	v1 =	vperm.xlane @!p0 v5, v1;
	_ =	sdelay $0x1  }
0x14d: {  	v3 =	vadd.s32 @!p0 v4, v3;
	_ =	sdelay $0x3  }
0x14e: {  	s2 =	simm.s32 @!p0 $0x18400;
	s14 =	simm.s32 @!p0 $0x0;
	vm0 =	vmmov @!p0 $0xffff;
	[tilespmem:$0x1C400] =	vst @!p0 v2  }
0x14f: {  	[hbm4b:s1+s14] =	stream.indirect_vreg.scatter @!p0 [tilespmem:s2], [sflag:$0x7], $0x80, v3, vm0, $0xb8;
	[tilespmem:$0x1C480] =	vst v63  }
0x150: {  	s2 =	simm.s32 @!p0 $0x18C00  }
0x151: {  	[hbm4b:s5+s14] =	stream.indirect_vreg.scatter @!p0 [tilespmem:s2], [sflag:$0x7], $0x80, v3, vm0, $0xb8;
	[tilespmem:$0x1C480] =	vst v63  }
0x152: {  	v1 =	vadd.s32 @!p0 v4, v1  }
0x153: {  	[hbm4b:s11+s14] =	stream.indirect_vreg.scatter @!p0 [tilespmem:s12], [sflag:$0x7], $0x80, v3, vm0, $0xb8;
	[tilespmem:$0x1C480] =	vst v63  }
0x154: {  	_ = 	snop  }
0x155: {  	[hbm4b:s6+s14] =	stream.indirect_vreg.scatter @!p0 [tilespmem:s31], [sflag:$0x7], $0x80, v3, vm0, $0xb8;
	[tilespmem:$0x1C480] =	vst v63  }
0x156: {  	s2 =	simm.s32 @!p0 $0x1A400  }
0x157: {  	[hbm4b:s1+s14] =	stream.indirect_vreg.scatter @!p0 [tilespmem:s2], [sflag:$0x7], $0x80, v1, vm0, $0xb8;
	[tilespmem:$0x1C480] =	vst v63  }
0x158: {  	s2 =	simm.s32 @!p0 $0x1AC00  }
0x159: {  	[hbm4b:s5+s14] =	stream.indirect_vreg.scatter @!p0 [tilespmem:s2], [sflag:$0x7], $0x80, v1, vm0, $0xb8;
	[tilespmem:$0x1C480] =	vst v63  }
0x15a: {  	s2 =	simm.s32 @!p0 $0x1B400  }
0x15b: {  	[hbm4b:s11+s14] =	stream.indirect_vreg.scatter @!p0 [tilespmem:s2], [sflag:$0x7], $0x80, v1, vm0, $0xb8;
	[tilespmem:$0x1C480] =	vst v63  }
.Ltmp0:
0x15c: {  	_ = 	snop;
	(pc) =	sbr.rel @p1 .LBB2_2-.Ltmp0, $4  }
0x15d: {  	s12 =	simm.s32 @!p0 $0x1BC00;
	s2 =	simm.s32 @!p0 $0x7  }
0x15e: {  	[hbm4b:s6+s14] =	stream.indirect_vreg.scatter @!p0 [tilespmem:s12], [sflag:$0x7], $0x80, v1, vm0, $0xb8;
	[tilespmem:$0x1C480] =	vst v63  }
0x15f: {  	_ =	swait.ge @!p0 [sflag:s2], $0x4000  }
0x160: {  	s30 =	sadd.s32 $0x40, s30;
	[sflag:s2] =	ssyncset.done @!p0 $0x0  }
0x161: {  	s0 =	sand.u32 $0x200, s30  }
0x162: {  	[sflag:s2] =	ssyncadd.s32 @!p0 $0xFFFFC000;
	s0 =	sor.u32 s29, s0  }
0x163: {  	v1 =	vld [tilespmem:s0+$0x0];
	_ =	sdelay $0x4  }
0x164: {  	vm0 =	veq.s32 v1, $0x1  }
0x165: {  	v2 =	vsel vm0, $0x1, v0  }
0x166: {  	(xrf0) =	vadd.scan.msk.s32 $0xffff, v2;
	_ =	sdelay $0x5  }
0x167: {  	v2, _, _ =	vpop (xrf0)  }
0x168: {  	(v2sf) =	vpush v2, $0xF;
	_ =	sdelay $0xe  }
0x169: {  	s30 =	spop (v2sf)  }
0x16a: {  	p0 =	slt.s32 s30, $0x1  }
0x16b: {  	vm0 =	veq.s32 @!p0 v1, $0x1  }
0x16c: {  	v1 =	vmctz.xlane @!p0 vm0  }
0x16d: {  	v2 =	vlaneseq.u32 @!p0;
	s0 =	sadd.s32 @!p0 s7, s4  }
0x16e: {  	v3 =	vor.u32 @!p0 s0, v2;
	v1 =	vadd.s32 @!p0 s0, v1  }
0x16f: {  	v1 =	vsel @!p0 vm0, v3, v1  }
0x170: {  	v3 =	vshll.u32 @!p0 v1, $0x3  }
0x171: {  	v4 =	vand.u32 @!p0 $0x7, v1;
	v3 =	vand.u32 @!p0 $0xFFFFFFC0, v3  }
0x172: {  	v5 =	vand.u32 @!p0 $0x7, v2;
	v6 =	vshrl.u32 @!p0 v2, $0x3;
	v3 =	vor.u32 @!p0 v4, v3  }
0x173: {  	v4 =	vperm.xlane @!p0 v3, v5;
	v5 =	vmul.u32 @!p0 $0x8, v6;
	_ =	sdelay $0x1  }
0x174: {  	v4 =	vadd.s32 @!p0 v5, v4;
	_ =	sdelay $0x3  }
0x175: {  	s2 =	simm.s32 @!p0 $0x18400;
	s0 =	simm.s32 @!p0 $0x0;
	vm0 =	vmmov @!p0 $0xffff;
	[tilespmem:$0x1C400] =	vst @!p0 v1  }
0x176: {  	v1 =	vor.u32 @!p0 $0x8, v2;
	[hbm4b:s1+s0] =	stream.indirect_vreg.scatter @!p0 [tilespmem:s2], [sflag:$0x7], $0x80, v4, vm0, $0xb8;
	[tilespmem:$0x1C480] =	vst v63  }
0x177: {  	v1 =	vperm.xlane @!p0 v3, v1;
	s2 =	simm.s32 @!p0 $0x18C00  }
0x178: {  	[hbm4b:s5+s0] =	stream.indirect_vreg.scatter @!p0 [tilespmem:s2], [sflag:$0x7], $0x80, v4, vm0, $0xb8;
	[tilespmem:$0x1C480] =	vst v63  }
0x179: {  	v1 =	vadd.s32 @!p0 v5, v1;
	s2 =	simm.s32 @!p0 $0x19400  }
0x17a: {  	[hbm4b:s11+s0] =	stream.indirect_vreg.scatter @!p0 [tilespmem:s2], [sflag:$0x7], $0x80, v4, vm0, $0xb8;
	[tilespmem:$0x1C480] =	vst v63  }
0x17b: {  	s2 =	simm.s32 @!p0 $0x19C00  }
0x17c: {  	[hbm4b:s6+s0] =	stream.indirect_vreg.scatter @!p0 [tilespmem:s2], [sflag:$0x7], $0x80, v4, vm0, $0xb8;
	[tilespmem:$0x1C480] =	vst v63  }
0x17d: {  	s2 =	simm.s32 @!p0 $0x1A400  }
0x17e: {  	[hbm4b:s1+s0] =	stream.indirect_vreg.scatter @!p0 [tilespmem:s2], [sflag:$0x7], $0x80, v1, vm0, $0xb8;
	[tilespmem:$0x1C480] =	vst v63  }
0x17f: {  	s2 =	simm.s32 @!p0 $0x1AC00  }
0x180: {  	[hbm4b:s5+s0] =	stream.indirect_vreg.scatter @!p0 [tilespmem:s2], [sflag:$0x7], $0x80, v1, vm0, $0xb8;
	[tilespmem:$0x1C480] =	vst v63  }
0x181: {  	p1 =	por $0x1, $0x1;
	s2 =	simm.s32 @!p0 $0x1B400  }
0x182: {  	[hbm4b:s11+s0] =	stream.indirect_vreg.scatter @!p0 [tilespmem:s2], [sflag:$0x7], $0x80, v1, vm0, $0xb8;
	[tilespmem:$0x1C480] =	vst v63  }
.Ltmp1:
0x183: {  	s7 =	simm.s32 @!p0 $0x7;
	s2 =	simm.s32 @!p0 $0x1BC00;
	(pc) =	sbr.rel @!p1 .LBB2_4-.Ltmp1, $4  }
0x184: {  	[hbm4b:s6+s0] =	stream.indirect_vreg.scatter @!p0 [tilespmem:s2], [sflag:$0x7], $0x80, v1, vm0, $0xb8;
	[tilespmem:$0x1C480] =	vst v63  }
0x185: {  	s29 =	simm.s32 $0x0;
	_ =	swait.ge @!p0 [sflag:s7], $0x4000  }
0x186: {  	s31 =	sand.u32 $0x70, s29;
	[sflag:s7] =	ssyncset.done @!p0 $0x0  }
0x187: {  	[sflag:s7] =	ssyncadd.s32 @!p0 $0xFFFFC000;
	s7 =	simm.s32 $0x10;
	p0 =	por $0x0, $0x0  }
0x188: {  	s0 =	sand.u32 $0x200, s29  }
0x189: {  	s0 =	sor.u32 s31, s0  }
0x18a: {  	v1 =	vld [tilespmem:s0+$0x80];
	_ =	sdelay $0x4  }
0x18b: {  	vm0 =	veq.s32 v1, $0x1  }
0x18c: {  	v2 =	vsel vm0, $0x1, v0  }
0x18d: {  	(xrf0) =	vadd.scan.msk.s32 $0xffff, v2;
	_ =	sdelay $0x5  }
0x18e: {  	v2, _, _ =	vpop (xrf0)  }
0x18f: {  	(v2sf) =	vpush v2, $0xF;
	_ =	sdelay $0xe  }
0x190: {  	s15 =	spop (v2sf)  }
0x191: {  	p1 =	slt.s32 s15, $0x1  }
0x192: {  	vm0 =	veq.s32 @!p1 v1, $0x1  }
0x193: {  	v1 =	vmctz.xlane @!p1 vm0  }
0x194: {  	v2 =	vlaneseq.u32 @!p1;
	s0 =	sadd.s32 @!p1 $0x0, s8  }
0x195: {  	v3 =	vor.u32 @!p1 s0, v2;
	v1 =	vadd.s32 @!p1 s0, v1  }
0x196: {  	v1 =	vsel @!p1 vm0, v3, v1  }
0x197: {  	v3 =	vshll.u32 @!p1 v1, $0x3  }
0x198: {  	v4 =	vand.u32 @!p1 $0x7, v1;
	v3 =	vand.u32 @!p1 $0xFFFFFFC0, v3  }
0x199: {  	v5 =	vand.u32 @!p1 $0x7, v2;
	v6 =	vshrl.u32 @!p1 v2, $0x3;
	v3 =	vor.u32 @!p1 v4, v3  }
0x19a: {  	v4 =	vperm.xlane @!p1 v3, v5;
	v5 =	vmul.u32 @!p1 $0x8, v6;
	_ =	sdelay $0x1  }
0x19b: {  	v4 =	vadd.s32 @!p1 v5, v4;
	_ =	sdelay $0x3  }
0x19c: {  	s2 =	simm.s32 @!p1 $0x18400;
	s0 =	simm.s32 @!p1 $0x0;
	vm0 =	vmmov @!p1 $0xffff;
	[tilespmem:$0x1C400] =	vst @!p1 v1  }
0x19d: {  	v1 =	vor.u32 @!p1 $0x8, v2;
	[hbm4b:s1+s0] =	stream.indirect_vreg.scatter @!p1 [tilespmem:s2], [sflag:$0x7], $0x80, v4, vm0, $0xb8;
	[tilespmem:$0x1C480] =	vst v63  }
0x19e: {  	v1 =	vperm.xlane @!p1 v3, v1;
	s2 =	simm.s32 @!p1 $0x18C00  }
0x19f: {  	[hbm4b:s5+s0] =	stream.indirect_vreg.scatter @!p1 [tilespmem:s2], [sflag:$0x7], $0x80, v4, vm0, $0xb8;
	[tilespmem:$0x1C480] =	vst v63  }
0x1a0: {  	v1 =	vadd.s32 @!p1 v5, v1;
	s2 =	simm.s32 @!p1 $0x19400  }
0x1a1: {  	[hbm4b:s11+s0] =	stream.indirect_vreg.scatter @!p1 [tilespmem:s2], [sflag:$0x7], $0x80, v4, vm0, $0xb8;
	[tilespmem:$0x1C480] =	vst v63  }
0x1a2: {  	s2 =	simm.s32 @!p1 $0x19C00  }
0x1a3: {  	[hbm4b:s6+s0] =	stream.indirect_vreg.scatter @!p1 [tilespmem:s2], [sflag:$0x7], $0x80, v4, vm0, $0xb8;
	[tilespmem:$0x1C480] =	vst v63  }
0x1a4: {  	s2 =	simm.s32 @!p1 $0x1A400  }
0x1a5: {  	[hbm4b:s1+s0] =	stream.indirect_vreg.scatter @!p1 [tilespmem:s2], [sflag:$0x7], $0x80, v1, vm0, $0xb8;
	[tilespmem:$0x1C480] =	vst v63  }
0x1a6: {  	s2 =	simm.s32 @!p1 $0x1AC00  }
0x1a7: {  	[hbm4b:s5+s0] =	stream.indirect_vreg.scatter @!p1 [tilespmem:s2], [sflag:$0x7], $0x80, v1, vm0, $0xb8;
	[tilespmem:$0x1C480] =	vst v63  }
0x1a8: {  	p2 =	por $0x1, $0x1;
	s2 =	simm.s32 @!p1 $0x1B400  }
0x1a9: {  	[hbm4b:s11+s0] =	stream.indirect_vreg.scatter @!p1 [tilespmem:s2], [sflag:$0x7], $0x80, v1, vm0, $0xb8;
	[tilespmem:$0x1C480] =	vst v63  }
.Ltmp2:
0x1aa: {  	_ = 	snop;
	(pc) =	sbr.rel @!p2 .LBB2_7-.Ltmp2, $4  }
0x1ab: {  	s12 =	simm.s32 @!p1 $0x1BC00;
	s2 =	simm.s32 @!p1 $0x7  }
0x1ac: {  	[hbm4b:s6+s0] =	stream.indirect_vreg.scatter @!p1 [tilespmem:s12], [sflag:$0x7], $0x80, v1, vm0, $0xb8;
	[tilespmem:$0x1C480] =	vst v63  }
0x1ad: {  	s30 =	simm.s32 $0x40;
	p0 =	por $0x1, $0x1;
	_ =	swait.ge @!p1 [sflag:s2], $0x4000  }
0x1ae: {  	s31 =	sand.u32 $0x70, s7;
	s0 =	simm.s32 $0x20;
	[sflag:s2] =	ssyncset.done @!p1 $0x0  }
.LBB2_6:
0x1af: {  	s12 =	sand.u32 $0x70, s0  }
0x1b0: {  	s14 =	sand.u32 $0x200, s30;
	[sflag:s2] =	ssyncadd.s32 @!p1 $0xFFFFC000;
	s2 =	smov.u32 s0  }
0x1b1: {  	s0 =	sadd.s32 $0x10, s0;
	s14 =	sor.u32 s31, s14;
	s31 =	smov.u32 s12  }
0x1b2: {  	p2 =	sne.s32 s0, $0x100;
	v1 =	vld [tilespmem:s14+$0x80];
	_ =	sdelay $0x4  }
0x1b3: {  	vm0 =	veq.s32 v1, $0x1  }
0x1b4: {  	v2 =	vsel vm0, $0x1, v0  }
0x1b5: {  	(xrf0) =	vadd.scan.msk.s32 $0xffff, v2;
	_ =	sdelay $0x5  }
0x1b6: {  	v2, _, _ =	vpop (xrf0)  }
0x1b7: {  	(v2sf) =	vpush v2, $0xF;
	_ =	sdelay $0xe  }
0x1b8: {  	s12 =	spop (v2sf)  }
0x1b9: {  	p1 =	slt.s32 s12, $0x1  }
0x1ba: {  	vm0 =	veq.s32 @!p1 v1, $0x1;
	v1 =	vlaneseq.u32 @!p1;
	s12 =	simm.s32 @!p1 $0x19400;
	s14 =	simm.s32 @!p1 $0x19C00  }
0x1bb: {  	v2 =	vmctz.xlane @!p1 vm0;
	v3 =	vand.u32 @!p1 $0x7, v1;
	v4 =	vshrl.u32 @!p1 v1, $0x3  }
0x1bc: {  	s15 =	sadd.s32 @!p1 s7, s8;
	s7 =	smov.u32 s2  }
0x1bd: {  	v5 =	vor.u32 @!p1 s15, v1;
	v2 =	vadd.s32 @!p1 s15, v2  }
0x1be: {  	v2 =	vsel @!p1 vm0, v5, v2  }
0x1bf: {  	v5 =	vand.u32 @!p1 $0x7, v2;
	v6 =	vshll.u32 @!p1 v2, $0x3  }
0x1c0: {  	v6 =	vand.u32 @!p1 $0xFFFFFFC0, v6  }
0x1c1: {  	v1 =	vor.u32 @!p1 $0x8, v1;
	v5 =	vor.u32 @!p1 v5, v6  }
0x1c2: {  	v4 =	vmul.u32 @!p1 $0x8, v4;
	v3 =	vperm.xlane @!p1 v5, v3;
	v1 =	vperm.xlane @!p1 v5, v1;
	_ =	sdelay $0x1  }
0x1c3: {  	v3 =	vadd.s32 @!p1 v4, v3;
	_ =	sdelay $0x3  }
0x1c4: {  	s2 =	simm.s32 @!p1 $0x18400;
	s15 =	simm.s32 @!p1 $0x0;
	vm0 =	vmmov @!p1 $0xffff;
	[tilespmem:$0x1C400] =	vst @!p1 v2  }
0x1c5: {  	[hbm4b:s1+s15] =	stream.indirect_vreg.scatter @!p1 [tilespmem:s2], [sflag:$0x7], $0x80, v3, vm0, $0xb8;
	[tilespmem:$0x1C480] =	vst v63  }
0x1c6: {  	s2 =	simm.s32 @!p1 $0x18C00  }
0x1c7: {  	[hbm4b:s5+s15] =	stream.indirect_vreg.scatter @!p1 [tilespmem:s2], [sflag:$0x7], $0x80, v3, vm0, $0xb8;
	[tilespmem:$0x1C480] =	vst v63  }
0x1c8: {  	v1 =	vadd.s32 @!p1 v4, v1  }
0x1c9: {  	[hbm4b:s11+s15] =	stream.indirect_vreg.scatter @!p1 [tilespmem:s12], [sflag:$0x7], $0x80, v3, vm0, $0xb8;
	[tilespmem:$0x1C480] =	vst v63  }
0x1ca: {  	_ = 	snop  }
0x1cb: {  	[hbm4b:s6+s15] =	stream.indirect_vreg.scatter @!p1 [tilespmem:s14], [sflag:$0x7], $0x80, v3, vm0, $0xb8;
	[tilespmem:$0x1C480] =	vst v63  }
0x1cc: {  	s2 =	simm.s32 @!p1 $0x1A400  }
0x1cd: {  	[hbm4b:s1+s15] =	stream.indirect_vreg.scatter @!p1 [tilespmem:s2], [sflag:$0x7], $0x80, v1, vm0, $0xb8;
	[tilespmem:$0x1C480] =	vst v63  }
0x1ce: {  	s2 =	simm.s32 @!p1 $0x1AC00  }
0x1cf: {  	[hbm4b:s5+s15] =	stream.indirect_vreg.scatter @!p1 [tilespmem:s2], [sflag:$0x7], $0x80, v1, vm0, $0xb8;
	[tilespmem:$0x1C480] =	vst v63  }
0x1d0: {  	s2 =	simm.s32 @!p1 $0x1B400  }
0x1d1: {  	[hbm4b:s11+s15] =	stream.indirect_vreg.scatter @!p1 [tilespmem:s2], [sflag:$0x7], $0x80, v1, vm0, $0xb8;
	[tilespmem:$0x1C480] =	vst v63  }
.Ltmp3:
0x1d2: {  	_ = 	snop;
	(pc) =	sbr.rel @p2 .LBB2_6-.Ltmp3, $4  }
0x1d3: {  	s12 =	simm.s32 @!p1 $0x1BC00;
	s2 =	simm.s32 @!p1 $0x7  }
0x1d4: {  	[hbm4b:s6+s15] =	stream.indirect_vreg.scatter @!p1 [tilespmem:s12], [sflag:$0x7], $0x80, v1, vm0, $0xb8;
	[tilespmem:$0x1C480] =	vst v63  }
0x1d5: {  	_ =	swait.ge @!p1 [sflag:s2], $0x4000  }
0x1d6: {  	s30 =	sadd.s32 $0x40, s30;
	[sflag:s2] =	ssyncset.done @!p1 $0x0  }
.LBB2_7:
0x1d7: {  	s0 =	sand.u32 $0x200, s30;
	p0 =	por p1, !p0  }
0x1d8: {  	[sflag:s2] =	ssyncadd.s32 @!p0 $0xFFFFC000;
	s0 =	sor.u32 s31, s0  }
0x1d9: {  	v1 =	vld [tilespmem:s0+$0x80];
	_ =	sdelay $0x4  }
0x1da: {  	vm0 =	veq.s32 v1, $0x1  }
0x1db: {  	v2 =	vsel vm0, $0x1, v0  }
0x1dc: {  	(xrf0) =	vadd.scan.msk.s32 $0xffff, v2;
	_ =	sdelay $0x5  }
0x1dd: {  	v2, _, _ =	vpop (xrf0)  }
0x1de: {  	(v2sf) =	vpush v2, $0xF;
	_ =	sdelay $0xe  }
0x1df: {  	s31 =	spop (v2sf)  }
0x1e0: {  	p0 =	slt.s32 s31, $0x1  }
0x1e1: {  	vm0 =	veq.s32 @!p0 v1, $0x1  }
0x1e2: {  	v1 =	vmctz.xlane @!p0 vm0  }
0x1e3: {  	v2 =	vlaneseq.u32 @!p0;
	s0 =	sadd.s32 @!p0 s7, s8  }
0x1e4: {  	v3 =	vor.u32 @!p0 s0, v2;
	v1 =	vadd.s32 @!p0 s0, v1  }
0x1e5: {  	v1 =	vsel @!p0 vm0, v3, v1  }
0x1e6: {  	v3 =	vshll.u32 @!p0 v1, $0x3  }
0x1e7: {  	v4 =	vand.u32 @!p0 $0x7, v1;
	v3 =	vand.u32 @!p0 $0xFFFFFFC0, v3  }
0x1e8: {  	v5 =	vand.u32 @!p0 $0x7, v2;
	v6 =	vshrl.u32 @!p0 v2, $0x3;
	v3 =	vor.u32 @!p0 v4, v3  }
0x1e9: {  	v4 =	vperm.xlane @!p0 v3, v5;
	v5 =	vmul.u32 @!p0 $0x8, v6;
	_ =	sdelay $0x1  }
0x1ea: {  	v4 =	vadd.s32 @!p0 v5, v4;
	_ =	sdelay $0x3  }
0x1eb: {  	s2 =	simm.s32 @!p0 $0x18400;
	s0 =	simm.s32 @!p0 $0x0;
	vm0 =	vmmov @!p0 $0xffff;
	[tilespmem:$0x1C400] =	vst @!p0 v1  }
0x1ec: {  	v1 =	vor.u32 @!p0 $0x8, v2;
	[hbm4b:s1+s0] =	stream.indirect_vreg.scatter @!p0 [tilespmem:s2], [sflag:$0x7], $0x80, v4, vm0, $0xb8;
	[tilespmem:$0x1C480] =	vst v63  }
0x1ed: {  	v1 =	vperm.xlane @!p0 v3, v1;
	s2 =	simm.s32 @!p0 $0x18C00  }
0x1ee: {  	[hbm4b:s5+s0] =	stream.indirect_vreg.scatter @!p0 [tilespmem:s2], [sflag:$0x7], $0x80, v4, vm0, $0xb8;
	[tilespmem:$0x1C480] =	vst v63  }
0x1ef: {  	v1 =	vadd.s32 @!p0 v5, v1;
	s2 =	simm.s32 @!p0 $0x19400  }
0x1f0: {  	[hbm4b:s11+s0] =	stream.indirect_vreg.scatter @!p0 [tilespmem:s2], [sflag:$0x7], $0x80, v4, vm0, $0xb8;
	[tilespmem:$0x1C480] =	vst v63  }
0x1f1: {  	s2 =	simm.s32 @!p0 $0x19C00  }
0x1f2: {  	[hbm4b:s6+s0] =	stream.indirect_vreg.scatter @!p0 [tilespmem:s2], [sflag:$0x7], $0x80, v4, vm0, $0xb8;
	[tilespmem:$0x1C480] =	vst v63  }
0x1f3: {  	s2 =	simm.s32 @!p0 $0x1A400  }
0x1f4: {  	[hbm4b:s1+s0] =	stream.indirect_vreg.scatter @!p0 [tilespmem:s2], [sflag:$0x7], $0x80, v1, vm0, $0xb8;
	[tilespmem:$0x1C480] =	vst v63  }
0x1f5: {  	s2 =	simm.s32 @!p0 $0x1AC00  }
0x1f6: {  	[hbm4b:s5+s0] =	stream.indirect_vreg.scatter @!p0 [tilespmem:s2], [sflag:$0x7], $0x80, v1, vm0, $0xb8;
	[tilespmem:$0x1C480] =	vst v63  }
0x1f7: {  	s2 =	simm.s32 @!p0 $0x1B400  }
0x1f8: {  	[hbm4b:s11+s0] =	stream.indirect_vreg.scatter @!p0 [tilespmem:s2], [sflag:$0x7], $0x80, v1, vm0, $0xb8;
	[tilespmem:$0x1C480] =	vst v63  }
0x1f9: {  	s7 =	simm.s32 @!p0 $0x7;
	s2 =	simm.s32 @!p0 $0x1BC00  }
0x1fa: {  	[hbm4b:s6+s0] =	stream.indirect_vreg.scatter @!p0 [tilespmem:s2], [sflag:$0x7], $0x80, v1, vm0, $0xb8;
	[tilespmem:$0x1C480] =	vst v63  }
0x1fb: {  	_ =	swait.ge @!p0 [sflag:s7], $0x4000  }
0x1fc: {  	[sflag:s7] =	ssyncset.done @!p0 $0x0  }
0x1fd: {  	s0 =	simm.s32 $0x0;
	[sflag:s7] =	ssyncadd.s32 @!p0 $0xFFFFC000  }
.LBB2_8:
0x1fe: {  	s2 =	sand.u32 $0x70, s0;
	s7 =	sand.u32 $0x200, s29  }
0x1ff: {  	s2 =	sor.u32 s2, s7  }
0x200: {  	v1 =	vld [tilespmem:s2+$0x100];
	_ =	sdelay $0x4  }
0x201: {  	vm0 =	veq.s32 v1, $0x1  }
0x202: {  	v2 =	vsel vm0, $0x1, v0  }
0x203: {  	(xrf0) =	vadd.scan.msk.s32 $0xffff, v2;
	_ =	sdelay $0x5  }
0x204: {  	v2, _, _ =	vpop (xrf0)  }
0x205: {  	(v2sf) =	vpush v2, $0xF;
	_ =	sdelay $0xe  }
0x206: {  	s31 =	spop (v2sf)  }
0x207: {  	p0 =	slt.s32 s31, $0x1  }
0x208: {  	vm0 =	veq.s32 @!p0 v1, $0x1  }
0x209: {  	v1 =	vmctz.xlane @!p0 vm0  }
0x20a: {  	s2 =	sadd.s32 @!p0 s0, s9;
	v2 =	vlaneseq.u32 @!p0  }
0x20b: {  	v3 =	vor.u32 @!p0 s2, v2;
	v1 =	vadd.s32 @!p0 s2, v1  }
0x20c: {  	v1 =	vsel @!p0 vm0, v3, v1  }
0x20d: {  	v3 =	vshll.u32 @!p0 v1, $0x3  }
0x20e: {  	v4 =	vand.u32 @!p0 $0x7, v1;
	v3 =	vand.u32 @!p0 $0xFFFFFFC0, v3  }
0x20f: {  	v5 =	vshrl.u32 @!p0 v2, $0x3;
	v3 =	vor.u32 @!p0 v4, v3;
	v4 =	vand.u32 @!p0 $0x7, v2  }
0x210: {  	v5 =	vmul.u32 @!p0 $0x8, v5;
	v4 =	vperm.xlane @!p0 v3, v4;
	_ =	sdelay $0x1  }
0x211: {  	v4 =	vadd.s32 @!p0 v5, v4;
	_ =	sdelay $0x3  }
0x212: {  	s7 =	simm.s32 @!p0 $0x18400;
	s2 =	simm.s32 @!p0 $0x0;
	vm0 =	vmmov @!p0 $0xffff;
	[tilespmem:$0x1C400] =	vst @!p0 v1  }
0x213: {  	v1 =	vor.u32 @!p0 $0x8, v2;
	[hbm4b:s1+s2] =	stream.indirect_vreg.scatter @!p0 [tilespmem:s7], [sflag:$0x7], $0x80, v4, vm0, $0xb8;
	[tilespmem:$0x1C480] =	vst v63  }
0x214: {  	v1 =	vperm.xlane @!p0 v3, v1;
	s7 =	simm.s32 @!p0 $0x18C00  }
0x215: {  	[hbm4b:s5+s2] =	stream.indirect_vreg.scatter @!p0 [tilespmem:s7], [sflag:$0x7], $0x80, v4, vm0, $0xb8;
	[tilespmem:$0x1C480] =	vst v63  }
0x216: {  	v1 =	vadd.s32 @!p0 v5, v1;
	s7 =	simm.s32 @!p0 $0x19400  }
0x217: {  	[hbm4b:s11+s2] =	stream.indirect_vreg.scatter @!p0 [tilespmem:s7], [sflag:$0x7], $0x80, v4, vm0, $0xb8;
	[tilespmem:$0x1C480] =	vst v63  }
0x218: {  	s7 =	simm.s32 @!p0 $0x19C00  }
0x219: {  	[hbm4b:s6+s2] =	stream.indirect_vreg.scatter @!p0 [tilespmem:s7], [sflag:$0x7], $0x80, v4, vm0, $0xb8;
	[tilespmem:$0x1C480] =	vst v63  }
0x21a: {  	s7 =	simm.s32 @!p0 $0x1A400  }
0x21b: {  	[hbm4b:s1+s2] =	stream.indirect_vreg.scatter @!p0 [tilespmem:s7], [sflag:$0x7], $0x80, v1, vm0, $0xb8;
	[tilespmem:$0x1C480] =	vst v63  }
0x21c: {  	s7 =	simm.s32 @!p0 $0x1AC00  }
0x21d: {  	[hbm4b:s5+s2] =	stream.indirect_vreg.scatter @!p0 [tilespmem:s7], [sflag:$0x7], $0x80, v1, vm0, $0xb8;
	[tilespmem:$0x1C480] =	vst v63  }
0x21e: {  	s0 =	sadd.s32 $0x10, s0;
	s7 =	simm.s32 @!p0 $0x1B400  }
0x21f: {  	[hbm4b:s11+s2] =	stream.indirect_vreg.scatter @!p0 [tilespmem:s7], [sflag:$0x7], $0x80, v1, vm0, $0xb8;
	[tilespmem:$0x1C480] =	vst v63  }
0x220: {  	p1 =	sne.s32 s0, $0x100;
	s7 =	simm.s32 @!p0 $0x1BC00  }
0x221: {  	[hbm4b:s6+s2] =	stream.indirect_vreg.scatter @!p0 [tilespmem:s7], [sflag:$0x7], $0x80, v1, vm0, $0xb8;
	[tilespmem:$0x1C480] =	vst v63  }
.Ltmp4:
0x222: {  	_ = 	snop;
	(pc) =	sbr.rel @p1 .LBB2_8-.Ltmp4, $4  }
0x223: {  	s2 =	simm.s32 @!p0 $0x7  }
0x224: {  	_ =	swait.ge @!p0 [sflag:s2], $0x4000  }
0x225: {  	[sflag:s2] =	ssyncset.done @!p0 $0x0  }
0x226: {  	s29 =	sadd.s32 $0x40, s29;
	[sflag:s2] =	ssyncadd.s32 @!p0 $0xFFFFC000  }
0x227: {  	s0 =	simm.s32 $0x0  }
0x228: {  	s2 =	sand.u32 $0x70, s0;
	s0 =	sand.u32 $0x200, s0  }
0x229: {  	s0 =	sor.u32 s2, s0  }
0x22a: {  	v1 =	vld [tilespmem:s0+$0x180];
	_ =	sdelay $0x4  }
0x22b: {  	vm0 =	veq.s32 v1, $0x1  }
0x22c: {  	v2 =	vsel vm0, $0x1, v0  }
0x22d: {  	(xrf0) =	vadd.scan.msk.s32 $0xffff, v2;
	_ =	sdelay $0x5  }
0x22e: {  	v2, _, _ =	vpop (xrf0)  }
0x22f: {  	(v2sf) =	vpush v2, $0xF;
	_ =	sdelay $0xe  }
0x230: {  	s31 =	spop (v2sf)  }
0x231: {  	p0 =	slt.s32 s31, $0x1  }
0x232: {  	vm0 =	veq.s32 @!p0 v1, $0x1  }
0x233: {  	v1 =	vmctz.xlane @!p0 vm0  }
0x234: {  	v2 =	vlaneseq.u32 @!p0;
	s0 =	sadd.s32 @!p0 $0x0, s10  }
0x235: {  	v3 =	vor.u32 @!p0 s0, v2;
	v1 =	vadd.s32 @!p0 s0, v1  }
0x236: {  	v1 =	vsel @!p0 vm0, v3, v1  }
0x237: {  	v3 =	vshll.u32 @!p0 v1, $0x3  }
0x238: {  	v4 =	vand.u32 @!p0 $0x7, v1;
	v3 =	vand.u32 @!p0 $0xFFFFFFC0, v3  }
0x239: {  	v5 =	vand.u32 @!p0 $0x7, v2;
	v6 =	vshrl.u32 @!p0 v2, $0x3;
	v3 =	vor.u32 @!p0 v4, v3  }
0x23a: {  	v4 =	vperm.xlane @!p0 v3, v5;
	v5 =	vmul.u32 @!p0 $0x8, v6;
	_ =	sdelay $0x1  }
0x23b: {  	v4 =	vadd.s32 @!p0 v5, v4;
	_ =	sdelay $0x3  }
0x23c: {  	s2 =	simm.s32 @!p0 $0x18400;
	s0 =	simm.s32 @!p0 $0x0;
	vm0 =	vmmov @!p0 $0xffff;
	[tilespmem:$0x1C400] =	vst @!p0 v1  }
0x23d: {  	v1 =	vor.u32 @!p0 $0x8, v2;
	[hbm4b:s1+s0] =	stream.indirect_vreg.scatter @!p0 [tilespmem:s2], [sflag:$0x7], $0x80, v4, vm0, $0xb8;
	[tilespmem:$0x1C480] =	vst v63  }
0x23e: {  	v1 =	vperm.xlane @!p0 v3, v1;
	s2 =	simm.s32 @!p0 $0x18C00  }
0x23f: {  	[hbm4b:s5+s0] =	stream.indirect_vreg.scatter @!p0 [tilespmem:s2], [sflag:$0x7], $0x80, v4, vm0, $0xb8;
	[tilespmem:$0x1C480] =	vst v63  }
0x240: {  	v1 =	vadd.s32 @!p0 v5, v1;
	s2 =	simm.s32 @!p0 $0x19400  }
0x241: {  	[hbm4b:s11+s0] =	stream.indirect_vreg.scatter @!p0 [tilespmem:s2], [sflag:$0x7], $0x80, v4, vm0, $0xb8;
	[tilespmem:$0x1C480] =	vst v63  }
0x242: {  	s2 =	simm.s32 @!p0 $0x19C00  }
0x243: {  	[hbm4b:s6+s0] =	stream.indirect_vreg.scatter @!p0 [tilespmem:s2], [sflag:$0x7], $0x80, v4, vm0, $0xb8;
	[tilespmem:$0x1C480] =	vst v63  }
0x244: {  	s2 =	simm.s32 @!p0 $0x1A400  }
0x245: {  	[hbm4b:s1+s0] =	stream.indirect_vreg.scatter @!p0 [tilespmem:s2], [sflag:$0x7], $0x80, v1, vm0, $0xb8;
	[tilespmem:$0x1C480] =	vst v63  }
0x246: {  	s2 =	simm.s32 @!p0 $0x1AC00  }
0x247: {  	[hbm4b:s5+s0] =	stream.indirect_vreg.scatter @!p0 [tilespmem:s2], [sflag:$0x7], $0x80, v1, vm0, $0xb8;
	[tilespmem:$0x1C480] =	vst v63  }
0x248: {  	s2 =	simm.s32 @!p0 $0x1B400  }
0x249: {  	[hbm4b:s11+s0] =	stream.indirect_vreg.scatter @!p0 [tilespmem:s2], [sflag:$0x7], $0x80, v1, vm0, $0xb8;
	[tilespmem:$0x1C480] =	vst v63  }
0x24a: {  	s12 =	simm.s32 @!p0 $0x1BC00;
	s2 =	simm.s32 @!p0 $0x7  }
0x24b: {  	[hbm4b:s6+s0] =	stream.indirect_vreg.scatter @!p0 [tilespmem:s12], [sflag:$0x7], $0x80, v1, vm0, $0xb8;
	[tilespmem:$0x1C480] =	vst v63  }
0x24c: {  	s7 =	simm.s32 $0x10;
	s30 =	simm.s32 $0x40;
	_ =	swait.ge @!p0 [sflag:s2], $0x4000  }
0x24d: {  	s29 =	sand.u32 $0x70, s7;
	s0 =	simm.s32 $0x20;
	[sflag:s2] =	ssyncset.done @!p0 $0x0  }
.LBB2_10:
0x24e: {  	s12 =	sand.u32 $0x70, s0  }
0x24f: {  	s14 =	sand.u32 $0x200, s30;
	[sflag:s2] =	ssyncadd.s32 @!p0 $0xFFFFC000;
	s2 =	smov.u32 s0  }
0x250: {  	s0 =	sadd.s32 $0x10, s0;
	s14 =	sor.u32 s29, s14;
	s29 =	smov.u32 s12  }
0x251: {  	p1 =	sne.s32 s0, $0x100;
	v1 =	vld [tilespmem:s14+$0x180];
	_ =	sdelay $0x4  }
0x252: {  	vm0 =	veq.s32 v1, $0x1  }
0x253: {  	v2 =	vsel vm0, $0x1, v0  }
0x254: {  	(xrf0) =	vadd.scan.msk.s32 $0xffff, v2;
	_ =	sdelay $0x5  }
0x255: {  	v2, _, _ =	vpop (xrf0)  }
0x256: {  	(v2sf) =	vpush v2, $0xF;
	_ =	sdelay $0xe  }
0x257: {  	s12 =	spop (v2sf)  }
0x258: {  	p0 =	slt.s32 s12, $0x1  }
0x259: {  	vm0 =	veq.s32 @!p0 v1, $0x1;
	v1 =	vlaneseq.u32 @!p0;
	s12 =	simm.s32 @!p0 $0x19400;
	s14 =	simm.s32 @!p0 $0x19C00  }
0x25a: {  	v2 =	vmctz.xlane @!p0 vm0;
	v3 =	vand.u32 @!p0 $0x7, v1;
	v4 =	vshrl.u32 @!p0 v1, $0x3  }
0x25b: {  	s15 =	sadd.s32 @!p0 s7, s10;
	s7 =	smov.u32 s2  }
0x25c: {  	v5 =	vor.u32 @!p0 s15, v1;
	v2 =	vadd.s32 @!p0 s15, v2  }
0x25d: {  	v2 =	vsel @!p0 vm0, v5, v2  }
0x25e: {  	v5 =	vand.u32 @!p0 $0x7, v2;
	v6 =	vshll.u32 @!p0 v2, $0x3  }
0x25f: {  	v6 =	vand.u32 @!p0 $0xFFFFFFC0, v6  }
0x260: {  	v1 =	vor.u32 @!p0 $0x8, v1;
	v5 =	vor.u32 @!p0 v5, v6  }
0x261: {  	v4 =	vmul.u32 @!p0 $0x8, v4;
	v3 =	vperm.xlane @!p0 v5, v3;
	v1 =	vperm.xlane @!p0 v5, v1;
	_ =	sdelay $0x1  }
0x262: {  	v3 =	vadd.s32 @!p0 v4, v3;
	_ =	sdelay $0x3  }
0x263: {  	s2 =	simm.s32 @!p0 $0x18400;
	s15 =	simm.s32 @!p0 $0x0;
	vm0 =	vmmov @!p0 $0xffff;
	[tilespmem:$0x1C400] =	vst @!p0 v2  }
0x264: {  	[hbm4b:s1+s15] =	stream.indirect_vreg.scatter @!p0 [tilespmem:s2], [sflag:$0x7], $0x80, v3, vm0, $0xb8;
	[tilespmem:$0x1C480] =	vst v63  }
0x265: {  	s2 =	simm.s32 @!p0 $0x18C00  }
0x266: {  	[hbm4b:s5+s15] =	stream.indirect_vreg.scatter @!p0 [tilespmem:s2], [sflag:$0x7], $0x80, v3, vm0, $0xb8;
	[tilespmem:$0x1C480] =	vst v63  }
0x267: {  	v1 =	vadd.s32 @!p0 v4, v1  }
0x268: {  	[hbm4b:s11+s15] =	stream.indirect_vreg.scatter @!p0 [tilespmem:s12], [sflag:$0x7], $0x80, v3, vm0, $0xb8;
	[tilespmem:$0x1C480] =	vst v63  }
0x269: {  	_ = 	snop  }
0x26a: {  	[hbm4b:s6+s15] =	stream.indirect_vreg.scatter @!p0 [tilespmem:s14], [sflag:$0x7], $0x80, v3, vm0, $0xb8;
	[tilespmem:$0x1C480] =	vst v63  }
0x26b: {  	s2 =	simm.s32 @!p0 $0x1A400  }
0x26c: {  	[hbm4b:s1+s15] =	stream.indirect_vreg.scatter @!p0 [tilespmem:s2], [sflag:$0x7], $0x80, v1, vm0, $0xb8;
	[tilespmem:$0x1C480] =	vst v63  }
0x26d: {  	s2 =	simm.s32 @!p0 $0x1AC00  }
0x26e: {  	[hbm4b:s5+s15] =	stream.indirect_vreg.scatter @!p0 [tilespmem:s2], [sflag:$0x7], $0x80, v1, vm0, $0xb8;
	[tilespmem:$0x1C480] =	vst v63  }
0x26f: {  	s2 =	simm.s32 @!p0 $0x1B400  }
0x270: {  	[hbm4b:s11+s15] =	stream.indirect_vreg.scatter @!p0 [tilespmem:s2], [sflag:$0x7], $0x80, v1, vm0, $0xb8;
	[tilespmem:$0x1C480] =	vst v63  }
.Ltmp5:
0x271: {  	_ = 	snop;
	(pc) =	sbr.rel @p1 .LBB2_10-.Ltmp5, $4  }
0x272: {  	s12 =	simm.s32 @!p0 $0x1BC00;
	s2 =	simm.s32 @!p0 $0x7  }
0x273: {  	[hbm4b:s6+s15] =	stream.indirect_vreg.scatter @!p0 [tilespmem:s12], [sflag:$0x7], $0x80, v1, vm0, $0xb8;
	[tilespmem:$0x1C480] =	vst v63  }
0x274: {  	_ =	swait.ge @!p0 [sflag:s2], $0x4000  }
0x275: {  	s30 =	sadd.s32 $0x40, s30;
	[sflag:s2] =	ssyncset.done @!p0 $0x0  }
0x276: {  	s0 =	sand.u32 $0x200, s30  }
0x277: {  	[sflag:s2] =	ssyncadd.s32 @!p0 $0xFFFFC000;
	s0 =	sor.u32 s29, s0  }
0x278: {  	v1 =	vld [tilespmem:s0+$0x180];
	_ =	sdelay $0x4  }
0x279: {  	vm0 =	veq.s32 v1, $0x1  }
0x27a: {  	v2 =	vsel vm0, $0x1, v0  }
0x27b: {  	(xrf0) =	vadd.scan.msk.s32 $0xffff, v2;
	_ =	sdelay $0x5  }
0x27c: {  	v2, _, _ =	vpop (xrf0)  }
0x27d: {  	(v2sf) =	vpush v2, $0xF;
	_ =	sdelay $0xe  }
0x27e: {  	s30 =	spop (v2sf)  }
0x27f: {  	p0 =	slt.s32 s30, $0x1  }
0x280: {  	vm0 =	veq.s32 @!p0 v1, $0x1  }
0x281: {  	v1 =	vmctz.xlane @!p0 vm0  }
0x282: {  	v2 =	vlaneseq.u32 @!p0;
	s0 =	sadd.s32 @!p0 s7, s10  }
0x283: {  	v3 =	vor.u32 @!p0 s0, v2;
	v1 =	vadd.s32 @!p0 s0, v1  }
0x284: {  	v1 =	vsel @!p0 vm0, v3, v1  }
0x285: {  	v3 =	vshll.u32 @!p0 v1, $0x3  }
0x286: {  	v4 =	vand.u32 @!p0 $0x7, v1;
	v3 =	vand.u32 @!p0 $0xFFFFFFC0, v3  }
0x287: {  	v5 =	vand.u32 @!p0 $0x7, v2;
	v6 =	vshrl.u32 @!p0 v2, $0x3;
	v3 =	vor.u32 @!p0 v4, v3  }
0x288: {  	v4 =	vperm.xlane @!p0 v3, v5;
	v5 =	vmul.u32 @!p0 $0x8, v6;
	_ =	sdelay $0x1  }
0x289: {  	v4 =	vadd.s32 @!p0 v5, v4;
	_ =	sdelay $0x3  }
0x28a: {  	s2 =	simm.s32 @!p0 $0x18400;
	s0 =	simm.s32 @!p0 $0x0;
	vm0 =	vmmov @!p0 $0xffff;
	[tilespmem:$0x1C400] =	vst @!p0 v1  }
0x28b: {  	v1 =	vor.u32 @!p0 $0x8, v2;
	[hbm4b:s1+s0] =	stream.indirect_vreg.scatter @!p0 [tilespmem:s2], [sflag:$0x7], $0x80, v4, vm0, $0xb8;
	[tilespmem:$0x1C480] =	vst v63  }
0x28c: {  	v1 =	vperm.xlane @!p0 v3, v1;
	s2 =	simm.s32 @!p0 $0x18C00  }
0x28d: {  	[hbm4b:s5+s0] =	stream.indirect_vreg.scatter @!p0 [tilespmem:s2], [sflag:$0x7], $0x80, v4, vm0, $0xb8;
	[tilespmem:$0x1C480] =	vst v63  }
0x28e: {  	v1 =	vadd.s32 @!p0 v5, v1;
	s2 =	simm.s32 @!p0 $0x19400  }
0x28f: {  	[hbm4b:s11+s0] =	stream.indirect_vreg.scatter @!p0 [tilespmem:s2], [sflag:$0x7], $0x80, v4, vm0, $0xb8;
	[tilespmem:$0x1C480] =	vst v63  }
0x290: {  	s2 =	simm.s32 @!p0 $0x19C00  }
0x291: {  	[hbm4b:s6+s0] =	stream.indirect_vreg.scatter @!p0 [tilespmem:s2], [sflag:$0x7], $0x80, v4, vm0, $0xb8;
	[tilespmem:$0x1C480] =	vst v63  }
0x292: {  	s2 =	simm.s32 @!p0 $0x1A400  }
0x293: {  	[hbm4b:s1+s0] =	stream.indirect_vreg.scatter @!p0 [tilespmem:s2], [sflag:$0x7], $0x80, v1, vm0, $0xb8;
	[tilespmem:$0x1C480] =	vst v63  }
0x294: {  	s2 =	simm.s32 @!p0 $0x1AC00  }
0x295: {  	[hbm4b:s5+s0] =	stream.indirect_vreg.scatter @!p0 [tilespmem:s2], [sflag:$0x7], $0x80, v1, vm0, $0xb8;
	[tilespmem:$0x1C480] =	vst v63  }
0x296: {  	s2 =	simm.s32 @!p0 $0x1B400  }
0x297: {  	[hbm4b:s11+s0] =	stream.indirect_vreg.scatter @!p0 [tilespmem:s2], [sflag:$0x7], $0x80, v1, vm0, $0xb8;
	[tilespmem:$0x1C480] =	vst v63  }
0x298: {  	s7 =	simm.s32 @!p0 $0x7;
	s2 =	simm.s32 @!p0 $0x1BC00  }
0x299: {  	[hbm4b:s6+s0] =	stream.indirect_vreg.scatter @!p0 [tilespmem:s2], [sflag:$0x7], $0x80, v1, vm0, $0xb8;
	[tilespmem:$0x1C480] =	vst v63  }
0x29a: {  	_ =	swait.ge @!p0 [sflag:s7], $0x4000  }
0x29b: {  	s26 =	sadd.s32 $0x1, s26;
	s31 =	rddreg [dreg:$0x19]  }
0x29c: {  	p1 =	sne.s32 s26, s31  }
.Ltmp6:
0x29d: {  	_ = 	snop;
	(pc) =	sbr.rel @p1 .LBB2_1-.Ltmp6, $4  }
.Ltmp7:
0x29e: {  	_ = 	snop;
	(pc) =	sbr.rel @!p1 .LBB2_12-.Ltmp7, $4  }
0x29f: {  	_ = 	snop  }
0x2a0: {  	[sflag:s7] =	ssyncset.done @!p0 $0x0  }
0x2a1: {  	[sflag:s7] =	ssyncadd.s32 @!p0 $0xFFFFC000  }
0x2a2: {  	_ = 	snop  }
.LBB2_4:
.Ltmp8:
0x2a3: {  	(pc) =	sbr.rel .LBB2_7-.Ltmp8, $2  }
0x2a4: {  	_ =	sdelay $0x2  }
0x2a5: {  	s30 =	simm.s32 $0x0;
	s7 =	simm.s32 $0x0  }
.LBB2_12:
0x2a6: {  	_ =	sfence.sel $0x180000  }
0x2a7: {  	[bflag:$0x0] =	sbarrier.arrive $0xFFFF  }
0x2a8: {  	_ =	strace $0x90000047  }
0x2a9: {  	s0 =	stileid.u32;
	[bflag:$0x2] =	sbarrier.arrive $0xFFFF  }
0x2aa: {  	p0 =	sne.s32 s0, $0x0;
	s0 =	rddreg [dreg:$0x2]  }
0x2ab: {  	s0 =	sadd.s32 @!p0 $0x100000, s0  }
0x2ac: {  	[sflag:s0] =	ssyncadd.tile.s32 @!p0 $0x1;
	_ =	shalt  }
.Lfunc_end2:
_tile_overlayer_lowered:
.L_overlay_start_2:
0x2ad: {  	(tag) =	ssettag $0x2  }
0x2ae: {  	s0 =	rddreg [dreg:$0x0];
	s2 =	stileid.u32  }
0x2af: {  	s1 =	rddreg [dreg:$0x1];
	p0 =	sne.s32 s2, $0x0  }
0x2b0: {  	s3 =	rddreg [dreg:$0x2];
	[bflag:$0x3] =	sbarrier.arrive $0xFFFF;
	s2 =	simm.s32 @!p0 $0x1C09  }
0x2b1: {  	[timem:s3], [sflag:s2] =	dma.local @!p0 [hbm:s0], s1  }
0x2b2: {  	s0 =	simm.s32 @!p0 $0x9  }
0x2b3: {  	_ =	swait.ge @!p0 [sflag:s0], s1  }
0x2b4: {  	s1 =	ssub.s32 @!p0 $0x0, s1;
	[sflag:s0] =	ssyncset.done @!p0 $0x0  }
0x2b5: {  	[sflag:s0] =	ssyncadd.s32 @!p0 s1  }
0x2b6: {  	[bflag:$0x3] =	sbarrier.arrive $0xFFFF  }
0x2b7: {  	_ =	shalt  }

</sc_bundles>
